<compile_context>
chip_gen: v7x
topology: tpu7x:2x2x1
jax: 0.10.2.dev20260603
libtpu: 0.0.44.dev20260713+nightly
codegen_flags: <defaults>
</compile_context>

<pallas_src>
import functools

import jax
import jax.numpy as jnp
from jax import lax
from jax.experimental import pallas as pl
from jax.experimental.pallas import tpu as pltpu
from jax.experimental.pallas import tpu_sc as plsc

NC = 2
NS = 16
NW = NC * NS
LANES = 16
GB = 8


def _fuse_tables_body(word_ref, pos_ref, out_ref):
    out_ref[...] = word_ref[...][:, None, :] + pos_ref[...][None, :, :]


def _fuse_tables(word_table, pos_table):
    V, H = word_table.shape
    L = pos_table.shape[0]
    fused = pl.pallas_call(
        _fuse_tables_body,
        out_shape=jax.ShapeDtypeStruct((V, L, H), jnp.float32),
    )(word_table, pos_table)
    return fused.reshape(V * L, H)


def _sc_gather_body(L, HH, bpt, x_hbm, flo_hbm, fhi_hbm, out_hbm,
                    idx_v, slab0lo_v, slab0hi_v, slab1lo_v, slab1hi_v,
                    sem0, sem1):
    wid = lax.axis_index("s") * NC + lax.axis_index("c")
    bbase = wid * bpt
    ngroups = bpt // GB

    pltpu.sync_copy(x_hbm.at[pl.ds(bbase * LANES, bpt * LANES)], idx_v)
    pos = lax.iota(jnp.int32, LANES) % L

    def idx_body(b, carry):
        off = b * LANES
        idx_v[pl.ds(off, LANES)] = idx_v[pl.ds(off, LANES)] * L + pos
        return carry

    lax.fori_loop(0, bpt, idx_body, 0)

    def gathers_start(grp, slab_lo, slab_hi, sem):
        for g in range(GB):
            lb = grp * GB + g
            rows = idx_v.at[pl.ds(lb * LANES, L)]
            pltpu.async_copy(flo_hbm.at[rows], slab_lo.at[g], sem)
            pltpu.async_copy(fhi_hbm.at[rows], slab_hi.at[g], sem)

    def gathers_wait(slab_lo, slab_hi, sem):
        rows = idx_v.at[pl.ds(0, L)]
        for g in range(GB):
            pltpu.make_async_copy(flo_hbm.at[rows], slab_lo.at[g], sem).wait()
            pltpu.make_async_copy(fhi_hbm.at[rows], slab_hi.at[g], sem).wait()

    def group_out(grp, slab_lo, slab_hi):
        b0 = bbase + grp * GB
        pltpu.sync_copy(slab_lo, out_hbm.at[pl.ds(b0, GB), :, pl.ds(0, HH)])
        pltpu.sync_copy(slab_hi, out_hbm.at[pl.ds(b0, GB), :, pl.ds(HH, HH)])

    gathers_start(0, slab0lo_v, slab0hi_v, sem0)

    def group_body(i, carry):
        g0 = i * 2
        gathers_start(g0 + 1, slab1lo_v, slab1hi_v, sem1)
        gathers_wait(slab0lo_v, slab0hi_v, sem0)
        group_out(g0, slab0lo_v, slab0hi_v)

        @pl.when(g0 + 2 < ngroups)
        def _():
            gathers_start(g0 + 2, slab0lo_v, slab0hi_v, sem0)

        gathers_wait(slab1lo_v, slab1hi_v, sem1)
        group_out(g0 + 1, slab1lo_v, slab1hi_v)
        return carry

    lax.fori_loop(0, ngroups // 2, group_body, 0)


def kernel(X, word_table, pos_table):
    B, L = X.shape
    V, H = word_table.shape
    N = B * L
    bpt = B // NW

    fused = _fuse_tables(word_table, pos_table)
    HH = H // 2
    fused_lo = fused[:, :HH]
    fused_hi = fused[:, HH:]
    x_flat = jnp.pad(X, ((0, 0), (0, LANES - L))).reshape(B * LANES)

    mesh = plsc.VectorSubcoreMesh(core_axis_name="c", subcore_axis_name="s")
    gather = pl.kernel(
        functools.partial(_sc_gather_body, L, HH, bpt),
        out_type=jax.ShapeDtypeStruct((B, L, H), jnp.float32),
        mesh=mesh,
        compiler_params=pltpu.CompilerParams(use_tc_tiling_on_sc=True),
        scratch_types=[
            pltpu.VMEM((bpt * LANES,), jnp.int32),
            pltpu.VMEM((GB, L, HH), jnp.float32),
            pltpu.VMEM((GB, L, HH), jnp.float32),
            pltpu.VMEM((GB, L, HH), jnp.float32),
            pltpu.VMEM((GB, L, HH), jnp.float32),
            pltpu.SemaphoreType.DMA,
            pltpu.SemaphoreType.DMA,
        ],
    )
    return gather(x_flat, fused_lo, fused_hi)

# --- scband reference (transcript-rebuilt; emitter-appended) ---
"""Pipeline reference for scband-embedding-90314572300913 (READ-ONLY COPY).

The authoritative reference and input builder live on the scoring server;
editing this copy changes nothing except your own understanding.
"""

import jax, jax.numpy as jnp
import numpy as np

NUM_HIDDENS = 256
VOCAB = 29
MAX_POS = 12
BATCH = 16384
SEQ = 12


def setup_inputs(seed: int = 0) -> dict:
    key = jax.random.key(seed)
    k1, k2, k3 = jax.random.split(key, 3)
    X = jax.random.randint(k1, (BATCH, SEQ), 0, VOCAB, dtype=jnp.int32)
    word_table = jax.random.normal(k2, (VOCAB, NUM_HIDDENS), dtype=jnp.float32)
    pos_table = jax.random.normal(k3, (MAX_POS, NUM_HIDDENS), dtype=jnp.float32)
    return {"X": X, "word_table": word_table, "pos_table": pos_table}


def reference(X, word_table, pos_table):
    # word_embedding(X)
    word_emb = jnp.take(word_table, X, axis=0)  # [B, L, H]
    # pos_embedding(pos_test[:, :X.shape[-1]])
    pos_idx = jnp.arange(MAX_POS)[: X.shape[-1]]
    pos_emb = jnp.take(pos_table, pos_idx, axis=0)[None, :, :]  # [1, L, H]
    return word_emb + pos_emb

if __name__ == "__main__":
    import jax
    _d = setup_inputs()
    print(jax.jit(kernel)(*tuple(_d.values())))

</pallas_src>

<mosaic_0001>
#map = affine_map<(d0, d1) -> (0)>
#map1 = affine_map<(d0, d1) -> (0, 0)>
#map2 = affine_map<(d0, d1) -> (0, 0, 0)>
module attributes {stable_mosaic.version = 14 : i64} {
  func.func @_sc_gather_body(%arg0: i32, %arg1: i32, %arg2: memref<262144xi32, #tpu.memory_space<hbm>>, %arg3: memref<348x128xf32, #tpu.memory_space<hbm>>, %arg4: memref<348x128xf32, #tpu.memory_space<hbm>>, %arg5: memref<16384x12x256xf32, #tpu.memory_space<hbm>>, %arg6: memref<8192xi32, #tpu.memory_space<vmem>>, %arg7: memref<8x12x128xf32, #tpu.memory_space<vmem>>, %arg8: memref<8x12x128xf32, #tpu.memory_space<vmem>>, %arg9: memref<8x12x128xf32, #tpu.memory_space<vmem>>, %arg10: memref<8x12x128xf32, #tpu.memory_space<vmem>>, %arg11: memref<!tpu.dma_semaphore, #tpu.memory_space<semaphore_mem>>, %arg12: memref<!tpu.dma_semaphore, #tpu.memory_space<semaphore_mem>>) attributes {dimension_semantics = [#tpu.dimension_semantics<core_parallel>, #tpu.dimension_semantics<subcore_parallel>], iteration_bounds = array<i64: 2, 16>, scalar_prefetch = 0 : i64, scratch_operands = 7 : i64, tpu.core_type = #tpu.core_type<sc_vector_subcore>, window_params = [{transform_indices = #map}, {transform_indices = #map1}, {transform_indices = #map1}, {transform_indices = #map2}]} {
    %mul3A = arith.constant 2 : i32
    %mul3A_0 = arith.muli %arg1, %mul3A : i32
    %add3A = arith.addi %mul3A_0, %arg0 : i32
    %mul3A_1 = arith.constant 512 : i32
    %mul3A_2 = arith.muli %add3A, %mul3A_1 : i32
    %mul3A_3 = arith.constant 16 : i32
    %mul3A_4 = arith.muli %mul3A_2, %mul3A_3 : i32
    "tpu.region"() ({
      %run_scoped3A = tpu.sem_alloc : memref<!tpu.dma_semaphore, #tpu.memory_space<semaphore_mem>>
      %dma_start3A_190 = tpu.memref_slice %arg2[%mul3A_4] : memref<262144xi32, #tpu.memory_space<hbm>> -> memref<8192xi32, #tpu.memory_space<hbm>>
      %dma_start3A_191 = tpu.memref_slice %arg2[%mul3A_4] : memref<262144xi32, #tpu.memory_space<hbm>> -> memref<8192xi32, #tpu.memory_space<hbm>>
      tpu.enqueue_dma source(%dma_start3A_191 : memref<8192xi32, #tpu.memory_space<hbm>>) target(%arg6 : memref<8192xi32, #tpu.memory_space<vmem>>) target_semaphore(%run_scoped3A : memref<!tpu.dma_semaphore, #tpu.memory_space<semaphore_mem>>)
      %dma_wait3A = tpu.memref_slice %arg2[%mul3A_4] : memref<262144xi32, #tpu.memory_space<hbm>> -> memref<8192xi32, #tpu.memory_space<hbm>>
      %dma_wait3A_192 = tpu.memref_slice %arg2[%mul3A_4] : memref<262144xi32, #tpu.memory_space<hbm>> -> memref<8192xi32, #tpu.memory_space<hbm>>
      tpu.wait_dma2 semaphore(%run_scoped3A : memref<!tpu.dma_semaphore, #tpu.memory_space<semaphore_mem>>) src(%dma_wait3A_192 : memref<8192xi32, #tpu.memory_space<hbm>>) dst(%arg6 : memref<8192xi32, #tpu.memory_space<vmem>>)
      tpu.yield
    }) : () -> ()
    %iota3A = tpu.iota {dimensions = array<i32: 0>} : vector<16xi32>
    %jit3A = arith.constant 12 : i32
    %eq3A = arith.constant 0 : i32
    %eq3A_5 = arith.cmpi eq, %jit3A, %eq3A : i32
    %jit3A_6 = arith.constant 1 : i32
    %select_n3A = arith.select %eq3A_5, %jit3A_6, %jit3A : i32
    %rem3A = vector.broadcast %select_n3A : i32 to vector<16xi32>
    %rem3A_7 = arith.remsi %iota3A, %rem3A : vector<16xi32>
    %ne3A = arith.constant 0 : i32
    %ne3A_8 = vector.broadcast %ne3A : i32 to vector<16xi32>
    %ne3A_9 = arith.cmpi ne, %rem3A_7, %ne3A_8 : vector<16xi32>
    %lt3A = arith.constant 0 : i32
    %lt3A_10 = vector.broadcast %lt3A : i32 to vector<16xi32>
    %lt3A_11 = arith.cmpi slt, %rem3A_7, %lt3A_10 : vector<16xi32>
    %lt3A_12 = arith.constant 0 : i32
    %lt3A_13 = arith.cmpi slt, %select_n3A, %lt3A_12 : i32
    %ne3A_14 = vector.broadcast %lt3A_13 : i1 to vector<16xi1>
    %ne3A_15 = vector.broadcast %ne3A_14 : vector<16xi1> to vector<16xi1>
    %ne3A_16 = arith.xori %lt3A_11, %ne3A_15 : vector<16xi1>
    %and3A = arith.andi %ne3A_16, %ne3A_9 : vector<16xi1>
    %add3A_17 = vector.broadcast %select_n3A : i32 to vector<16xi32>
    %add3A_18 = arith.addi %rem3A_7, %add3A_17 : vector<16xi32>
    %select_n3A_19 = arith.select %and3A, %add3A_18, %rem3A_7 : vector<16xi1>, vector<16xi32>
    %scan3A = arith.constant 0 : i32
    %scan3A_20 = arith.constant 0 : i32
    %scan3A_21 = arith.constant 512 : i32
    %scan3A_22 = arith.addi %scan3A_20, %scan3A_21 : i32
    %scan3A_23 = arith.constant 1 : i32
    scf.for %scan3A_190 = %scan3A_20 to %scan3A_22 step %scan3A_23  : i32 {
      %mul3A_191 = arith.constant 16 : i32
      %mul3A_192 = arith.muli %scan3A_190, %mul3A_191 : i32
      %get3A = arith.index_cast %mul3A_192 : i32 to index
      %get3A_193 = tpu.vector_load %arg6[%get3A] {strides = array<i32>} : memref<8192xi32, #tpu.memory_space<vmem>>, vector<16xi32>,
      %get3A_194 = vector.shape_cast %get3A_193 : vector<16xi32> to vector<16xi32>
      %mul3A_195 = arith.constant 12 : i32
      %mul3A_196 = vector.broadcast %mul3A_195 : i32 to vector<16xi32>
      %mul3A_197 = arith.muli %get3A_194, %mul3A_196 : vector<16xi32>
      %add3A_198 = arith.addi %mul3A_197, %select_n3A_19 : vector<16xi32>
      %swap3A = arith.index_cast %mul3A_192 : i32 to index
      %swap3A_199 = tpu.vector_load %arg6[%swap3A] {strides = array<i32>} : memref<8192xi32, #tpu.memory_space<vmem>>, vector<16xi32>,
      %swap3A_200 = vector.shape_cast %swap3A_199 : vector<16xi32> to vector<16xi32>
      %swap3A_201 = vector.shape_cast %add3A_198 : vector<16xi32> to vector<16xi32>
      tpu.vector_store %arg6[%swap3A], %swap3A_201 {strides = array<i32>} : memref<8192xi32, #tpu.memory_space<vmem>>, vector<16xi32>,
    }
    %scan3A_24 = arith.constant 512 : i32
    %dma_start3A = arith.constant 0 : i32
    %dma_start3A_25 = arith.constant 0 : i32
    %dma_start3A_26 = arith.constant 0 : i32
    %dma_start3A_27 = tpu.memref_slice %arg7[%dma_start3A, %dma_start3A_25, %dma_start3A_26] : memref<8x12x128xf32, #tpu.memory_space<vmem>> -> memref<1x12x128xf32, #tpu.memory_space<vmem>>
    %dma_start3A_28 = tpu.memref_squeeze %dma_start3A_27 : memref<1x12x128xf32, #tpu.memory_space<vmem>> -> memref<12x128xf32, #tpu.memory_space<vmem>>
    %dma_start3A_29 = arith.constant 0 : i32
    %dma_start3A_30 = tpu.memref_slice %arg6[%dma_start3A_29] : memref<8192xi32, #tpu.memory_space<vmem>> -> memref<12xi32, #tpu.memory_space<vmem>>
    %dma_start3A_31 = arith.constant 0 : i32
    %dma_start3A_32 = arith.constant 0 : i32
    %dma_start3A_33 = tpu.memref_slice %arg3[%dma_start3A_31, %dma_start3A_32] : memref<348x128xf32, #tpu.memory_space<hbm>> -> memref<348x128xf32, #tpu.memory_space<hbm>>
    tpu.enqueue_indirect_dma source(%dma_start3A_33 : memref<348x128xf32, #tpu.memory_space<hbm>>) target(%dma_start3A_28 : memref<12x128xf32, #tpu.memory_space<vmem>>) offsets(%dma_start3A_30 : memref<12xi32, #tpu.memory_space<vmem>>) semaphore(%arg11 : memref<!tpu.dma_semaphore, #tpu.memory_space<semaphore_mem>>)
    %dma_start3A_34 = arith.constant 0 : i32
    %dma_start3A_35 = arith.constant 0 : i32
    %dma_start3A_36 = arith.constant 0 : i32
    %dma_start3A_37 = tpu.memref_slice %arg8[%dma_start3A_34, %dma_start3A_35, %dma_start3A_36] : memref<8x12x128xf32, #tpu.memory_space<vmem>> -> memref<1x12x128xf32, #tpu.memory_space<vmem>>
    %dma_start3A_38 = tpu.memref_squeeze %dma_start3A_37 : memref<1x12x128xf32, #tpu.memory_space<vmem>> -> memref<12x128xf32, #tpu.memory_space<vmem>>
    %dma_start3A_39 = arith.constant 0 : i32
    %dma_start3A_40 = tpu.memref_slice %arg6[%dma_start3A_39] : memref<8192xi32, #tpu.memory_space<vmem>> -> memref<12xi32, #tpu.memory_space<vmem>>
    %dma_start3A_41 = arith.constant 0 : i32
    %dma_start3A_42 = arith.constant 0 : i32
    %dma_start3A_43 = tpu.memref_slice %arg4[%dma_start3A_41, %dma_start3A_42] : memref<348x128xf32, #tpu.memory_space<hbm>> -> memref<348x128xf32, #tpu.memory_space<hbm>>
    tpu.enqueue_indirect_dma source(%dma_start3A_43 : memref<348x128xf32, #tpu.memory_space<hbm>>) target(%dma_start3A_38 : memref<12x128xf32, #tpu.memory_space<vmem>>) offsets(%dma_start3A_40 : memref<12xi32, #tpu.memory_space<vmem>>) semaphore(%arg11 : memref<!tpu.dma_semaphore, #tpu.memory_space<semaphore_mem>>)
    %dma_start3A_44 = arith.constant 1 : i32
    %dma_start3A_45 = arith.constant 0 : i32
    %dma_start3A_46 = arith.constant 0 : i32
    %dma_start3A_47 = tpu.memref_slice %arg7[%dma_start3A_44, %dma_start3A_45, %dma_start3A_46] : memref<8x12x128xf32, #tpu.memory_space<vmem>> -> memref<1x12x128xf32, #tpu.memory_space<vmem>>
    %dma_start3A_48 = tpu.memref_squeeze %dma_start3A_47 : memref<1x12x128xf32, #tpu.memory_space<vmem>> -> memref<12x128xf32, #tpu.memory_space<vmem>>
    %dma_start3A_49 = arith.constant 16 : i32
    %dma_start3A_50 = tpu.memref_slice %arg6[%dma_start3A_49] : memref<8192xi32, #tpu.memory_space<vmem>> -> memref<12xi32, #tpu.memory_space<vmem>>
    %dma_start3A_51 = arith.constant 0 : i32
    %dma_start3A_52 = arith.constant 0 : i32
    %dma_start3A_53 = tpu.memref_slice %arg3[%dma_start3A_51, %dma_start3A_52] : memref<348x128xf32, #tpu.memory_space<hbm>> -> memref<348x128xf32, #tpu.memory_space<hbm>>
    tpu.enqueue_indirect_dma source(%dma_start3A_53 : memref<348x128xf32, #tpu.memory_space<hbm>>) target(%dma_start3A_48 : memref<12x128xf32, #tpu.memory_space<vmem>>) offsets(%dma_start3A_50 : memref<12xi32, #tpu.memory_space<vmem>>) semaphore(%arg11 : memref<!tpu.dma_semaphore, #tpu.memory_space<semaphore_mem>>)
    %dma_start3A_54 = arith.constant 1 : i32
    %dma_start3A_55 = arith.constant 0 : i32
    %dma_start3A_56 = arith.constant 0 : i32
    %dma_start3A_57 = tpu.memref_slice %arg8[%dma_start3A_54, %dma_start3A_55, %dma_start3A_56] : memref<8x12x128xf32, #tpu.memory_space<vmem>> -> memref<1x12x128xf32, #tpu.memory_space<vmem>>
    %dma_start3A_58 = tpu.memref_squeeze %dma_start3A_57 : memref<1x12x128xf32, #tpu.memory_space<vmem>> -> memref<12x128xf32, #tpu.memory_space<vmem>>
    %dma_start3A_59 = arith.constant 16 : i32
    %dma_start3A_60 = tpu.memref_slice %arg6[%dma_start3A_59] : memref<8192xi32, #tpu.memory_space<vmem>> -> memref<12xi32, #tpu.memory_space<vmem>>
    %dma_start3A_61 = arith.constant 0 : i32
    %dma_start3A_62 = arith.constant 0 : i32
    %dma_start3A_63 = tpu.memref_slice %arg4[%dma_start3A_61, %dma_start3A_62] : memref<348x128xf32, #tpu.memory_space<hbm>> -> memref<348x128xf32, #tpu.memory_space<hbm>>
    tpu.enqueue_indirect_dma source(%dma_start3A_63 : memref<348x128xf32, #tpu.memory_space<hbm>>) target(%dma_start3A_58 : memref<12x128xf32, #tpu.memory_space<vmem>>) offsets(%dma_start3A_60 : memref<12xi32, #tpu.memory_space<vmem>>) semaphore(%arg11 : memref<!tpu.dma_semaphore, #tpu.memory_space<semaphore_mem>>)
    %dma_start3A_64 = arith.constant 2 : i32
    %dma_start3A_65 = arith.constant 0 : i32
    %dma_start3A_66 = arith.constant 0 : i32
    %dma_start3A_67 = tpu.memref_slice %arg7[%dma_start3A_64, %dma_start3A_65, %dma_start3A_66] : memref<8x12x128xf32, #tpu.memory_space<vmem>> -> memref<1x12x128xf32, #tpu.memory_space<vmem>>
    %dma_start3A_68 = tpu.memref_squeeze %dma_start3A_67 : memref<1x12x128xf32, #tpu.memory_space<vmem>> -> memref<12x128xf32, #tpu.memory_space<vmem>>
    %dma_start3A_69 = arith.constant 32 : i32
    %dma_start3A_70 = tpu.memref_slice %arg6[%dma_start3A_69] : memref<8192xi32, #tpu.memory_space<vmem>> -> memref<12xi32, #tpu.memory_space<vmem>>
    %dma_start3A_71 = arith.constant 0 : i32
    %dma_start3A_72 = arith.constant 0 : i32
    %dma_start3A_73 = tpu.memref_slice %arg3[%dma_start3A_71, %dma_start3A_72] : memref<348x128xf32, #tpu.memory_space<hbm>> -> memref<348x128xf32, #tpu.memory_space<hbm>>
    tpu.enqueue_indirect_dma source(%dma_start3A_73 : memref<348x128xf32, #tpu.memory_space<hbm>>) target(%dma_start3A_68 : memref<12x128xf32, #tpu.memory_space<vmem>>) offsets(%dma_start3A_70 : memref<12xi32, #tpu.memory_space<vmem>>) semaphore(%arg11 : memref<!tpu.dma_semaphore, #tpu.memory_space<semaphore_mem>>)
    %dma_start3A_74 = arith.constant 2 : i32
    %dma_start3A_75 = arith.constant 0 : i32
    %dma_start3A_76 = arith.constant 0 : i32
    %dma_start3A_77 = tpu.memref_slice %arg8[%dma_start3A_74, %dma_start3A_75, %dma_start3A_76] : memref<8x12x128xf32, #tpu.memory_space<vmem>> -> memref<1x12x128xf32, #tpu.memory_space<vmem>>
    %dma_start3A_78 = tpu.memref_squeeze %dma_start3A_77 : memref<1x12x128xf32, #tpu.memory_space<vmem>> -> memref<12x128xf32, #tpu.memory_space<vmem>>
    %dma_start3A_79 = arith.constant 32 : i32
    %dma_start3A_80 = tpu.memref_slice %arg6[%dma_start3A_79] : memref<8192xi32, #tpu.memory_space<vmem>> -> memref<12xi32, #tpu.memory_space<vmem>>
    %dma_start3A_81 = arith.constant 0 : i32
    %dma_start3A_82 = arith.constant 0 : i32
    %dma_start3A_83 = tpu.memref_slice %arg4[%dma_start3A_81, %dma_start3A_82] : memref<348x128xf32, #tpu.memory_space<hbm>> -> memref<348x128xf32, #tpu.memory_space<hbm>>
    tpu.enqueue_indirect_dma source(%dma_start3A_83 : memref<348x128xf32, #tpu.memory_space<hbm>>) target(%dma_start3A_78 : memref<12x128xf32, #tpu.memory_space<vmem>>) offsets(%dma_start3A_80 : memref<12xi32, #tpu.memory_space<vmem>>) semaphore(%arg11 : memref<!tpu.dma_semaphore, #tpu.memory_space<semaphore_mem>>)
    %dma_start3A_84 = arith.constant 3 : i32
    %dma_start3A_85 = arith.constant 0 : i32
    %dma_start3A_86 = arith.constant 0 : i32
    %dma_start3A_87 = tpu.memref_slice %arg7[%dma_start3A_84, %dma_start3A_85, %dma_start3A_86] : memref<8x12x128xf32, #tpu.memory_space<vmem>> -> memref<1x12x128xf32, #tpu.memory_space<vmem>>
    %dma_start3A_88 = tpu.memref_squeeze %dma_start3A_87 : memref<1x12x128xf32, #tpu.memory_space<vmem>> -> memref<12x128xf32, #tpu.memory_space<vmem>>
    %dma_start3A_89 = arith.constant 48 : i32
    %dma_start3A_90 = tpu.memref_slice %arg6[%dma_start3A_89] : memref<8192xi32, #tpu.memory_space<vmem>> -> memref<12xi32, #tpu.memory_space<vmem>>
    %dma_start3A_91 = arith.constant 0 : i32
    %dma_start3A_92 = arith.constant 0 : i32
    %dma_start3A_93 = tpu.memref_slice %arg3[%dma_start3A_91, %dma_start3A_92] : memref<348x128xf32, #tpu.memory_space<hbm>> -> memref<348x128xf32, #tpu.memory_space<hbm>>
    tpu.enqueue_indirect_dma source(%dma_start3A_93 : memref<348x128xf32, #tpu.memory_space<hbm>>) target(%dma_start3A_88 : memref<12x128xf32, #tpu.memory_space<vmem>>) offsets(%dma_start3A_90 : memref<12xi32, #tpu.memory_space<vmem>>) semaphore(%arg11 : memref<!tpu.dma_semaphore, #tpu.memory_space<semaphore_mem>>)
    %dma_start3A_94 = arith.constant 3 : i32
    %dma_start3A_95 = arith.constant 0 : i32
    %dma_start3A_96 = arith.constant 0 : i32
    %dma_start3A_97 = tpu.memref_slice %arg8[%dma_start3A_94, %dma_start3A_95, %dma_start3A_96] : memref<8x12x128xf32, #tpu.memory_space<vmem>> -> memref<1x12x128xf32, #tpu.memory_space<vmem>>
    %dma_start3A_98 = tpu.memref_squeeze %dma_start3A_97 : memref<1x12x128xf32, #tpu.memory_space<vmem>> -> memref<12x128xf32, #tpu.memory_space<vmem>>
    %dma_start3A_99 = arith.constant 48 : i32
    %dma_start3A_100 = tpu.memref_slice %arg6[%dma_start3A_99] : memref<8192xi32, #tpu.memory_space<vmem>> -> memref<12xi32, #tpu.memory_space<vmem>>
    %dma_start3A_101 = arith.constant 0 : i32
    %dma_start3A_102 = arith.constant 0 : i32
    %dma_start3A_103 = tpu.memref_slice %arg4[%dma_start3A_101, %dma_start3A_102] : memref<348x128xf32, #tpu.memory_space<hbm>> -> memref<348x128xf32, #tpu.memory_space<hbm>>
    tpu.enqueue_indirect_dma source(%dma_start3A_103 : memref<348x128xf32, #tpu.memory_space<hbm>>) target(%dma_start3A_98 : memref<12x128xf32, #tpu.memory_space<vmem>>) offsets(%dma_start3A_100 : memref<12xi32, #tpu.memory_space<vmem>>) semaphore(%arg11 : memref<!tpu.dma_semaphore, #tpu.memory_space<semaphore_mem>>)
    %dma_start3A_104 = arith.constant 4 : i32
    %dma_start3A_105 = arith.constant 0 : i32
    %dma_start3A_106 = arith.constant 0 : i32
    %dma_start3A_107 = tpu.memref_slice %arg7[%dma_start3A_104, %dma_start3A_105, %dma_start3A_106] : memref<8x12x128xf32, #tpu.memory_space<vmem>> -> memref<1x12x128xf32, #tpu.memory_space<vmem>>
    %dma_start3A_108 = tpu.memref_squeeze %dma_start3A_107 : memref<1x12x128xf32, #tpu.memory_space<vmem>> -> memref<12x128xf32, #tpu.memory_space<vmem>>
    %dma_start3A_109 = arith.constant 64 : i32
    %dma_start3A_110 = tpu.memref_slice %arg6[%dma_start3A_109] : memref<8192xi32, #tpu.memory_space<vmem>> -> memref<12xi32, #tpu.memory_space<vmem>>
    %dma_start3A_111 = arith.constant 0 : i32
    %dma_start3A_112 = arith.constant 0 : i32
    %dma_start3A_113 = tpu.memref_slice %arg3[%dma_start3A_111, %dma_start3A_112] : memref<348x128xf32, #tpu.memory_space<hbm>> -> memref<348x128xf32, #tpu.memory_space<hbm>>
    tpu.enqueue_indirect_dma source(%dma_start3A_113 : memref<348x128xf32, #tpu.memory_space<hbm>>) target(%dma_start3A_108 : memref<12x128xf32, #tpu.memory_space<vmem>>) offsets(%dma_start3A_110 : memref<12xi32, #tpu.memory_space<vmem>>) semaphore(%arg11 : memref<!tpu.dma_semaphore, #tpu.memory_space<semaphore_mem>>)
    %dma_start3A_114 = arith.constant 4 : i32
    %dma_start3A_115 = arith.constant 0 : i32
    %dma_start3A_116 = arith.constant 0 : i32
    %dma_start3A_117 = tpu.memref_slice %arg8[%dma_start3A_114, %dma_start3A_115, %dma_start3A_116] : memref<8x12x128xf32, #tpu.memory_space<vmem>> -> memref<1x12x128xf32, #tpu.memory_space<vmem>>
    %dma_start3A_118 = tpu.memref_squeeze %dma_start3A_117 : memref<1x12x128xf32, #tpu.memory_space<vmem>> -> memref<12x128xf32, #tpu.memory_space<vmem>>
    %dma_start3A_119 = arith.constant 64 : i32
    %dma_start3A_120 = tpu.memref_slice %arg6[%dma_start3A_119] : memref<8192xi32, #tpu.memory_space<vmem>> -> memref<12xi32, #tpu.memory_space<vmem>>
    %dma_start3A_121 = arith.constant 0 : i32
    %dma_start3A_122 = arith.constant 0 : i32
    %dma_start3A_123 = tpu.memref_slice %arg4[%dma_start3A_121, %dma_start3A_122] : memref<348x128xf32, #tpu.memory_space<hbm>> -> memref<348x128xf32, #tpu.memory_space<hbm>>
    tpu.enqueue_indirect_dma source(%dma_start3A_123 : memref<348x128xf32, #tpu.memory_space<hbm>>) target(%dma_start3A_118 : memref<12x128xf32, #tpu.memory_space<vmem>>) offsets(%dma_start3A_120 : memref<12xi32, #tpu.memory_space<vmem>>) semaphore(%arg11 : memref<!tpu.dma_semaphore, #tpu.memory_space<semaphore_mem>>)
    %dma_start3A_124 = arith.constant 5 : i32
    %dma_start3A_125 = arith.constant 0 : i32
    %dma_start3A_126 = arith.constant 0 : i32
    %dma_start3A_127 = tpu.memref_slice %arg7[%dma_start3A_124, %dma_start3A_125, %dma_start3A_126] : memref<8x12x128xf32, #tpu.memory_space<vmem>> -> memref<1x12x128xf32, #tpu.memory_space<vmem>>
    %dma_start3A_128 = tpu.memref_squeeze %dma_start3A_127 : memref<1x12x128xf32, #tpu.memory_space<vmem>> -> memref<12x128xf32, #tpu.memory_space<vmem>>
    %dma_start3A_129 = arith.constant 80 : i32
    %dma_start3A_130 = tpu.memref_slice %arg6[%dma_start3A_129] : memref<8192xi32, #tpu.memory_space<vmem>> -> memref<12xi32, #tpu.memory_space<vmem>>
    %dma_start3A_131 = arith.constant 0 : i32
    %dma_start3A_132 = arith.constant 0 : i32
    %dma_start3A_133 = tpu.memref_slice %arg3[%dma_start3A_131, %dma_start3A_132] : memref<348x128xf32, #tpu.memory_space<hbm>> -> memref<348x128xf32, #tpu.memory_space<hbm>>
    tpu.enqueue_indirect_dma source(%dma_start3A_133 : memref<348x128xf32, #tpu.memory_space<hbm>>) target(%dma_start3A_128 : memref<12x128xf32, #tpu.memory_space<vmem>>) offsets(%dma_start3A_130 : memref<12xi32, #tpu.memory_space<vmem>>) semaphore(%arg11 : memref<!tpu.dma_semaphore, #tpu.memory_space<semaphore_mem>>)
    %dma_start3A_134 = arith.constant 5 : i32
    %dma_start3A_135 = arith.constant 0 : i32
    %dma_start3A_136 = arith.constant 0 : i32
    %dma_start3A_137 = tpu.memref_slice %arg8[%dma_start3A_134, %dma_start3A_135, %dma_start3A_136] : memref<8x12x128xf32, #tpu.memory_space<vmem>> -> memref<1x12x128xf32, #tpu.memory_space<vmem>>
    %dma_start3A_138 = tpu.memref_squeeze %dma_start3A_137 : memref<1x12x128xf32, #tpu.memory_space<vmem>> -> memref<12x128xf32, #tpu.memory_space<vmem>>
    %dma_start3A_139 = arith.constant 80 : i32
    %dma_start3A_140 = tpu.memref_slice %arg6[%dma_start3A_139] : memref<8192xi32, #tpu.memory_space<vmem>> -> memref<12xi32, #tpu.memory_space<vmem>>
    %dma_start3A_141 = arith.constant 0 : i32
    %dma_start3A_142 = arith.constant 0 : i32
    %dma_start3A_143 = tpu.memref_slice %arg4[%dma_start3A_141, %dma_start3A_142] : memref<348x128xf32, #tpu.memory_space<hbm>> -> memref<348x128xf32, #tpu.memory_space<hbm>>
    tpu.enqueue_indirect_dma source(%dma_start3A_143 : memref<348x128xf32, #tpu.memory_space<hbm>>) target(%dma_start3A_138 : memref<12x128xf32, #tpu.memory_space<vmem>>) offsets(%dma_start3A_140 : memref<12xi32, #tpu.memory_space<vmem>>) semaphore(%arg11 : memref<!tpu.dma_semaphore, #tpu.memory_space<semaphore_mem>>)
    %dma_start3A_144 = arith.constant 6 : i32
    %dma_start3A_145 = arith.constant 0 : i32
    %dma_start3A_146 = arith.constant 0 : i32
    %dma_start3A_147 = tpu.memref_slice %arg7[%dma_start3A_144, %dma_start3A_145, %dma_start3A_146] : memref<8x12x128xf32, #tpu.memory_space<vmem>> -> memref<1x12x128xf32, #tpu.memory_space<vmem>>
    %dma_start3A_148 = tpu.memref_squeeze %dma_start3A_147 : memref<1x12x128xf32, #tpu.memory_space<vmem>> -> memref<12x128xf32, #tpu.memory_space<vmem>>
    %dma_start3A_149 = arith.constant 96 : i32
    %dma_start3A_150 = tpu.memref_slice %arg6[%dma_start3A_149] : memref<8192xi32, #tpu.memory_space<vmem>> -> memref<12xi32, #tpu.memory_space<vmem>>
    %dma_start3A_151 = arith.constant 0 : i32
    %dma_start3A_152 = arith.constant 0 : i32
    %dma_start3A_153 = tpu.memref_slice %arg3[%dma_start3A_151, %dma_start3A_152] : memref<348x128xf32, #tpu.memory_space<hbm>> -> memref<348x128xf32, #tpu.memory_space<hbm>>
    tpu.enqueue_indirect_dma source(%dma_start3A_153 : memref<348x128xf32, #tpu.memory_space<hbm>>) target(%dma_start3A_148 : memref<12x128xf32, #tpu.memory_space<vmem>>) offsets(%dma_start3A_150 : memref<12xi32, #tpu.memory_space<vmem>>) semaphore(%arg11 : memref<!tpu.dma_semaphore, #tpu.memory_space<semaphore_mem>>)
    %dma_start3A_154 = arith.constant 6 : i32
    %dma_start3A_155 = arith.constant 0 : i32
    %dma_start3A_156 = arith.constant 0 : i32
    %dma_start3A_157 = tpu.memref_slice %arg8[%dma_start3A_154, %dma_start3A_155, %dma_start3A_156] : memref<8x12x128xf32, #tpu.memory_space<vmem>> -> memref<1x12x128xf32, #tpu.memory_space<vmem>>
    %dma_start3A_158 = tpu.memref_squeeze %dma_start3A_157 : memref<1x12x128xf32, #tpu.memory_space<vmem>> -> memref<12x128xf32, #tpu.memory_space<vmem>>
    %dma_start3A_159 = arith.constant 96 : i32
    %dma_start3A_160 = tpu.memref_slice %arg6[%dma_start3A_159] : memref<8192xi32, #tpu.memory_space<vmem>> -> memref<12xi32, #tpu.memory_space<vmem>>
    %dma_start3A_161 = arith.constant 0 : i32
    %dma_start3A_162 = arith.constant 0 : i32
    %dma_start3A_163 = tpu.memref_slice %arg4[%dma_start3A_161, %dma_start3A_162] : memref<348x128xf32, #tpu.memory_space<hbm>> -> memref<348x128xf32, #tpu.memory_space<hbm>>
    tpu.enqueue_indirect_dma source(%dma_start3A_163 : memref<348x128xf32, #tpu.memory_space<hbm>>) target(%dma_start3A_158 : memref<12x128xf32, #tpu.memory_space<vmem>>) offsets(%dma_start3A_160 : memref<12xi32, #tpu.memory_space<vmem>>) semaphore(%arg11 : memref<!tpu.dma_semaphore, #tpu.memory_space<semaphore_mem>>)
    %dma_start3A_164 = arith.constant 7 : i32
    %dma_start3A_165 = arith.constant 0 : i32
    %dma_start3A_166 = arith.constant 0 : i32
    %dma_start3A_167 = tpu.memref_slice %arg7[%dma_start3A_164, %dma_start3A_165, %dma_start3A_166] : memref<8x12x128xf32, #tpu.memory_space<vmem>> -> memref<1x12x128xf32, #tpu.memory_space<vmem>>
    %dma_start3A_168 = tpu.memref_squeeze %dma_start3A_167 : memref<1x12x128xf32, #tpu.memory_space<vmem>> -> memref<12x128xf32, #tpu.memory_space<vmem>>
    %dma_start3A_169 = arith.constant 112 : i32
    %dma_start3A_170 = tpu.memref_slice %arg6[%dma_start3A_169] : memref<8192xi32, #tpu.memory_space<vmem>> -> memref<12xi32, #tpu.memory_space<vmem>>
    %dma_start3A_171 = arith.constant 0 : i32
    %dma_start3A_172 = arith.constant 0 : i32
    %dma_start3A_173 = tpu.memref_slice %arg3[%dma_start3A_171, %dma_start3A_172] : memref<348x128xf32, #tpu.memory_space<hbm>> -> memref<348x128xf32, #tpu.memory_space<hbm>>
    tpu.enqueue_indirect_dma source(%dma_start3A_173 : memref<348x128xf32, #tpu.memory_space<hbm>>) target(%dma_start3A_168 : memref<12x128xf32, #tpu.memory_space<vmem>>) offsets(%dma_start3A_170 : memref<12xi32, #tpu.memory_space<vmem>>) semaphore(%arg11 : memref<!tpu.dma_semaphore, #tpu.memory_space<semaphore_mem>>)
    %dma_start3A_174 = arith.constant 7 : i32
    %dma_start3A_175 = arith.constant 0 : i32
    %dma_start3A_176 = arith.constant 0 : i32
    %dma_start3A_177 = tpu.memref_slice %arg8[%dma_start3A_174, %dma_start3A_175, %dma_start3A_176] : memref<8x12x128xf32, #tpu.memory_space<vmem>> -> memref<1x12x128xf32, #tpu.memory_space<vmem>>
    %dma_start3A_178 = tpu.memref_squeeze %dma_start3A_177 : memref<1x12x128xf32, #tpu.memory_space<vmem>> -> memref<12x128xf32, #tpu.memory_space<vmem>>
    %dma_start3A_179 = arith.constant 112 : i32
    %dma_start3A_180 = tpu.memref_slice %arg6[%dma_start3A_179] : memref<8192xi32, #tpu.memory_space<vmem>> -> memref<12xi32, #tpu.memory_space<vmem>>
    %dma_start3A_181 = arith.constant 0 : i32
    %dma_start3A_182 = arith.constant 0 : i32
    %dma_start3A_183 = tpu.memref_slice %arg4[%dma_start3A_181, %dma_start3A_182] : memref<348x128xf32, #tpu.memory_space<hbm>> -> memref<348x128xf32, #tpu.memory_space<hbm>>
    tpu.enqueue_indirect_dma source(%dma_start3A_183 : memref<348x128xf32, #tpu.memory_space<hbm>>) target(%dma_start3A_178 : memref<12x128xf32, #tpu.memory_space<vmem>>) offsets(%dma_start3A_180 : memref<12xi32, #tpu.memory_space<vmem>>) semaphore(%arg11 : memref<!tpu.dma_semaphore, #tpu.memory_space<semaphore_mem>>)
    %scan3A_184 = arith.constant 0 : i32
    %scan3A_185 = arith.constant 0 : i32
    %scan3A_186 = arith.constant 32 : i32
    %scan3A_187 = arith.addi %scan3A_185, %scan3A_186 : i32
    %scan3A_188 = arith.constant 1 : i32
    scf.for %scan3A_190 = %scan3A_185 to %scan3A_187 step %scan3A_188  : i32 {
      %mul3A_191 = arith.constant 2 : i32
      %mul3A_192 = arith.muli %scan3A_190, %mul3A_191 : i32
      %add3A_193 = arith.constant 1 : i32
      %add3A_194 = arith.addi %mul3A_192, %add3A_193 : i32
      %mul3A_195 = arith.constant 8 : i32
      %mul3A_196 = arith.muli %add3A_194, %mul3A_195 : i32
      %add3A_197 = arith.constant 0 : i32
      %add3A_198 = arith.addi %mul3A_196, %add3A_197 : i32
      %mul3A_199 = arith.constant 16 : i32
      %mul3A_200 = arith.muli %add3A_198, %mul3A_199 : i32
      %dma_start3A_201 = arith.constant 0 : i32
      %dma_start3A_202 = arith.constant 0 : i32
      %dma_start3A_203 = arith.constant 0 : i32
      %dma_start3A_204 = tpu.memref_slice %arg9[%dma_start3A_201, %dma_start3A_202, %dma_start3A_203] : memref<8x12x128xf32, #tpu.memory_space<vmem>> -> memref<1x12x128xf32, #tpu.memory_space<vmem>>
      %dma_start3A_205 = tpu.memref_squeeze %dma_start3A_204 : memref<1x12x128xf32, #tpu.memory_space<vmem>> -> memref<12x128xf32, #tpu.memory_space<vmem>>
      %dma_start3A_206 = tpu.memref_slice %arg6[%mul3A_200] : memref<8192xi32, #tpu.memory_space<vmem>> -> memref<12xi32, #tpu.memory_space<vmem>>
      %dma_start3A_207 = arith.constant 0 : i32
      %dma_start3A_208 = arith.constant 0 : i32
      %dma_start3A_209 = tpu.memref_slice %arg3[%dma_start3A_207, %dma_start3A_208] : memref<348x128xf32, #tpu.memory_space<hbm>> -> memref<348x128xf32, #tpu.memory_space<hbm>>
      tpu.enqueue_indirect_dma source(%dma_start3A_209 : memref<348x128xf32, #tpu.memory_space<hbm>>) target(%dma_start3A_205 : memref<12x128xf32, #tpu.memory_space<vmem>>) offsets(%dma_start3A_206 : memref<12xi32, #tpu.memory_space<vmem>>) semaphore(%arg12 : memref<!tpu.dma_semaphore, #tpu.memory_space<semaphore_mem>>)
      %dma_start3A_210 = arith.constant 0 : i32
      %dma_start3A_211 = arith.constant 0 : i32
      %dma_start3A_212 = arith.constant 0 : i32
      %dma_start3A_213 = tpu.memref_slice %arg10[%dma_start3A_210, %dma_start3A_211, %dma_start3A_212] : memref<8x12x128xf32, #tpu.memory_space<vmem>> -> memref<1x12x128xf32, #tpu.memory_space<vmem>>
      %dma_start3A_214 = tpu.memref_squeeze %dma_start3A_213 : memref<1x12x128xf32, #tpu.memory_space<vmem>> -> memref<12x128xf32, #tpu.memory_space<vmem>>
      %dma_start3A_215 = tpu.memref_slice %arg6[%mul3A_200] : memref<8192xi32, #tpu.memory_space<vmem>> -> memref<12xi32, #tpu.memory_space<vmem>>
      %dma_start3A_216 = arith.constant 0 : i32
      %dma_start3A_217 = arith.constant 0 : i32
      %dma_start3A_218 = tpu.memref_slice %arg4[%dma_start3A_216, %dma_start3A_217] : memref<348x128xf32, #tpu.memory_space<hbm>> -> memref<348x128xf32, #tpu.memory_space<hbm>>
      tpu.enqueue_indirect_dma source(%dma_start3A_218 : memref<348x128xf32, #tpu.memory_space<hbm>>) target(%dma_start3A_214 : memref<12x128xf32, #tpu.memory_space<vmem>>) offsets(%dma_start3A_215 : memref<12xi32, #tpu.memory_space<vmem>>) semaphore(%arg12 : memref<!tpu.dma_semaphore, #tpu.memory_space<semaphore_mem>>)
      %mul3A_219 = arith.constant 8 : i32
      %mul3A_220 = arith.muli %add3A_194, %mul3A_219 : i32
      %add3A_221 = arith.constant 1 : i32
      %add3A_222 = arith.addi %mul3A_220, %add3A_221 : i32
      %mul3A_223 = arith.constant 16 : i32
      %mul3A_224 = arith.muli %add3A_222, %mul3A_223 : i32
      %dma_start3A_225 = arith.constant 1 : i32
      %dma_start3A_226 = arith.constant 0 : i32
      %dma_start3A_227 = arith.constant 0 : i32
      %dma_start3A_228 = tpu.memref_slice %arg9[%dma_start3A_225, %dma_start3A_226, %dma_start3A_227] : memref<8x12x128xf32, #tpu.memory_space<vmem>> -> memref<1x12x128xf32, #tpu.memory_space<vmem>>
      %dma_start3A_229 = tpu.memref_squeeze %dma_start3A_228 : memref<1x12x128xf32, #tpu.memory_space<vmem>> -> memref<12x128xf32, #tpu.memory_space<vmem>>
      %dma_start3A_230 = tpu.memref_slice %arg6[%mul3A_224] : memref<8192xi32, #tpu.memory_space<vmem>> -> memref<12xi32, #tpu.memory_space<vmem>>
      %dma_start3A_231 = arith.constant 0 : i32
      %dma_start3A_232 = arith.constant 0 : i32
      %dma_start3A_233 = tpu.memref_slice %arg3[%dma_start3A_231, %dma_start3A_232] : memref<348x128xf32, #tpu.memory_space<hbm>> -> memref<348x128xf32, #tpu.memory_space<hbm>>
      tpu.enqueue_indirect_dma source(%dma_start3A_233 : memref<348x128xf32, #tpu.memory_space<hbm>>) target(%dma_start3A_229 : memref<12x128xf32, #tpu.memory_space<vmem>>) offsets(%dma_start3A_230 : memref<12xi32, #tpu.memory_space<vmem>>) semaphore(%arg12 : memref<!tpu.dma_semaphore, #tpu.memory_space<semaphore_mem>>)
      %dma_start3A_234 = arith.constant 1 : i32
      %dma_start3A_235 = arith.constant 0 : i32
      %dma_start3A_236 = arith.constant 0 : i32
      %dma_start3A_237 = tpu.memref_slice %arg10[%dma_start3A_234, %dma_start3A_235, %dma_start3A_236] : memref<8x12x128xf32, #tpu.memory_space<vmem>> -> memref<1x12x128xf32, #tpu.memory_space<vmem>>
      %dma_start3A_238 = tpu.memref_squeeze %dma_start3A_237 : memref<1x12x128xf32, #tpu.memory_space<vmem>> -> memref<12x128xf32, #tpu.memory_space<vmem>>
      %dma_start3A_239 = tpu.memref_slice %arg6[%mul3A_224] : memref<8192xi32, #tpu.memory_space<vmem>> -> memref<12xi32, #tpu.memory_space<vmem>>
      %dma_start3A_240 = arith.constant 0 : i32
      %dma_start3A_241 = arith.constant 0 : i32
      %dma_start3A_242 = tpu.memref_slice %arg4[%dma_start3A_240, %dma_start3A_241] : memref<348x128xf32, #tpu.memory_space<hbm>> -> memref<348x128xf32, #tpu.memory_space<hbm>>
      tpu.enqueue_indirect_dma source(%dma_start3A_242 : memref<348x128xf32, #tpu.memory_space<hbm>>) target(%dma_start3A_238 : memref<12x128xf32, #tpu.memory_space<vmem>>) offsets(%dma_start3A_239 : memref<12xi32, #tpu.memory_space<vmem>>) semaphore(%arg12 : memref<!tpu.dma_semaphore, #tpu.memory_space<semaphore_mem>>)
      %mul3A_243 = arith.constant 8 : i32
      %mul3A_244 = arith.muli %add3A_194, %mul3A_243 : i32
      %add3A_245 = arith.constant 2 : i32
      %add3A_246 = arith.addi %mul3A_244, %add3A_245 : i32
      %mul3A_247 = arith.constant 16 : i32
      %mul3A_248 = arith.muli %add3A_246, %mul3A_247 : i32
      %dma_start3A_249 = arith.constant 2 : i32
      %dma_start3A_250 = arith.constant 0 : i32
      %dma_start3A_251 = arith.constant 0 : i32
      %dma_start3A_252 = tpu.memref_slice %arg9[%dma_start3A_249, %dma_start3A_250, %dma_start3A_251] : memref<8x12x128xf32, #tpu.memory_space<vmem>> -> memref<1x12x128xf32, #tpu.memory_space<vmem>>
      %dma_start3A_253 = tpu.memref_squeeze %dma_start3A_252 : memref<1x12x128xf32, #tpu.memory_space<vmem>> -> memref<12x128xf32, #tpu.memory_space<vmem>>
      %dma_start3A_254 = tpu.memref_slice %arg6[%mul3A_248] : memref<8192xi32, #tpu.memory_space<vmem>> -> memref<12xi32, #tpu.memory_space<vmem>>
      %dma_start3A_255 = arith.constant 0 : i32
      %dma_start3A_256 = arith.constant 0 : i32
      %dma_start3A_257 = tpu.memref_slice %arg3[%dma_start3A_255, %dma_start3A_256] : memref<348x128xf32, #tpu.memory_space<hbm>> -> memref<348x128xf32, #tpu.memory_space<hbm>>
      tpu.enqueue_indirect_dma source(%dma_start3A_257 : memref<348x128xf32, #tpu.memory_space<hbm>>) target(%dma_start3A_253 : memref<12x128xf32, #tpu.memory_space<vmem>>) offsets(%dma_start3A_254 : memref<12xi32, #tpu.memory_space<vmem>>) semaphore(%arg12 : memref<!tpu.dma_semaphore, #tpu.memory_space<semaphore_mem>>)
      %dma_start3A_258 = arith.constant 2 : i32
      %dma_start3A_259 = arith.constant 0 : i32
      %dma_start3A_260 = arith.constant 0 : i32
      %dma_start3A_261 = tpu.memref_slice %arg10[%dma_start3A_258, %dma_start3A_259, %dma_start3A_260] : memref<8x12x128xf32, #tpu.memory_space<vmem>> -> memref<1x12x128xf32, #tpu.memory_space<vmem>>
      %dma_start3A_262 = tpu.memref_squeeze %dma_start3A_261 : memref<1x12x128xf32, #tpu.memory_space<vmem>> -> memref<12x128xf32, #tpu.memory_space<vmem>>
      %dma_start3A_263 = tpu.memref_slice %arg6[%mul3A_248] : memref<8192xi32, #tpu.memory_space<vmem>> -> memref<12xi32, #tpu.memory_space<vmem>>
      %dma_start3A_264 = arith.constant 0 : i32
      %dma_start3A_265 = arith.constant 0 : i32
      %dma_start3A_266 = tpu.memref_slice %arg4[%dma_start3A_264, %dma_start3A_265] : memref<348x128xf32, #tpu.memory_space<hbm>> -> memref<348x128xf32, #tpu.memory_space<hbm>>
      tpu.enqueue_indirect_dma source(%dma_start3A_266 : memref<348x128xf32, #tpu.memory_space<hbm>>) target(%dma_start3A_262 : memref<12x128xf32, #tpu.memory_space<vmem>>) offsets(%dma_start3A_263 : memref<12xi32, #tpu.memory_space<vmem>>) semaphore(%arg12 : memref<!tpu.dma_semaphore, #tpu.memory_space<semaphore_mem>>)
      %mul3A_267 = arith.constant 8 : i32
      %mul3A_268 = arith.muli %add3A_194, %mul3A_267 : i32
      %add3A_269 = arith.constant 3 : i32
      %add3A_270 = arith.addi %mul3A_268, %add3A_269 : i32
      %mul3A_271 = arith.constant 16 : i32
      %mul3A_272 = arith.muli %add3A_270, %mul3A_271 : i32
      %dma_start3A_273 = arith.constant 3 : i32
      %dma_start3A_274 = arith.constant 0 : i32
      %dma_start3A_275 = arith.constant 0 : i32
      %dma_start3A_276 = tpu.memref_slice %arg9[%dma_start3A_273, %dma_start3A_274, %dma_start3A_275] : memref<8x12x128xf32, #tpu.memory_space<vmem>> -> memref<1x12x128xf32, #tpu.memory_space<vmem>>
      %dma_start3A_277 = tpu.memref_squeeze %dma_start3A_276 : memref<1x12x128xf32, #tpu.memory_space<vmem>> -> memref<12x128xf32, #tpu.memory_space<vmem>>
      %dma_start3A_278 = tpu.memref_slice %arg6[%mul3A_272] : memref<8192xi32, #tpu.memory_space<vmem>> -> memref<12xi32, #tpu.memory_space<vmem>>
      %dma_start3A_279 = arith.constant 0 : i32
      %dma_start3A_280 = arith.constant 0 : i32
      %dma_start3A_281 = tpu.memref_slice %arg3[%dma_start3A_279, %dma_start3A_280] : memref<348x128xf32, #tpu.memory_space<hbm>> -> memref<348x128xf32, #tpu.memory_space<hbm>>
      tpu.enqueue_indirect_dma source(%dma_start3A_281 : memref<348x128xf32, #tpu.memory_space<hbm>>) target(%dma_start3A_277 : memref<12x128xf32, #tpu.memory_space<vmem>>) offsets(%dma_start3A_278 : memref<12xi32, #tpu.memory_space<vmem>>) semaphore(%arg12 : memref<!tpu.dma_semaphore, #tpu.memory_space<semaphore_mem>>)
      %dma_start3A_282 = arith.constant 3 : i32
      %dma_start3A_283 = arith.constant 0 : i32
      %dma_start3A_284 = arith.constant 0 : i32
      %dma_start3A_285 = tpu.memref_slice %arg10[%dma_start3A_282, %dma_start3A_283, %dma_start3A_284] : memref<8x12x128xf32, #tpu.memory_space<vmem>> -> memref<1x12x128xf32, #tpu.memory_space<vmem>>
      %dma_start3A_286 = tpu.memref_squeeze %dma_start3A_285 : memref<1x12x128xf32, #tpu.memory_space<vmem>> -> memref<12x128xf32, #tpu.memory_space<vmem>>
      %dma_start3A_287 = tpu.memref_slice %arg6[%mul3A_272] : memref<8192xi32, #tpu.memory_space<vmem>> -> memref<12xi32, #tpu.memory_space<vmem>>
      %dma_start3A_288 = arith.constant 0 : i32
      %dma_start3A_289 = arith.constant 0 : i32
      %dma_start3A_290 = tpu.memref_slice %arg4[%dma_start3A_288, %dma_start3A_289] : memref<348x128xf32, #tpu.memory_space<hbm>> -> memref<348x128xf32, #tpu.memory_space<hbm>>
      tpu.enqueue_indirect_dma source(%dma_start3A_290 : memref<348x128xf32, #tpu.memory_space<hbm>>) target(%dma_start3A_286 : memref<12x128xf32, #tpu.memory_space<vmem>>) offsets(%dma_start3A_287 : memref<12xi32, #tpu.memory_space<vmem>>) semaphore(%arg12 : memref<!tpu.dma_semaphore, #tpu.memory_space<semaphore_mem>>)
      %mul3A_291 = arith.constant 8 : i32
      %mul3A_292 = arith.muli %add3A_194, %mul3A_291 : i32
      %add3A_293 = arith.constant 4 : i32
      %add3A_294 = arith.addi %mul3A_292, %add3A_293 : i32
      %mul3A_295 = arith.constant 16 : i32
      %mul3A_296 = arith.muli %add3A_294, %mul3A_295 : i32
      %dma_start3A_297 = arith.constant 4 : i32
      %dma_start3A_298 = arith.constant 0 : i32
      %dma_start3A_299 = arith.constant 0 : i32
      %dma_start3A_300 = tpu.memref_slice %arg9[%dma_start3A_297, %dma_start3A_298, %dma_start3A_299] : memref<8x12x128xf32, #tpu.memory_space<vmem>> -> memref<1x12x128xf32, #tpu.memory_space<vmem>>
      %dma_start3A_301 = tpu.memref_squeeze %dma_start3A_300 : memref<1x12x128xf32, #tpu.memory_space<vmem>> -> memref<12x128xf32, #tpu.memory_space<vmem>>
      %dma_start3A_302 = tpu.memref_slice %arg6[%mul3A_296] : memref<8192xi32, #tpu.memory_space<vmem>> -> memref<12xi32, #tpu.memory_space<vmem>>
      %dma_start3A_303 = arith.constant 0 : i32
      %dma_start3A_304 = arith.constant 0 : i32
      %dma_start3A_305 = tpu.memref_slice %arg3[%dma_start3A_303, %dma_start3A_304] : memref<348x128xf32, #tpu.memory_space<hbm>> -> memref<348x128xf32, #tpu.memory_space<hbm>>
      tpu.enqueue_indirect_dma source(%dma_start3A_305 : memref<348x128xf32, #tpu.memory_space<hbm>>) target(%dma_start3A_301 : memref<12x128xf32, #tpu.memory_space<vmem>>) offsets(%dma_start3A_302 : memref<12xi32, #tpu.memory_space<vmem>>) semaphore(%arg12 : memref<!tpu.dma_semaphore, #tpu.memory_space<semaphore_mem>>)
      %dma_start3A_306 = arith.constant 4 : i32
      %dma_start3A_307 = arith.constant 0 : i32
      %dma_start3A_308 = arith.constant 0 : i32
      %dma_start3A_309 = tpu.memref_slice %arg10[%dma_start3A_306, %dma_start3A_307, %dma_start3A_308] : memref<8x12x128xf32, #tpu.memory_space<vmem>> -> memref<1x12x128xf32, #tpu.memory_space<vmem>>
      %dma_start3A_310 = tpu.memref_squeeze %dma_start3A_309 : memref<1x12x128xf32, #tpu.memory_space<vmem>> -> memref<12x128xf32, #tpu.memory_space<vmem>>
      %dma_start3A_311 = tpu.memref_slice %arg6[%mul3A_296] : memref<8192xi32, #tpu.memory_space<vmem>> -> memref<12xi32, #tpu.memory_space<vmem>>
      %dma_start3A_312 = arith.constant 0 : i32
      %dma_start3A_313 = arith.constant 0 : i32
      %dma_start3A_314 = tpu.memref_slice %arg4[%dma_start3A_312, %dma_start3A_313] : memref<348x128xf32, #tpu.memory_space<hbm>> -> memref<348x128xf32, #tpu.memory_space<hbm>>
      tpu.enqueue_indirect_dma source(%dma_start3A_314 : memref<348x128xf32, #tpu.memory_space<hbm>>) target(%dma_start3A_310 : memref<12x128xf32, #tpu.memory_space<vmem>>) offsets(%dma_start3A_311 : memref<12xi32, #tpu.memory_space<vmem>>) semaphore(%arg12 : memref<!tpu.dma_semaphore, #tpu.memory_space<semaphore_mem>>)
      %mul3A_315 = arith.constant 8 : i32
      %mul3A_316 = arith.muli %add3A_194, %mul3A_315 : i32
      %add3A_317 = arith.constant 5 : i32
      %add3A_318 = arith.addi %mul3A_316, %add3A_317 : i32
      %mul3A_319 = arith.constant 16 : i32
      %mul3A_320 = arith.muli %add3A_318, %mul3A_319 : i32
      %dma_start3A_321 = arith.constant 5 : i32
      %dma_start3A_322 = arith.constant 0 : i32
      %dma_start3A_323 = arith.constant 0 : i32
      %dma_start3A_324 = tpu.memref_slice %arg9[%dma_start3A_321, %dma_start3A_322, %dma_start3A_323] : memref<8x12x128xf32, #tpu.memory_space<vmem>> -> memref<1x12x128xf32, #tpu.memory_space<vmem>>
      %dma_start3A_325 = tpu.memref_squeeze %dma_start3A_324 : memref<1x12x128xf32, #tpu.memory_space<vmem>> -> memref<12x128xf32, #tpu.memory_space<vmem>>
      %dma_start3A_326 = tpu.memref_slice %arg6[%mul3A_320] : memref<8192xi32, #tpu.memory_space<vmem>> -> memref<12xi32, #tpu.memory_space<vmem>>
      %dma_start3A_327 = arith.constant 0 : i32
      %dma_start3A_328 = arith.constant 0 : i32
      %dma_start3A_329 = tpu.memref_slice %arg3[%dma_start3A_327, %dma_start3A_328] : memref<348x128xf32, #tpu.memory_space<hbm>> -> memref<348x128xf32, #tpu.memory_space<hbm>>
      tpu.enqueue_indirect_dma source(%dma_start3A_329 : memref<348x128xf32, #tpu.memory_space<hbm>>) target(%dma_start3A_325 : memref<12x128xf32, #tpu.memory_space<vmem>>) offsets(%dma_start3A_326 : memref<12xi32, #tpu.memory_space<vmem>>) semaphore(%arg12 : memref<!tpu.dma_semaphore, #tpu.memory_space<semaphore_mem>>)
      %dma_start3A_330 = arith.constant 5 : i32
      %dma_start3A_331 = arith.constant 0 : i32
      %dma_start3A_332 = arith.constant 0 : i32
      %dma_start3A_333 = tpu.memref_slice %arg10[%dma_start3A_330, %dma_start3A_331, %dma_start3A_332] : memref<8x12x128xf32, #tpu.memory_space<vmem>> -> memref<1x12x128xf32, #tpu.memory_space<vmem>>
      %dma_start3A_334 = tpu.memref_squeeze %dma_start3A_333 : memref<1x12x128xf32, #tpu.memory_space<vmem>> -> memref<12x128xf32, #tpu.memory_space<vmem>>
      %dma_start3A_335 = tpu.memref_slice %arg6[%mul3A_320] : memref<8192xi32, #tpu.memory_space<vmem>> -> memref<12xi32, #tpu.memory_space<vmem>>
      %dma_start3A_336 = arith.constant 0 : i32
      %dma_start3A_337 = arith.constant 0 : i32
      %dma_start3A_338 = tpu.memref_slice %arg4[%dma_start3A_336, %dma_start3A_337] : memref<348x128xf32, #tpu.memory_space<hbm>> -> memref<348x128xf32, #tpu.memory_space<hbm>>
      tpu.enqueue_indirect_dma source(%dma_start3A_338 : memref<348x128xf32, #tpu.memory_space<hbm>>) target(%dma_start3A_334 : memref<12x128xf32, #tpu.memory_space<vmem>>) offsets(%dma_start3A_335 : memref<12xi32, #tpu.memory_space<vmem>>) semaphore(%arg12 : memref<!tpu.dma_semaphore, #tpu.memory_space<semaphore_mem>>)
      %mul3A_339 = arith.constant 8 : i32
      %mul3A_340 = arith.muli %add3A_194, %mul3A_339 : i32
      %add3A_341 = arith.constant 6 : i32
      %add3A_342 = arith.addi %mul3A_340, %add3A_341 : i32
      %mul3A_343 = arith.constant 16 : i32
      %mul3A_344 = arith.muli %add3A_342, %mul3A_343 : i32
      %dma_start3A_345 = arith.constant 6 : i32
      %dma_start3A_346 = arith.constant 0 : i32
      %dma_start3A_347 = arith.constant 0 : i32
      %dma_start3A_348 = tpu.memref_slice %arg9[%dma_start3A_345, %dma_start3A_346, %dma_start3A_347] : memref<8x12x128xf32, #tpu.memory_space<vmem>> -> memref<1x12x128xf32, #tpu.memory_space<vmem>>
      %dma_start3A_349 = tpu.memref_squeeze %dma_start3A_348 : memref<1x12x128xf32, #tpu.memory_space<vmem>> -> memref<12x128xf32, #tpu.memory_space<vmem>>
      %dma_start3A_350 = tpu.memref_slice %arg6[%mul3A_344] : memref<8192xi32, #tpu.memory_space<vmem>> -> memref<12xi32, #tpu.memory_space<vmem>>
      %dma_start3A_351 = arith.constant 0 : i32
      %dma_start3A_352 = arith.constant 0 : i32
      %dma_start3A_353 = tpu.memref_slice %arg3[%dma_start3A_351, %dma_start3A_352] : memref<348x128xf32, #tpu.memory_space<hbm>> -> memref<348x128xf32, #tpu.memory_space<hbm>>
      tpu.enqueue_indirect_dma source(%dma_start3A_353 : memref<348x128xf32, #tpu.memory_space<hbm>>) target(%dma_start3A_349 : memref<12x128xf32, #tpu.memory_space<vmem>>) offsets(%dma_start3A_350 : memref<12xi32, #tpu.memory_space<vmem>>) semaphore(%arg12 : memref<!tpu.dma_semaphore, #tpu.memory_space<semaphore_mem>>)
      %dma_start3A_354 = arith.constant 6 : i32
      %dma_start3A_355 = arith.constant 0 : i32
      %dma_start3A_356 = arith.constant 0 : i32
      %dma_start3A_357 = tpu.memref_slice %arg10[%dma_start3A_354, %dma_start3A_355, %dma_start3A_356] : memref<8x12x128xf32, #tpu.memory_space<vmem>> -> memref<1x12x128xf32, #tpu.memory_space<vmem>>
      %dma_start3A_358 = tpu.memref_squeeze %dma_start3A_357 : memref<1x12x128xf32, #tpu.memory_space<vmem>> -> memref<12x128xf32, #tpu.memory_space<vmem>>
      %dma_start3A_359 = tpu.memref_slice %arg6[%mul3A_344] : memref<8192xi32, #tpu.memory_space<vmem>> -> memref<12xi32, #tpu.memory_space<vmem>>
      %dma_start3A_360 = arith.constant 0 : i32
      %dma_start3A_361 = arith.constant 0 : i32
      %dma_start3A_362 = tpu.memref_slice %arg4[%dma_start3A_360, %dma_start3A_361] : memref<348x128xf32, #tpu.memory_space<hbm>> -> memref<348x128xf32, #tpu.memory_space<hbm>>
      tpu.enqueue_indirect_dma source(%dma_start3A_362 : memref<348x128xf32, #tpu.memory_space<hbm>>) target(%dma_start3A_358 : memref<12x128xf32, #tpu.memory_space<vmem>>) offsets(%dma_start3A_359 : memref<12xi32, #tpu.memory_space<vmem>>) semaphore(%arg12 : memref<!tpu.dma_semaphore, #tpu.memory_space<semaphore_mem>>)
      %mul3A_363 = arith.constant 8 : i32
      %mul3A_364 = arith.muli %add3A_194, %mul3A_363 : i32
      %add3A_365 = arith.constant 7 : i32
      %add3A_366 = arith.addi %mul3A_364, %add3A_365 : i32
      %mul3A_367 = arith.constant 16 : i32
      %mul3A_368 = arith.muli %add3A_366, %mul3A_367 : i32
      %dma_start3A_369 = arith.constant 7 : i32
      %dma_start3A_370 = arith.constant 0 : i32
      %dma_start3A_371 = arith.constant 0 : i32
      %dma_start3A_372 = tpu.memref_slice %arg9[%dma_start3A_369, %dma_start3A_370, %dma_start3A_371] : memref<8x12x128xf32, #tpu.memory_space<vmem>> -> memref<1x12x128xf32, #tpu.memory_space<vmem>>
      %dma_start3A_373 = tpu.memref_squeeze %dma_start3A_372 : memref<1x12x128xf32, #tpu.memory_space<vmem>> -> memref<12x128xf32, #tpu.memory_space<vmem>>
      %dma_start3A_374 = tpu.memref_slice %arg6[%mul3A_368] : memref<8192xi32, #tpu.memory_space<vmem>> -> memref<12xi32, #tpu.memory_space<vmem>>
      %dma_start3A_375 = arith.constant 0 : i32
      %dma_start3A_376 = arith.constant 0 : i32
      %dma_start3A_377 = tpu.memref_slice %arg3[%dma_start3A_375, %dma_start3A_376] : memref<348x128xf32, #tpu.memory_space<hbm>> -> memref<348x128xf32, #tpu.memory_space<hbm>>
      tpu.enqueue_indirect_dma source(%dma_start3A_377 : memref<348x128xf32, #tpu.memory_space<hbm>>) target(%dma_start3A_373 : memref<12x128xf32, #tpu.memory_space<vmem>>) offsets(%dma_start3A_374 : memref<12xi32, #tpu.memory_space<vmem>>) semaphore(%arg12 : memref<!tpu.dma_semaphore, #tpu.memory_space<semaphore_mem>>)
      %dma_start3A_378 = arith.constant 7 : i32
      %dma_start3A_379 = arith.constant 0 : i32
      %dma_start3A_380 = arith.constant 0 : i32
      %dma_start3A_381 = tpu.memref_slice %arg10[%dma_start3A_378, %dma_start3A_379, %dma_start3A_380] : memref<8x12x128xf32, #tpu.memory_space<vmem>> -> memref<1x12x128xf32, #tpu.memory_space<vmem>>
      %dma_start3A_382 = tpu.memref_squeeze %dma_start3A_381 : memref<1x12x128xf32, #tpu.memory_space<vmem>> -> memref<12x128xf32, #tpu.memory_space<vmem>>
      %dma_start3A_383 = tpu.memref_slice %arg6[%mul3A_368] : memref<8192xi32, #tpu.memory_space<vmem>> -> memref<12xi32, #tpu.memory_space<vmem>>
      %dma_start3A_384 = arith.constant 0 : i32
      %dma_start3A_385 = arith.constant 0 : i32
      %dma_start3A_386 = tpu.memref_slice %arg4[%dma_start3A_384, %dma_start3A_385] : memref<348x128xf32, #tpu.memory_space<hbm>> -> memref<348x128xf32, #tpu.memory_space<hbm>>
      tpu.enqueue_indirect_dma source(%dma_start3A_386 : memref<348x128xf32, #tpu.memory_space<hbm>>) target(%dma_start3A_382 : memref<12x128xf32, #tpu.memory_space<vmem>>) offsets(%dma_start3A_383 : memref<12xi32, #tpu.memory_space<vmem>>) semaphore(%arg12 : memref<!tpu.dma_semaphore, #tpu.memory_space<semaphore_mem>>)
      %dma_wait3A = arith.constant 0 : i32
      %dma_wait3A_387 = arith.constant 0 : i32
      %dma_wait3A_388 = arith.constant 0 : i32
      %dma_wait3A_389 = tpu.memref_slice %arg7[%dma_wait3A, %dma_wait3A_387, %dma_wait3A_388] : memref<8x12x128xf32, #tpu.memory_space<vmem>> -> memref<1x12x128xf32, #tpu.memory_space<vmem>>
      %dma_wait3A_390 = tpu.memref_squeeze %dma_wait3A_389 : memref<1x12x128xf32, #tpu.memory_space<vmem>> -> memref<12x128xf32, #tpu.memory_space<vmem>>
      %dma_wait3A_391 = arith.constant 0 : i32
      %dma_wait3A_392 = tpu.memref_slice %arg6[%dma_wait3A_391] : memref<8192xi32, #tpu.memory_space<vmem>> -> memref<12xi32, #tpu.memory_space<vmem>>
      %dma_wait3A_393 = arith.constant 0 : i32
      %dma_wait3A_394 = arith.constant 0 : i32
      %dma_wait3A_395 = tpu.memref_slice %arg3[%dma_wait3A_393, %dma_wait3A_394] : memref<348x128xf32, #tpu.memory_space<hbm>> -> memref<348x128xf32, #tpu.memory_space<hbm>>
      tpu.wait_indirect_dma semaphore(%arg11 : memref<!tpu.dma_semaphore, #tpu.memory_space<semaphore_mem>>) src(%dma_wait3A_395 : memref<348x128xf32, #tpu.memory_space<hbm>>) dst(%dma_wait3A_390 : memref<12x128xf32, #tpu.memory_space<vmem>>)
      %dma_wait3A_396 = arith.constant 0 : i32
      %dma_wait3A_397 = arith.constant 0 : i32
      %dma_wait3A_398 = arith.constant 0 : i32
      %dma_wait3A_399 = tpu.memref_slice %arg8[%dma_wait3A_396, %dma_wait3A_397, %dma_wait3A_398] : memref<8x12x128xf32, #tpu.memory_space<vmem>> -> memref<1x12x128xf32, #tpu.memory_space<vmem>>
      %dma_wait3A_400 = tpu.memref_squeeze %dma_wait3A_399 : memref<1x12x128xf32, #tpu.memory_space<vmem>> -> memref<12x128xf32, #tpu.memory_space<vmem>>
      %dma_wait3A_401 = arith.constant 0 : i32
      %dma_wait3A_402 = tpu.memref_slice %arg6[%dma_wait3A_401] : memref<8192xi32, #tpu.memory_space<vmem>> -> memref<12xi32, #tpu.memory_space<vmem>>
      %dma_wait3A_403 = arith.constant 0 : i32
      %dma_wait3A_404 = arith.constant 0 : i32
      %dma_wait3A_405 = tpu.memref_slice %arg4[%dma_wait3A_403, %dma_wait3A_404] : memref<348x128xf32, #tpu.memory_space<hbm>> -> memref<348x128xf32, #tpu.memory_space<hbm>>
      tpu.wait_indirect_dma semaphore(%arg11 : memref<!tpu.dma_semaphore, #tpu.memory_space<semaphore_mem>>) src(%dma_wait3A_405 : memref<348x128xf32, #tpu.memory_space<hbm>>) dst(%dma_wait3A_400 : memref<12x128xf32, #tpu.memory_space<vmem>>)
      %dma_wait3A_406 = arith.constant 1 : i32
      %dma_wait3A_407 = arith.constant 0 : i32
      %dma_wait3A_408 = arith.constant 0 : i32
      %dma_wait3A_409 = tpu.memref_slice %arg7[%dma_wait3A_406, %dma_wait3A_407, %dma_wait3A_408] : memref<8x12x128xf32, #tpu.memory_space<vmem>> -> memref<1x12x128xf32, #tpu.memory_space<vmem>>
      %dma_wait3A_410 = tpu.memref_squeeze %dma_wait3A_409 : memref<1x12x128xf32, #tpu.memory_space<vmem>> -> memref<12x128xf32, #tpu.memory_space<vmem>>
      %dma_wait3A_411 = arith.constant 0 : i32
      %dma_wait3A_412 = tpu.memref_slice %arg6[%dma_wait3A_411] : memref<8192xi32, #tpu.memory_space<vmem>> -> memref<12xi32, #tpu.memory_space<vmem>>
      %dma_wait3A_413 = arith.constant 0 : i32
      %dma_wait3A_414 = arith.constant 0 : i32
      %dma_wait3A_415 = tpu.memref_slice %arg3[%dma_wait3A_413, %dma_wait3A_414] : memref<348x128xf32, #tpu.memory_space<hbm>> -> memref<348x128xf32, #tpu.memory_space<hbm>>
      tpu.wait_indirect_dma semaphore(%arg11 : memref<!tpu.dma_semaphore, #tpu.memory_space<semaphore_mem>>) src(%dma_wait3A_415 : memref<348x128xf32, #tpu.memory_space<hbm>>) dst(%dma_wait3A_410 : memref<12x128xf32, #tpu.memory_space<vmem>>)
      %dma_wait3A_416 = arith.constant 1 : i32
      %dma_wait3A_417 = arith.constant 0 : i32
      %dma_wait3A_418 = arith.constant 0 : i32
      %dma_wait3A_419 = tpu.memref_slice %arg8[%dma_wait3A_416, %dma_wait3A_417, %dma_wait3A_418] : memref<8x12x128xf32, #tpu.memory_space<vmem>> -> memref<1x12x128xf32, #tpu.memory_space<vmem>>
      %dma_wait3A_420 = tpu.memref_squeeze %dma_wait3A_419 : memref<1x12x128xf32, #tpu.memory_space<vmem>> -> memref<12x128xf32, #tpu.memory_space<vmem>>
      %dma_wait3A_421 = arith.constant 0 : i32
      %dma_wait3A_422 = tpu.memref_slice %arg6[%dma_wait3A_421] : memref<8192xi32, #tpu.memory_space<vmem>> -> memref<12xi32, #tpu.memory_space<vmem>>
      %dma_wait3A_423 = arith.constant 0 : i32
      %dma_wait3A_424 = arith.constant 0 : i32
      %dma_wait3A_425 = tpu.memref_slice %arg4[%dma_wait3A_423, %dma_wait3A_424] : memref<348x128xf32, #tpu.memory_space<hbm>> -> memref<348x128xf32, #tpu.memory_space<hbm>>
      tpu.wait_indirect_dma semaphore(%arg11 : memref<!tpu.dma_semaphore, #tpu.memory_space<semaphore_mem>>) src(%dma_wait3A_425 : memref<348x128xf32, #tpu.memory_space<hbm>>) dst(%dma_wait3A_420 : memref<12x128xf32, #tpu.memory_space<vmem>>)
      %dma_wait3A_426 = arith.constant 2 : i32
      %dma_wait3A_427 = arith.constant 0 : i32
      %dma_wait3A_428 = arith.constant 0 : i32
      %dma_wait3A_429 = tpu.memref_slice %arg7[%dma_wait3A_426, %dma_wait3A_427, %dma_wait3A_428] : memref<8x12x128xf32, #tpu.memory_space<vmem>> -> memref<1x12x128xf32, #tpu.memory_space<vmem>>
      %dma_wait3A_430 = tpu.memref_squeeze %dma_wait3A_429 : memref<1x12x128xf32, #tpu.memory_space<vmem>> -> memref<12x128xf32, #tpu.memory_space<vmem>>
      %dma_wait3A_431 = arith.constant 0 : i32
      %dma_wait3A_432 = tpu.memref_slice %arg6[%dma_wait3A_431] : memref<8192xi32, #tpu.memory_space<vmem>> -> memref<12xi32, #tpu.memory_space<vmem>>
      %dma_wait3A_433 = arith.constant 0 : i32
      %dma_wait3A_434 = arith.constant 0 : i32
      %dma_wait3A_435 = tpu.memref_slice %arg3[%dma_wait3A_433, %dma_wait3A_434] : memref<348x128xf32, #tpu.memory_space<hbm>> -> memref<348x128xf32, #tpu.memory_space<hbm>>
      tpu.wait_indirect_dma semaphore(%arg11 : memref<!tpu.dma_semaphore, #tpu.memory_space<semaphore_mem>>) src(%dma_wait3A_435 : memref<348x128xf32, #tpu.memory_space<hbm>>) dst(%dma_wait3A_430 : memref<12x128xf32, #tpu.memory_space<vmem>>)
      %dma_wait3A_436 = arith.constant 2 : i32
      %dma_wait3A_437 = arith.constant 0 : i32
      %dma_wait3A_438 = arith.constant 0 : i32
      %dma_wait3A_439 = tpu.memref_slice %arg8[%dma_wait3A_436, %dma_wait3A_437, %dma_wait3A_438] : memref<8x12x128xf32, #tpu.memory_space<vmem>> -> memref<1x12x128xf32, #tpu.memory_space<vmem>>
      %dma_wait3A_440 = tpu.memref_squeeze %dma_wait3A_439 : memref<1x12x128xf32, #tpu.memory_space<vmem>> -> memref<12x128xf32, #tpu.memory_space<vmem>>
      %dma_wait3A_441 = arith.constant 0 : i32
      %dma_wait3A_442 = tpu.memref_slice %arg6[%dma_wait3A_441] : memref<8192xi32, #tpu.memory_space<vmem>> -> memref<12xi32, #tpu.memory_space<vmem>>
      %dma_wait3A_443 = arith.constant 0 : i32
      %dma_wait3A_444 = arith.constant 0 : i32
      %dma_wait3A_445 = tpu.memref_slice %arg4[%dma_wait3A_443, %dma_wait3A_444] : memref<348x128xf32, #tpu.memory_space<hbm>> -> memref<348x128xf32, #tpu.memory_space<hbm>>
      tpu.wait_indirect_dma semaphore(%arg11 : memref<!tpu.dma_semaphore, #tpu.memory_space<semaphore_mem>>) src(%dma_wait3A_445 : memref<348x128xf32, #tpu.memory_space<hbm>>) dst(%dma_wait3A_440 : memref<12x128xf32, #tpu.memory_space<vmem>>)
      %dma_wait3A_446 = arith.constant 3 : i32
      %dma_wait3A_447 = arith.constant 0 : i32
      %dma_wait3A_448 = arith.constant 0 : i32
      %dma_wait3A_449 = tpu.memref_slice %arg7[%dma_wait3A_446, %dma_wait3A_447, %dma_wait3A_448] : memref<8x12x128xf32, #tpu.memory_space<vmem>> -> memref<1x12x128xf32, #tpu.memory_space<vmem>>
      %dma_wait3A_450 = tpu.memref_squeeze %dma_wait3A_449 : memref<1x12x128xf32, #tpu.memory_space<vmem>> -> memref<12x128xf32, #tpu.memory_space<vmem>>
      %dma_wait3A_451 = arith.constant 0 : i32
      %dma_wait3A_452 = tpu.memref_slice %arg6[%dma_wait3A_451] : memref<8192xi32, #tpu.memory_space<vmem>> -> memref<12xi32, #tpu.memory_space<vmem>>
      %dma_wait3A_453 = arith.constant 0 : i32
      %dma_wait3A_454 = arith.constant 0 : i32
      %dma_wait3A_455 = tpu.memref_slice %arg3[%dma_wait3A_453, %dma_wait3A_454] : memref<348x128xf32, #tpu.memory_space<hbm>> -> memref<348x128xf32, #tpu.memory_space<hbm>>
      tpu.wait_indirect_dma semaphore(%arg11 : memref<!tpu.dma_semaphore, #tpu.memory_space<semaphore_mem>>) src(%dma_wait3A_455 : memref<348x128xf32, #tpu.memory_space<hbm>>) dst(%dma_wait3A_450 : memref<12x128xf32, #tpu.memory_space<vmem>>)
      %dma_wait3A_456 = arith.constant 3 : i32
      %dma_wait3A_457 = arith.constant 0 : i32
      %dma_wait3A_458 = arith.constant 0 : i32
      %dma_wait3A_459 = tpu.memref_slice %arg8[%dma_wait3A_456, %dma_wait3A_457, %dma_wait3A_458] : memref<8x12x128xf32, #tpu.memory_space<vmem>> -> memref<1x12x128xf32, #tpu.memory_space<vmem>>
      %dma_wait3A_460 = tpu.memref_squeeze %dma_wait3A_459 : memref<1x12x128xf32, #tpu.memory_space<vmem>> -> memref<12x128xf32, #tpu.memory_space<vmem>>
      %dma_wait3A_461 = arith.constant 0 : i32
      %dma_wait3A_462 = tpu.memref_slice %arg6[%dma_wait3A_461] : memref<8192xi32, #tpu.memory_space<vmem>> -> memref<12xi32, #tpu.memory_space<vmem>>
      %dma_wait3A_463 = arith.constant 0 : i32
      %dma_wait3A_464 = arith.constant 0 : i32
      %dma_wait3A_465 = tpu.memref_slice %arg4[%dma_wait3A_463, %dma_wait3A_464] : memref<348x128xf32, #tpu.memory_space<hbm>> -> memref<348x128xf32, #tpu.memory_space<hbm>>
      tpu.wait_indirect_dma semaphore(%arg11 : memref<!tpu.dma_semaphore, #tpu.memory_space<semaphore_mem>>) src(%dma_wait3A_465 : memref<348x128xf32, #tpu.memory_space<hbm>>) dst(%dma_wait3A_460 : memref<12x128xf32, #tpu.memory_space<vmem>>)
      %dma_wait3A_466 = arith.constant 4 : i32
      %dma_wait3A_467 = arith.constant 0 : i32
      %dma_wait3A_468 = arith.constant 0 : i32
      %dma_wait3A_469 = tpu.memref_slice %arg7[%dma_wait3A_466, %dma_wait3A_467, %dma_wait3A_468] : memref<8x12x128xf32, #tpu.memory_space<vmem>> -> memref<1x12x128xf32, #tpu.memory_space<vmem>>
      %dma_wait3A_470 = tpu.memref_squeeze %dma_wait3A_469 : memref<1x12x128xf32, #tpu.memory_space<vmem>> -> memref<12x128xf32, #tpu.memory_space<vmem>>
      %dma_wait3A_471 = arith.constant 0 : i32
      %dma_wait3A_472 = tpu.memref_slice %arg6[%dma_wait3A_471] : memref<8192xi32, #tpu.memory_space<vmem>> -> memref<12xi32, #tpu.memory_space<vmem>>
      %dma_wait3A_473 = arith.constant 0 : i32
      %dma_wait3A_474 = arith.constant 0 : i32
      %dma_wait3A_475 = tpu.memref_slice %arg3[%dma_wait3A_473, %dma_wait3A_474] : memref<348x128xf32, #tpu.memory_space<hbm>> -> memref<348x128xf32, #tpu.memory_space<hbm>>
      tpu.wait_indirect_dma semaphore(%arg11 : memref<!tpu.dma_semaphore, #tpu.memory_space<semaphore_mem>>) src(%dma_wait3A_475 : memref<348x128xf32, #tpu.memory_space<hbm>>) dst(%dma_wait3A_470 : memref<12x128xf32, #tpu.memory_space<vmem>>)
      %dma_wait3A_476 = arith.constant 4 : i32
      %dma_wait3A_477 = arith.constant 0 : i32
      %dma_wait3A_478 = arith.constant 0 : i32
      %dma_wait3A_479 = tpu.memref_slice %arg8[%dma_wait3A_476, %dma_wait3A_477, %dma_wait3A_478] : memref<8x12x128xf32, #tpu.memory_space<vmem>> -> memref<1x12x128xf32, #tpu.memory_space<vmem>>
      %dma_wait3A_480 = tpu.memref_squeeze %dma_wait3A_479 : memref<1x12x128xf32, #tpu.memory_space<vmem>> -> memref<12x128xf32, #tpu.memory_space<vmem>>
      %dma_wait3A_481 = arith.constant 0 : i32
      %dma_wait3A_482 = tpu.memref_slice %arg6[%dma_wait3A_481] : memref<8192xi32, #tpu.memory_space<vmem>> -> memref<12xi32, #tpu.memory_space<vmem>>
      %dma_wait3A_483 = arith.constant 0 : i32
      %dma_wait3A_484 = arith.constant 0 : i32
      %dma_wait3A_485 = tpu.memref_slice %arg4[%dma_wait3A_483, %dma_wait3A_484] : memref<348x128xf32, #tpu.memory_space<hbm>> -> memref<348x128xf32, #tpu.memory_space<hbm>>
      tpu.wait_indirect_dma semaphore(%arg11 : memref<!tpu.dma_semaphore, #tpu.memory_space<semaphore_mem>>) src(%dma_wait3A_485 : memref<348x128xf32, #tpu.memory_space<hbm>>) dst(%dma_wait3A_480 : memref<12x128xf32, #tpu.memory_space<vmem>>)
      %dma_wait3A_486 = arith.constant 5 : i32
      %dma_wait3A_487 = arith.constant 0 : i32
      %dma_wait3A_488 = arith.constant 0 : i32
      %dma_wait3A_489 = tpu.memref_slice %arg7[%dma_wait3A_486, %dma_wait3A_487, %dma_wait3A_488] : memref<8x12x128xf32, #tpu.memory_space<vmem>> -> memref<1x12x128xf32, #tpu.memory_space<vmem>>
      %dma_wait3A_490 = tpu.memref_squeeze %dma_wait3A_489 : memref<1x12x128xf32, #tpu.memory_space<vmem>> -> memref<12x128xf32, #tpu.memory_space<vmem>>
      %dma_wait3A_491 = arith.constant 0 : i32
      %dma_wait3A_492 = tpu.memref_slice %arg6[%dma_wait3A_491] : memref<8192xi32, #tpu.memory_space<vmem>> -> memref<12xi32, #tpu.memory_space<vmem>>
      %dma_wait3A_493 = arith.constant 0 : i32
      %dma_wait3A_494 = arith.constant 0 : i32
      %dma_wait3A_495 = tpu.memref_slice %arg3[%dma_wait3A_493, %dma_wait3A_494] : memref<348x128xf32, #tpu.memory_space<hbm>> -> memref<348x128xf32, #tpu.memory_space<hbm>>
      tpu.wait_indirect_dma semaphore(%arg11 : memref<!tpu.dma_semaphore, #tpu.memory_space<semaphore_mem>>) src(%dma_wait3A_495 : memref<348x128xf32, #tpu.memory_space<hbm>>) dst(%dma_wait3A_490 : memref<12x128xf32, #tpu.memory_space<vmem>>)
      %dma_wait3A_496 = arith.constant 5 : i32
      %dma_wait3A_497 = arith.constant 0 : i32
      %dma_wait3A_498 = arith.constant 0 : i32
      %dma_wait3A_499 = tpu.memref_slice %arg8[%dma_wait3A_496, %dma_wait3A_497, %dma_wait3A_498] : memref<8x12x128xf32, #tpu.memory_space<vmem>> -> memref<1x12x128xf32, #tpu.memory_space<vmem>>
      %dma_wait3A_500 = tpu.memref_squeeze %dma_wait3A_499 : memref<1x12x128xf32, #tpu.memory_space<vmem>> -> memref<12x128xf32, #tpu.memory_space<vmem>>
      %dma_wait3A_501 = arith.constant 0 : i32
      %dma_wait3A_502 = tpu.memref_slice %arg6[%dma_wait3A_501] : memref<8192xi32, #tpu.memory_space<vmem>> -> memref<12xi32, #tpu.memory_space<vmem>>
      %dma_wait3A_503 = arith.constant 0 : i32
      %dma_wait3A_504 = arith.constant 0 : i32
      %dma_wait3A_505 = tpu.memref_slice %arg4[%dma_wait3A_503, %dma_wait3A_504] : memref<348x128xf32, #tpu.memory_space<hbm>> -> memref<348x128xf32, #tpu.memory_space<hbm>>
      tpu.wait_indirect_dma semaphore(%arg11 : memref<!tpu.dma_semaphore, #tpu.memory_space<semaphore_mem>>) src(%dma_wait3A_505 : memref<348x128xf32, #tpu.memory_space<hbm>>) dst(%dma_wait3A_500 : memref<12x128xf32, #tpu.memory_space<vmem>>)
      %dma_wait3A_506 = arith.constant 6 : i32
      %dma_wait3A_507 = arith.constant 0 : i32
      %dma_wait3A_508 = arith.constant 0 : i32
      %dma_wait3A_509 = tpu.memref_slice %arg7[%dma_wait3A_506, %dma_wait3A_507, %dma_wait3A_508] : memref<8x12x128xf32, #tpu.memory_space<vmem>> -> memref<1x12x128xf32, #tpu.memory_space<vmem>>
      %dma_wait3A_510 = tpu.memref_squeeze %dma_wait3A_509 : memref<1x12x128xf32, #tpu.memory_space<vmem>> -> memref<12x128xf32, #tpu.memory_space<vmem>>
      %dma_wait3A_511 = arith.constant 0 : i32
      %dma_wait3A_512 = tpu.memref_slice %arg6[%dma_wait3A_511] : memref<8192xi32, #tpu.memory_space<vmem>> -> memref<12xi32, #tpu.memory_space<vmem>>
      %dma_wait3A_513 = arith.constant 0 : i32
      %dma_wait3A_514 = arith.constant 0 : i32
      %dma_wait3A_515 = tpu.memref_slice %arg3[%dma_wait3A_513, %dma_wait3A_514] : memref<348x128xf32, #tpu.memory_space<hbm>> -> memref<348x128xf32, #tpu.memory_space<hbm>>
      tpu.wait_indirect_dma semaphore(%arg11 : memref<!tpu.dma_semaphore, #tpu.memory_space<semaphore_mem>>) src(%dma_wait3A_515 : memref<348x128xf32, #tpu.memory_space<hbm>>) dst(%dma_wait3A_510 : memref<12x128xf32, #tpu.memory_space<vmem>>)
      %dma_wait3A_516 = arith.constant 6 : i32
      %dma_wait3A_517 = arith.constant 0 : i32
      %dma_wait3A_518 = arith.constant 0 : i32
      %dma_wait3A_519 = tpu.memref_slice %arg8[%dma_wait3A_516, %dma_wait3A_517, %dma_wait3A_518] : memref<8x12x128xf32, #tpu.memory_space<vmem>> -> memref<1x12x128xf32, #tpu.memory_space<vmem>>
      %dma_wait3A_520 = tpu.memref_squeeze %dma_wait3A_519 : memref<1x12x128xf32, #tpu.memory_space<vmem>> -> memref<12x128xf32, #tpu.memory_space<vmem>>
      %dma_wait3A_521 = arith.constant 0 : i32
      %dma_wait3A_522 = tpu.memref_slice %arg6[%dma_wait3A_521] : memref<8192xi32, #tpu.memory_space<vmem>> -> memref<12xi32, #tpu.memory_space<vmem>>
      %dma_wait3A_523 = arith.constant 0 : i32
      %dma_wait3A_524 = arith.constant 0 : i32
      %dma_wait3A_525 = tpu.memref_slice %arg4[%dma_wait3A_523, %dma_wait3A_524] : memref<348x128xf32, #tpu.memory_space<hbm>> -> memref<348x128xf32, #tpu.memory_space<hbm>>
      tpu.wait_indirect_dma semaphore(%arg11 : memref<!tpu.dma_semaphore, #tpu.memory_space<semaphore_mem>>) src(%dma_wait3A_525 : memref<348x128xf32, #tpu.memory_space<hbm>>) dst(%dma_wait3A_520 : memref<12x128xf32, #tpu.memory_space<vmem>>)
      %dma_wait3A_526 = arith.constant 7 : i32
      %dma_wait3A_527 = arith.constant 0 : i32
      %dma_wait3A_528 = arith.constant 0 : i32
      %dma_wait3A_529 = tpu.memref_slice %arg7[%dma_wait3A_526, %dma_wait3A_527, %dma_wait3A_528] : memref<8x12x128xf32, #tpu.memory_space<vmem>> -> memref<1x12x128xf32, #tpu.memory_space<vmem>>
      %dma_wait3A_530 = tpu.memref_squeeze %dma_wait3A_529 : memref<1x12x128xf32, #tpu.memory_space<vmem>> -> memref<12x128xf32, #tpu.memory_space<vmem>>
      %dma_wait3A_531 = arith.constant 0 : i32
      %dma_wait3A_532 = tpu.memref_slice %arg6[%dma_wait3A_531] : memref<8192xi32, #tpu.memory_space<vmem>> -> memref<12xi32, #tpu.memory_space<vmem>>
      %dma_wait3A_533 = arith.constant 0 : i32
      %dma_wait3A_534 = arith.constant 0 : i32
      %dma_wait3A_535 = tpu.memref_slice %arg3[%dma_wait3A_533, %dma_wait3A_534] : memref<348x128xf32, #tpu.memory_space<hbm>> -> memref<348x128xf32, #tpu.memory_space<hbm>>
      tpu.wait_indirect_dma semaphore(%arg11 : memref<!tpu.dma_semaphore, #tpu.memory_space<semaphore_mem>>) src(%dma_wait3A_535 : memref<348x128xf32, #tpu.memory_space<hbm>>) dst(%dma_wait3A_530 : memref<12x128xf32, #tpu.memory_space<vmem>>)
      %dma_wait3A_536 = arith.constant 7 : i32
      %dma_wait3A_537 = arith.constant 0 : i32
      %dma_wait3A_538 = arith.constant 0 : i32
      %dma_wait3A_539 = tpu.memref_slice %arg8[%dma_wait3A_536, %dma_wait3A_537, %dma_wait3A_538] : memref<8x12x128xf32, #tpu.memory_space<vmem>> -> memref<1x12x128xf32, #tpu.memory_space<vmem>>
      %dma_wait3A_540 = tpu.memref_squeeze %dma_wait3A_539 : memref<1x12x128xf32, #tpu.memory_space<vmem>> -> memref<12x128xf32, #tpu.memory_space<vmem>>
      %dma_wait3A_541 = arith.constant 0 : i32
      %dma_wait3A_542 = tpu.memref_slice %arg6[%dma_wait3A_541] : memref<8192xi32, #tpu.memory_space<vmem>> -> memref<12xi32, #tpu.memory_space<vmem>>
      %dma_wait3A_543 = arith.constant 0 : i32
      %dma_wait3A_544 = arith.constant 0 : i32
      %dma_wait3A_545 = tpu.memref_slice %arg4[%dma_wait3A_543, %dma_wait3A_544] : memref<348x128xf32, #tpu.memory_space<hbm>> -> memref<348x128xf32, #tpu.memory_space<hbm>>
      tpu.wait_indirect_dma semaphore(%arg11 : memref<!tpu.dma_semaphore, #tpu.memory_space<semaphore_mem>>) src(%dma_wait3A_545 : memref<348x128xf32, #tpu.memory_space<hbm>>) dst(%dma_wait3A_540 : memref<12x128xf32, #tpu.memory_space<vmem>>)
      %mul3A_546 = arith.constant 8 : i32
      %mul3A_547 = arith.muli %mul3A_192, %mul3A_546 : i32
      %add3A_548 = arith.addi %mul3A_2, %mul3A_547 : i32
      "tpu.region"() ({
        %run_scoped3A = tpu.sem_alloc : memref<!tpu.dma_semaphore, #tpu.memory_space<semaphore_mem>>
        %dma_start3A_719 = arith.constant 0 : i32
        %dma_start3A_720 = arith.constant 0 : i32
        %dma_start3A_721 = tpu.memref_slice %arg5[%add3A_548, %dma_start3A_719, %dma_start3A_720] : memref<16384x12x256xf32, #tpu.memory_space<hbm>> -> memref<8x12x128xf32, #tpu.memory_space<hbm>>
        %dma_start3A_722 = arith.constant 0 : i32
        %dma_start3A_723 = arith.constant 0 : i32
        %dma_start3A_724 = tpu.memref_slice %arg5[%add3A_548, %dma_start3A_722, %dma_start3A_723] : memref<16384x12x256xf32, #tpu.memory_space<hbm>> -> memref<8x12x128xf32, #tpu.memory_space<hbm>>
        tpu.enqueue_dma source(%arg7 : memref<8x12x128xf32, #tpu.memory_space<vmem>>) target(%dma_start3A_724 : memref<8x12x128xf32, #tpu.memory_space<hbm>>) target_semaphore(%run_scoped3A : memref<!tpu.dma_semaphore, #tpu.memory_space<semaphore_mem>>)
        %dma_wait3A_725 = arith.constant 0 : i32
        %dma_wait3A_726 = arith.constant 0 : i32
        %dma_wait3A_727 = tpu.memref_slice %arg5[%add3A_548, %dma_wait3A_725, %dma_wait3A_726] : memref<16384x12x256xf32, #tpu.memory_space<hbm>> -> memref<8x12x128xf32, #tpu.memory_space<hbm>>
        %dma_wait3A_728 = arith.constant 0 : i32
        %dma_wait3A_729 = arith.constant 0 : i32
        %dma_wait3A_730 = tpu.memref_slice %arg5[%add3A_548, %dma_wait3A_728, %dma_wait3A_729] : memref<16384x12x256xf32, #tpu.memory_space<hbm>> -> memref<8x12x128xf32, #tpu.memory_space<hbm>>
        tpu.wait_dma2 semaphore(%run_scoped3A : memref<!tpu.dma_semaphore, #tpu.memory_space<semaphore_mem>>) src(%arg7 : memref<8x12x128xf32, #tpu.memory_space<vmem>>) dst(%dma_wait3A_730 : memref<8x12x128xf32, #tpu.memory_space<hbm>>)
        tpu.yield
      }) : () -> ()
      "tpu.region"() ({
        %run_scoped3A = tpu.sem_alloc : memref<!tpu.dma_semaphore, #tpu.memory_space<semaphore_mem>>
        %dma_start3A_719 = arith.constant 0 : i32
        %dma_start3A_720 = arith.constant 128 : i32
        %dma_start3A_721 = tpu.memref_slice %arg5[%add3A_548, %dma_start3A_719, %dma_start3A_720] : memref<16384x12x256xf32, #tpu.memory_space<hbm>> -> memref<8x12x128xf32, #tpu.memory_space<hbm>>
        %dma_start3A_722 = arith.constant 0 : i32
        %dma_start3A_723 = arith.constant 128 : i32
        %dma_start3A_724 = tpu.memref_slice %arg5[%add3A_548, %dma_start3A_722, %dma_start3A_723] : memref<16384x12x256xf32, #tpu.memory_space<hbm>> -> memref<8x12x128xf32, #tpu.memory_space<hbm>>
        tpu.enqueue_dma source(%arg8 : memref<8x12x128xf32, #tpu.memory_space<vmem>>) target(%dma_start3A_724 : memref<8x12x128xf32, #tpu.memory_space<hbm>>) target_semaphore(%run_scoped3A : memref<!tpu.dma_semaphore, #tpu.memory_space<semaphore_mem>>)
        %dma_wait3A_725 = arith.constant 0 : i32
        %dma_wait3A_726 = arith.constant 128 : i32
        %dma_wait3A_727 = tpu.memref_slice %arg5[%add3A_548, %dma_wait3A_725, %dma_wait3A_726] : memref<16384x12x256xf32, #tpu.memory_space<hbm>> -> memref<8x12x128xf32, #tpu.memory_space<hbm>>
        %dma_wait3A_728 = arith.constant 0 : i32
        %dma_wait3A_729 = arith.constant 128 : i32
        %dma_wait3A_730 = tpu.memref_slice %arg5[%add3A_548, %dma_wait3A_728, %dma_wait3A_729] : memref<16384x12x256xf32, #tpu.memory_space<hbm>> -> memref<8x12x128xf32, #tpu.memory_space<hbm>>
        tpu.wait_dma2 semaphore(%run_scoped3A : memref<!tpu.dma_semaphore, #tpu.memory_space<semaphore_mem>>) src(%arg8 : memref<8x12x128xf32, #tpu.memory_space<vmem>>) dst(%dma_wait3A_730 : memref<8x12x128xf32, #tpu.memory_space<hbm>>)
        tpu.yield
      }) : () -> ()
      %add3A_549 = arith.constant 2 : i32
      %add3A_550 = arith.addi %mul3A_192, %add3A_549 : i32
      %lt3A_551 = arith.constant 64 : i32
      %lt3A_552 = arith.cmpi slt, %add3A_550, %lt3A_551 : i32
      %convert_element_type3A = arith.extui %lt3A_552 : i1 to i32
      %cond3A = arith.constant 0 : i32
      %cond3A_553 = arith.cmpi ne, %convert_element_type3A, %cond3A : i32
      scf.if %cond3A_553 {
        %add3A_719 = arith.constant 2 : i32
        %add3A_720 = arith.addi %mul3A_192, %add3A_719 : i32
        %mul3A_721 = arith.constant 8 : i32
        %mul3A_722 = arith.muli %add3A_720, %mul3A_721 : i32
        %add3A_723 = arith.constant 0 : i32
        %add3A_724 = arith.addi %mul3A_722, %add3A_723 : i32
        %mul3A_725 = arith.constant 16 : i32
        %mul3A_726 = arith.muli %add3A_724, %mul3A_725 : i32
        %dma_start3A_727 = arith.constant 0 : i32
        %dma_start3A_728 = arith.constant 0 : i32
        %dma_start3A_729 = arith.constant 0 : i32
        %dma_start3A_730 = tpu.memref_slice %arg7[%dma_start3A_727, %dma_start3A_728, %dma_start3A_729] : memref<8x12x128xf32, #tpu.memory_space<vmem>> -> memref<1x12x128xf32, #tpu.memory_space<vmem>>
        %dma_start3A_731 = tpu.memref_squeeze %dma_start3A_730 : memref<1x12x128xf32, #tpu.memory_space<vmem>> -> memref<12x128xf32, #tpu.memory_space<vmem>>
        %dma_start3A_732 = tpu.memref_slice %arg6[%mul3A_726] : memref<8192xi32, #tpu.memory_space<vmem>> -> memref<12xi32, #tpu.memory_space<vmem>>
        %dma_start3A_733 = arith.constant 0 : i32
        %dma_start3A_734 = arith.constant 0 : i32
        %dma_start3A_735 = tpu.memref_slice %arg3[%dma_start3A_733, %dma_start3A_734] : memref<348x128xf32, #tpu.memory_space<hbm>> -> memref<348x128xf32, #tpu.memory_space<hbm>>
        tpu.enqueue_indirect_dma source(%dma_start3A_735 : memref<348x128xf32, #tpu.memory_space<hbm>>) target(%dma_start3A_731 : memref<12x128xf32, #tpu.memory_space<vmem>>) offsets(%dma_start3A_732 : memref<12xi32, #tpu.memory_space<vmem>>) semaphore(%arg11 : memref<!tpu.dma_semaphore, #tpu.memory_space<semaphore_mem>>)
        %dma_start3A_736 = arith.constant 0 : i32
        %dma_start3A_737 = arith.constant 0 : i32
        %dma_start3A_738 = arith.constant 0 : i32
        %dma_start3A_739 = tpu.memref_slice %arg8[%dma_start3A_736, %dma_start3A_737, %dma_start3A_738] : memref<8x12x128xf32, #tpu.memory_space<vmem>> -> memref<1x12x128xf32, #tpu.memory_space<vmem>>
        %dma_start3A_740 = tpu.memref_squeeze %dma_start3A_739 : memref<1x12x128xf32, #tpu.memory_space<vmem>> -> memref<12x128xf32, #tpu.memory_space<vmem>>
        %dma_start3A_741 = tpu.memref_slice %arg6[%mul3A_726] : memref<8192xi32, #tpu.memory_space<vmem>> -> memref<12xi32, #tpu.memory_space<vmem>>
        %dma_start3A_742 = arith.constant 0 : i32
        %dma_start3A_743 = arith.constant 0 : i32
        %dma_start3A_744 = tpu.memref_slice %arg4[%dma_start3A_742, %dma_start3A_743] : memref<348x128xf32, #tpu.memory_space<hbm>> -> memref<348x128xf32, #tpu.memory_space<hbm>>
        tpu.enqueue_indirect_dma source(%dma_start3A_744 : memref<348x128xf32, #tpu.memory_space<hbm>>) target(%dma_start3A_740 : memref<12x128xf32, #tpu.memory_space<vmem>>) offsets(%dma_start3A_741 : memref<12xi32, #tpu.memory_space<vmem>>) semaphore(%arg11 : memref<!tpu.dma_semaphore, #tpu.memory_space<semaphore_mem>>)
        %mul3A_745 = arith.constant 8 : i32
        %mul3A_746 = arith.muli %add3A_720, %mul3A_745 : i32
        %add3A_747 = arith.constant 1 : i32
        %add3A_748 = arith.addi %mul3A_746, %add3A_747 : i32
        %mul3A_749 = arith.constant 16 : i32
        %mul3A_750 = arith.muli %add3A_748, %mul3A_749 : i32
        %dma_start3A_751 = arith.constant 1 : i32
        %dma_start3A_752 = arith.constant 0 : i32
        %dma_start3A_753 = arith.constant 0 : i32
        %dma_start3A_754 = tpu.memref_slice %arg7[%dma_start3A_751, %dma_start3A_752, %dma_start3A_753] : memref<8x12x128xf32, #tpu.memory_space<vmem>> -> memref<1x12x128xf32, #tpu.memory_space<vmem>>
        %dma_start3A_755 = tpu.memref_squeeze %dma_start3A_754 : memref<1x12x128xf32, #tpu.memory_space<vmem>> -> memref<12x128xf32, #tpu.memory_space<vmem>>
        %dma_start3A_756 = tpu.memref_slice %arg6[%mul3A_750] : memref<8192xi32, #tpu.memory_space<vmem>> -> memref<12xi32, #tpu.memory_space<vmem>>
        %dma_start3A_757 = arith.constant 0 : i32
        %dma_start3A_758 = arith.constant 0 : i32
        %dma_start3A_759 = tpu.memref_slice %arg3[%dma_start3A_757, %dma_start3A_758] : memref<348x128xf32, #tpu.memory_space<hbm>> -> memref<348x128xf32, #tpu.memory_space<hbm>>
        tpu.enqueue_indirect_dma source(%dma_start3A_759 : memref<348x128xf32, #tpu.memory_space<hbm>>) target(%dma_start3A_755 : memref<12x128xf32, #tpu.memory_space<vmem>>) offsets(%dma_start3A_756 : memref<12xi32, #tpu.memory_space<vmem>>) semaphore(%arg11 : memref<!tpu.dma_semaphore, #tpu.memory_space<semaphore_mem>>)
        %dma_start3A_760 = arith.constant 1 : i32
        %dma_start3A_761 = arith.constant 0 : i32
        %dma_start3A_762 = arith.constant 0 : i32
        %dma_start3A_763 = tpu.memref_slice %arg8[%dma_start3A_760, %dma_start3A_761, %dma_start3A_762] : memref<8x12x128xf32, #tpu.memory_space<vmem>> -> memref<1x12x128xf32, #tpu.memory_space<vmem>>
        %dma_start3A_764 = tpu.memref_squeeze %dma_start3A_763 : memref<1x12x128xf32, #tpu.memory_space<vmem>> -> memref<12x128xf32, #tpu.memory_space<vmem>>
        %dma_start3A_765 = tpu.memref_slice %arg6[%mul3A_750] : memref<8192xi32, #tpu.memory_space<vmem>> -> memref<12xi32, #tpu.memory_space<vmem>>
        %dma_start3A_766 = arith.constant 0 : i32
        %dma_start3A_767 = arith.constant 0 : i32
        %dma_start3A_768 = tpu.memref_slice %arg4[%dma_start3A_766, %dma_start3A_767] : memref<348x128xf32, #tpu.memory_space<hbm>> -> memref<348x128xf32, #tpu.memory_space<hbm>>
        tpu.enqueue_indirect_dma source(%dma_start3A_768 : memref<348x128xf32, #tpu.memory_space<hbm>>) target(%dma_start3A_764 : memref<12x128xf32, #tpu.memory_space<vmem>>) offsets(%dma_start3A_765 : memref<12xi32, #tpu.memory_space<vmem>>) semaphore(%arg11 : memref<!tpu.dma_semaphore, #tpu.memory_space<semaphore_mem>>)
        %mul3A_769 = arith.constant 8 : i32
        %mul3A_770 = arith.muli %add3A_720, %mul3A_769 : i32
        %add3A_771 = arith.constant 2 : i32
        %add3A_772 = arith.addi %mul3A_770, %add3A_771 : i32
        %mul3A_773 = arith.constant 16 : i32
        %mul3A_774 = arith.muli %add3A_772, %mul3A_773 : i32
        %dma_start3A_775 = arith.constant 2 : i32
        %dma_start3A_776 = arith.constant 0 : i32
        %dma_start3A_777 = arith.constant 0 : i32
        %dma_start3A_778 = tpu.memref_slice %arg7[%dma_start3A_775, %dma_start3A_776, %dma_start3A_777] : memref<8x12x128xf32, #tpu.memory_space<vmem>> -> memref<1x12x128xf32, #tpu.memory_space<vmem>>
        %dma_start3A_779 = tpu.memref_squeeze %dma_start3A_778 : memref<1x12x128xf32, #tpu.memory_space<vmem>> -> memref<12x128xf32, #tpu.memory_space<vmem>>
        %dma_start3A_780 = tpu.memref_slice %arg6[%mul3A_774] : memref<8192xi32, #tpu.memory_space<vmem>> -> memref<12xi32, #tpu.memory_space<vmem>>
        %dma_start3A_781 = arith.constant 0 : i32
        %dma_start3A_782 = arith.constant 0 : i32
        %dma_start3A_783 = tpu.memref_slice %arg3[%dma_start3A_781, %dma_start3A_782] : memref<348x128xf32, #tpu.memory_space<hbm>> -> memref<348x128xf32, #tpu.memory_space<hbm>>
        tpu.enqueue_indirect_dma source(%dma_start3A_783 : memref<348x128xf32, #tpu.memory_space<hbm>>) target(%dma_start3A_779 : memref<12x128xf32, #tpu.memory_space<vmem>>) offsets(%dma_start3A_780 : memref<12xi32, #tpu.memory_space<vmem>>) semaphore(%arg11 : memref<!tpu.dma_semaphore, #tpu.memory_space<semaphore_mem>>)
        %dma_start3A_784 = arith.constant 2 : i32
        %dma_start3A_785 = arith.constant 0 : i32
        %dma_start3A_786 = arith.constant 0 : i32
        %dma_start3A_787 = tpu.memref_slice %arg8[%dma_start3A_784, %dma_start3A_785, %dma_start3A_786] : memref<8x12x128xf32, #tpu.memory_space<vmem>> -> memref<1x12x128xf32, #tpu.memory_space<vmem>>
        %dma_start3A_788 = tpu.memref_squeeze %dma_start3A_787 : memref<1x12x128xf32, #tpu.memory_space<vmem>> -> memref<12x128xf32, #tpu.memory_space<vmem>>
        %dma_start3A_789 = tpu.memref_slice %arg6[%mul3A_774] : memref<8192xi32, #tpu.memory_space<vmem>> -> memref<12xi32, #tpu.memory_space<vmem>>
        %dma_start3A_790 = arith.constant 0 : i32
        %dma_start3A_791 = arith.constant 0 : i32
        %dma_start3A_792 = tpu.memref_slice %arg4[%dma_start3A_790, %dma_start3A_791] : memref<348x128xf32, #tpu.memory_space<hbm>> -> memref<348x128xf32, #tpu.memory_space<hbm>>
        tpu.enqueue_indirect_dma source(%dma_start3A_792 : memref<348x128xf32, #tpu.memory_space<hbm>>) target(%dma_start3A_788 : memref<12x128xf32, #tpu.memory_space<vmem>>) offsets(%dma_start3A_789 : memref<12xi32, #tpu.memory_space<vmem>>) semaphore(%arg11 : memref<!tpu.dma_semaphore, #tpu.memory_space<semaphore_mem>>)
        %mul3A_793 = arith.constant 8 : i32
        %mul3A_794 = arith.muli %add3A_720, %mul3A_793 : i32
        %add3A_795 = arith.constant 3 : i32
        %add3A_796 = arith.addi %mul3A_794, %add3A_795 : i32
        %mul3A_797 = arith.constant 16 : i32
        %mul3A_798 = arith.muli %add3A_796, %mul3A_797 : i32
        %dma_start3A_799 = arith.constant 3 : i32
        %dma_start3A_800 = arith.constant 0 : i32
        %dma_start3A_801 = arith.constant 0 : i32
        %dma_start3A_802 = tpu.memref_slice %arg7[%dma_start3A_799, %dma_start3A_800, %dma_start3A_801] : memref<8x12x128xf32, #tpu.memory_space<vmem>> -> memref<1x12x128xf32, #tpu.memory_space<vmem>>
        %dma_start3A_803 = tpu.memref_squeeze %dma_start3A_802 : memref<1x12x128xf32, #tpu.memory_space<vmem>> -> memref<12x128xf32, #tpu.memory_space<vmem>>
        %dma_start3A_804 = tpu.memref_slice %arg6[%mul3A_798] : memref<8192xi32, #tpu.memory_space<vmem>> -> memref<12xi32, #tpu.memory_space<vmem>>
        %dma_start3A_805 = arith.constant 0 : i32
        %dma_start3A_806 = arith.constant 0 : i32
        %dma_start3A_807 = tpu.memref_slice %arg3[%dma_start3A_805, %dma_start3A_806] : memref<348x128xf32, #tpu.memory_space<hbm>> -> memref<348x128xf32, #tpu.memory_space<hbm>>
        tpu.enqueue_indirect_dma source(%dma_start3A_807 : memref<348x128xf32, #tpu.memory_space<hbm>>) target(%dma_start3A_803 : memref<12x128xf32, #tpu.memory_space<vmem>>) offsets(%dma_start3A_804 : memref<12xi32, #tpu.memory_space<vmem>>) semaphore(%arg11 : memref<!tpu.dma_semaphore, #tpu.memory_space<semaphore_mem>>)
        %dma_start3A_808 = arith.constant 3 : i32
        %dma_start3A_809 = arith.constant 0 : i32
        %dma_start3A_810 = arith.constant 0 : i32
        %dma_start3A_811 = tpu.memref_slice %arg8[%dma_start3A_808, %dma_start3A_809, %dma_start3A_810] : memref<8x12x128xf32, #tpu.memory_space<vmem>> -> memref<1x12x128xf32, #tpu.memory_space<vmem>>
        %dma_start3A_812 = tpu.memref_squeeze %dma_start3A_811 : memref<1x12x128xf32, #tpu.memory_space<vmem>> -> memref<12x128xf32, #tpu.memory_space<vmem>>
        %dma_start3A_813 = tpu.memref_slice %arg6[%mul3A_798] : memref<8192xi32, #tpu.memory_space<vmem>> -> memref<12xi32, #tpu.memory_space<vmem>>
        %dma_start3A_814 = arith.constant 0 : i32
        %dma_start3A_815 = arith.constant 0 : i32
        %dma_start3A_816 = tpu.memref_slice %arg4[%dma_start3A_814, %dma_start3A_815] : memref<348x128xf32, #tpu.memory_space<hbm>> -> memref<348x128xf32, #tpu.memory_space<hbm>>
        tpu.enqueue_indirect_dma source(%dma_start3A_816 : memref<348x128xf32, #tpu.memory_space<hbm>>) target(%dma_start3A_812 : memref<12x128xf32, #tpu.memory_space<vmem>>) offsets(%dma_start3A_813 : memref<12xi32, #tpu.memory_space<vmem>>) semaphore(%arg11 : memref<!tpu.dma_semaphore, #tpu.memory_space<semaphore_mem>>)
        %mul3A_817 = arith.constant 8 : i32
        %mul3A_818 = arith.muli %add3A_720, %mul3A_817 : i32
        %add3A_819 = arith.constant 4 : i32
        %add3A_820 = arith.addi %mul3A_818, %add3A_819 : i32
        %mul3A_821 = arith.constant 16 : i32
        %mul3A_822 = arith.muli %add3A_820, %mul3A_821 : i32
        %dma_start3A_823 = arith.constant 4 : i32
        %dma_start3A_824 = arith.constant 0 : i32
        %dma_start3A_825 = arith.constant 0 : i32
        %dma_start3A_826 = tpu.memref_slice %arg7[%dma_start3A_823, %dma_start3A_824, %dma_start3A_825] : memref<8x12x128xf32, #tpu.memory_space<vmem>> -> memref<1x12x128xf32, #tpu.memory_space<vmem>>
        %dma_start3A_827 = tpu.memref_squeeze %dma_start3A_826 : memref<1x12x128xf32, #tpu.memory_space<vmem>> -> memref<12x128xf32, #tpu.memory_space<vmem>>
        %dma_start3A_828 = tpu.memref_slice %arg6[%mul3A_822] : memref<8192xi32, #tpu.memory_space<vmem>> -> memref<12xi32, #tpu.memory_space<vmem>>
        %dma_start3A_829 = arith.constant 0 : i32
        %dma_start3A_830 = arith.constant 0 : i32
        %dma_start3A_831 = tpu.memref_slice %arg3[%dma_start3A_829, %dma_start3A_830] : memref<348x128xf32, #tpu.memory_space<hbm>> -> memref<348x128xf32, #tpu.memory_space<hbm>>
        tpu.enqueue_indirect_dma source(%dma_start3A_831 : memref<348x128xf32, #tpu.memory_space<hbm>>) target(%dma_start3A_827 : memref<12x128xf32, #tpu.memory_space<vmem>>) offsets(%dma_start3A_828 : memref<12xi32, #tpu.memory_space<vmem>>) semaphore(%arg11 : memref<!tpu.dma_semaphore, #tpu.memory_space<semaphore_mem>>)
        %dma_start3A_832 = arith.constant 4 : i32
        %dma_start3A_833 = arith.constant 0 : i32
        %dma_start3A_834 = arith.constant 0 : i32
        %dma_start3A_835 = tpu.memref_slice %arg8[%dma_start3A_832, %dma_start3A_833, %dma_start3A_834] : memref<8x12x128xf32, #tpu.memory_space<vmem>> -> memref<1x12x128xf32, #tpu.memory_space<vmem>>
        %dma_start3A_836 = tpu.memref_squeeze %dma_start3A_835 : memref<1x12x128xf32, #tpu.memory_space<vmem>> -> memref<12x128xf32, #tpu.memory_space<vmem>>
        %dma_start3A_837 = tpu.memref_slice %arg6[%mul3A_822] : memref<8192xi32, #tpu.memory_space<vmem>> -> memref<12xi32, #tpu.memory_space<vmem>>
        %dma_start3A_838 = arith.constant 0 : i32
        %dma_start3A_839 = arith.constant 0 : i32
        %dma_start3A_840 = tpu.memref_slice %arg4[%dma_start3A_838, %dma_start3A_839] : memref<348x128xf32, #tpu.memory_space<hbm>> -> memref<348x128xf32, #tpu.memory_space<hbm>>
        tpu.enqueue_indirect_dma source(%dma_start3A_840 : memref<348x128xf32, #tpu.memory_space<hbm>>) target(%dma_start3A_836 : memref<12x128xf32, #tpu.memory_space<vmem>>) offsets(%dma_start3A_837 : memref<12xi32, #tpu.memory_space<vmem>>) semaphore(%arg11 : memref<!tpu.dma_semaphore, #tpu.memory_space<semaphore_mem>>)
        %mul3A_841 = arith.constant 8 : i32
        %mul3A_842 = arith.muli %add3A_720, %mul3A_841 : i32
        %add3A_843 = arith.constant 5 : i32
        %add3A_844 = arith.addi %mul3A_842, %add3A_843 : i32
        %mul3A_845 = arith.constant 16 : i32
        %mul3A_846 = arith.muli %add3A_844, %mul3A_845 : i32
        %dma_start3A_847 = arith.constant 5 : i32
        %dma_start3A_848 = arith.constant 0 : i32
        %dma_start3A_849 = arith.constant 0 : i32
        %dma_start3A_850 = tpu.memref_slice %arg7[%dma_start3A_847, %dma_start3A_848, %dma_start3A_849] : memref<8x12x128xf32, #tpu.memory_space<vmem>> -> memref<1x12x128xf32, #tpu.memory_space<vmem>>
        %dma_start3A_851 = tpu.memref_squeeze %dma_start3A_850 : memref<1x12x128xf32, #tpu.memory_space<vmem>> -> memref<12x128xf32, #tpu.memory_space<vmem>>
        %dma_start3A_852 = tpu.memref_slice %arg6[%mul3A_846] : memref<8192xi32, #tpu.memory_space<vmem>> -> memref<12xi32, #tpu.memory_space<vmem>>
        %dma_start3A_853 = arith.constant 0 : i32
        %dma_start3A_854 = arith.constant 0 : i32
        %dma_start3A_855 = tpu.memref_slice %arg3[%dma_start3A_853, %dma_start3A_854] : memref<348x128xf32, #tpu.memory_space<hbm>> -> memref<348x128xf32, #tpu.memory_space<hbm>>
        tpu.enqueue_indirect_dma source(%dma_start3A_855 : memref<348x128xf32, #tpu.memory_space<hbm>>) target(%dma_start3A_851 : memref<12x128xf32, #tpu.memory_space<vmem>>) offsets(%dma_start3A_852 : memref<12xi32, #tpu.memory_space<vmem>>) semaphore(%arg11 : memref<!tpu.dma_semaphore, #tpu.memory_space<semaphore_mem>>)
        %dma_start3A_856 = arith.constant 5 : i32
        %dma_start3A_857 = arith.constant 0 : i32
        %dma_start3A_858 = arith.constant 0 : i32
        %dma_start3A_859 = tpu.memref_slice %arg8[%dma_start3A_856, %dma_start3A_857, %dma_start3A_858] : memref<8x12x128xf32, #tpu.memory_space<vmem>> -> memref<1x12x128xf32, #tpu.memory_space<vmem>>
        %dma_start3A_860 = tpu.memref_squeeze %dma_start3A_859 : memref<1x12x128xf32, #tpu.memory_space<vmem>> -> memref<12x128xf32, #tpu.memory_space<vmem>>
        %dma_start3A_861 = tpu.memref_slice %arg6[%mul3A_846] : memref<8192xi32, #tpu.memory_space<vmem>> -> memref<12xi32, #tpu.memory_space<vmem>>
        %dma_start3A_862 = arith.constant 0 : i32
        %dma_start3A_863 = arith.constant 0 : i32
        %dma_start3A_864 = tpu.memref_slice %arg4[%dma_start3A_862, %dma_start3A_863] : memref<348x128xf32, #tpu.memory_space<hbm>> -> memref<348x128xf32, #tpu.memory_space<hbm>>
        tpu.enqueue_indirect_dma source(%dma_start3A_864 : memref<348x128xf32, #tpu.memory_space<hbm>>) target(%dma_start3A_860 : memref<12x128xf32, #tpu.memory_space<vmem>>) offsets(%dma_start3A_861 : memref<12xi32, #tpu.memory_space<vmem>>) semaphore(%arg11 : memref<!tpu.dma_semaphore, #tpu.memory_space<semaphore_mem>>)
        %mul3A_865 = arith.constant 8 : i32
        %mul3A_866 = arith.muli %add3A_720, %mul3A_865 : i32
        %add3A_867 = arith.constant 6 : i32
        %add3A_868 = arith.addi %mul3A_866, %add3A_867 : i32
        %mul3A_869 = arith.constant 16 : i32
        %mul3A_870 = arith.muli %add3A_868, %mul3A_869 : i32
        %dma_start3A_871 = arith.constant 6 : i32
        %dma_start3A_872 = arith.constant 0 : i32
        %dma_start3A_873 = arith.constant 0 : i32
        %dma_start3A_874 = tpu.memref_slice %arg7[%dma_start3A_871, %dma_start3A_872, %dma_start3A_873] : memref<8x12x128xf32, #tpu.memory_space<vmem>> -> memref<1x12x128xf32, #tpu.memory_space<vmem>>
        %dma_start3A_875 = tpu.memref_squeeze %dma_start3A_874 : memref<1x12x128xf32, #tpu.memory_space<vmem>> -> memref<12x128xf32, #tpu.memory_space<vmem>>
        %dma_start3A_876 = tpu.memref_slice %arg6[%mul3A_870] : memref<8192xi32, #tpu.memory_space<vmem>> -> memref<12xi32, #tpu.memory_space<vmem>>
        %dma_start3A_877 = arith.constant 0 : i32
        %dma_start3A_878 = arith.constant 0 : i32
        %dma_start3A_879 = tpu.memref_slice %arg3[%dma_start3A_877, %dma_start3A_878] : memref<348x128xf32, #tpu.memory_space<hbm>> -> memref<348x128xf32, #tpu.memory_space<hbm>>
        tpu.enqueue_indirect_dma source(%dma_start3A_879 : memref<348x128xf32, #tpu.memory_space<hbm>>) target(%dma_start3A_875 : memref<12x128xf32, #tpu.memory_space<vmem>>) offsets(%dma_start3A_876 : memref<12xi32, #tpu.memory_space<vmem>>) semaphore(%arg11 : memref<!tpu.dma_semaphore, #tpu.memory_space<semaphore_mem>>)
        %dma_start3A_880 = arith.constant 6 : i32
        %dma_start3A_881 = arith.constant 0 : i32
        %dma_start3A_882 = arith.constant 0 : i32
        %dma_start3A_883 = tpu.memref_slice %arg8[%dma_start3A_880, %dma_start3A_881, %dma_start3A_882] : memref<8x12x128xf32, #tpu.memory_space<vmem>> -> memref<1x12x128xf32, #tpu.memory_space<vmem>>
        %dma_start3A_884 = tpu.memref_squeeze %dma_start3A_883 : memref<1x12x128xf32, #tpu.memory_space<vmem>> -> memref<12x128xf32, #tpu.memory_space<vmem>>
        %dma_start3A_885 = tpu.memref_slice %arg6[%mul3A_870] : memref<8192xi32, #tpu.memory_space<vmem>> -> memref<12xi32, #tpu.memory_space<vmem>>
        %dma_start3A_886 = arith.constant 0 : i32
        %dma_start3A_887 = arith.constant 0 : i32
        %dma_start3A_888 = tpu.memref_slice %arg4[%dma_start3A_886, %dma_start3A_887] : memref<348x128xf32, #tpu.memory_space<hbm>> -> memref<348x128xf32, #tpu.memory_space<hbm>>
        tpu.enqueue_indirect_dma source(%dma_start3A_888 : memref<348x128xf32, #tpu.memory_space<hbm>>) target(%dma_start3A_884 : memref<12x128xf32, #tpu.memory_space<vmem>>) offsets(%dma_start3A_885 : memref<12xi32, #tpu.memory_space<vmem>>) semaphore(%arg11 : memref<!tpu.dma_semaphore, #tpu.memory_space<semaphore_mem>>)
        %mul3A_889 = arith.constant 8 : i32
        %mul3A_890 = arith.muli %add3A_720, %mul3A_889 : i32
        %add3A_891 = arith.constant 7 : i32
        %add3A_892 = arith.addi %mul3A_890, %add3A_891 : i32
        %mul3A_893 = arith.constant 16 : i32
        %mul3A_894 = arith.muli %add3A_892, %mul3A_893 : i32
        %dma_start3A_895 = arith.constant 7 : i32
        %dma_start3A_896 = arith.constant 0 : i32
        %dma_start3A_897 = arith.constant 0 : i32
        %dma_start3A_898 = tpu.memref_slice %arg7[%dma_start3A_895, %dma_start3A_896, %dma_start3A_897] : memref<8x12x128xf32, #tpu.memory_space<vmem>> -> memref<1x12x128xf32, #tpu.memory_space<vmem>>
        %dma_start3A_899 = tpu.memref_squeeze %dma_start3A_898 : memref<1x12x128xf32, #tpu.memory_space<vmem>> -> memref<12x128xf32, #tpu.memory_space<vmem>>
        %dma_start3A_900 = tpu.memref_slice %arg6[%mul3A_894] : memref<8192xi32, #tpu.memory_space<vmem>> -> memref<12xi32, #tpu.memory_space<vmem>>
        %dma_start3A_901 = arith.constant 0 : i32
        %dma_start3A_902 = arith.constant 0 : i32
        %dma_start3A_903 = tpu.memref_slice %arg3[%dma_start3A_901, %dma_start3A_902] : memref<348x128xf32, #tpu.memory_space<hbm>> -> memref<348x128xf32, #tpu.memory_space<hbm>>
        tpu.enqueue_indirect_dma source(%dma_start3A_903 : memref<348x128xf32, #tpu.memory_space<hbm>>) target(%dma_start3A_899 : memref<12x128xf32, #tpu.memory_space<vmem>>) offsets(%dma_start3A_900 : memref<12xi32, #tpu.memory_space<vmem>>) semaphore(%arg11 : memref<!tpu.dma_semaphore, #tpu.memory_space<semaphore_mem>>)
        %dma_start3A_904 = arith.constant 7 : i32
        %dma_start3A_905 = arith.constant 0 : i32
        %dma_start3A_906 = arith.constant 0 : i32
        %dma_start3A_907 = tpu.memref_slice %arg8[%dma_start3A_904, %dma_start3A_905, %dma_start3A_906] : memref<8x12x128xf32, #tpu.memory_space<vmem>> -> memref<1x12x128xf32, #tpu.memory_space<vmem>>
        %dma_start3A_908 = tpu.memref_squeeze %dma_start3A_907 : memref<1x12x128xf32, #tpu.memory_space<vmem>> -> memref<12x128xf32, #tpu.memory_space<vmem>>
        %dma_start3A_909 = tpu.memref_slice %arg6[%mul3A_894] : memref<8192xi32, #tpu.memory_space<vmem>> -> memref<12xi32, #tpu.memory_space<vmem>>
        %dma_start3A_910 = arith.constant 0 : i32
        %dma_start3A_911 = arith.constant 0 : i32
        %dma_start3A_912 = tpu.memref_slice %arg4[%dma_start3A_910, %dma_start3A_911] : memref<348x128xf32, #tpu.memory_space<hbm>> -> memref<348x128xf32, #tpu.memory_space<hbm>>
        tpu.enqueue_indirect_dma source(%dma_start3A_912 : memref<348x128xf32, #tpu.memory_space<hbm>>) target(%dma_start3A_908 : memref<12x128xf32, #tpu.memory_space<vmem>>) offsets(%dma_start3A_909 : memref<12xi32, #tpu.memory_space<vmem>>) semaphore(%arg11 : memref<!tpu.dma_semaphore, #tpu.memory_space<semaphore_mem>>)
      } else {
      }
      %dma_wait3A_554 = arith.constant 0 : i32
      %dma_wait3A_555 = arith.constant 0 : i32
      %dma_wait3A_556 = arith.constant 0 : i32
      %dma_wait3A_557 = tpu.memref_slice %arg9[%dma_wait3A_554, %dma_wait3A_555, %dma_wait3A_556] : memref<8x12x128xf32, #tpu.memory_space<vmem>> -> memref<1x12x128xf32, #tpu.memory_space<vmem>>
      %dma_wait3A_558 = tpu.memref_squeeze %dma_wait3A_557 : memref<1x12x128xf32, #tpu.memory_space<vmem>> -> memref<12x128xf32, #tpu.memory_space<vmem>>
      %dma_wait3A_559 = arith.constant 0 : i32
      %dma_wait3A_560 = tpu.memref_slice %arg6[%dma_wait3A_559] : memref<8192xi32, #tpu.memory_space<vmem>> -> memref<12xi32, #tpu.memory_space<vmem>>
      %dma_wait3A_561 = arith.constant 0 : i32
      %dma_wait3A_562 = arith.constant 0 : i32
      %dma_wait3A_563 = tpu.memref_slice %arg3[%dma_wait3A_561, %dma_wait3A_562] : memref<348x128xf32, #tpu.memory_space<hbm>> -> memref<348x128xf32, #tpu.memory_space<hbm>>
      tpu.wait_indirect_dma semaphore(%arg12 : memref<!tpu.dma_semaphore, #tpu.memory_space<semaphore_mem>>) src(%dma_wait3A_563 : memref<348x128xf32, #tpu.memory_space<hbm>>) dst(%dma_wait3A_558 : memref<12x128xf32, #tpu.memory_space<vmem>>)
      %dma_wait3A_564 = arith.constant 0 : i32
      %dma_wait3A_565 = arith.constant 0 : i32
      %dma_wait3A_566 = arith.constant 0 : i32
      %dma_wait3A_567 = tpu.memref_slice %arg10[%dma_wait3A_564, %dma_wait3A_565, %dma_wait3A_566] : memref<8x12x128xf32, #tpu.memory_space<vmem>> -> memref<1x12x128xf32, #tpu.memory_space<vmem>>
      %dma_wait3A_568 = tpu.memref_squeeze %dma_wait3A_567 : memref<1x12x128xf32, #tpu.memory_space<vmem>> -> memref<12x128xf32, #tpu.memory_space<vmem>>
      %dma_wait3A_569 = arith.constant 0 : i32
      %dma_wait3A_570 = tpu.memref_slice %arg6[%dma_wait3A_569] : memref<8192xi32, #tpu.memory_space<vmem>> -> memref<12xi32, #tpu.memory_space<vmem>>
      %dma_wait3A_571 = arith.constant 0 : i32
      %dma_wait3A_572 = arith.constant 0 : i32
      %dma_wait3A_573 = tpu.memref_slice %arg4[%dma_wait3A_571, %dma_wait3A_572] : memref<348x128xf32, #tpu.memory_space<hbm>> -> memref<348x128xf32, #tpu.memory_space<hbm>>
      tpu.wait_indirect_dma semaphore(%arg12 : memref<!tpu.dma_semaphore, #tpu.memory_space<semaphore_mem>>) src(%dma_wait3A_573 : memref<348x128xf32, #tpu.memory_space<hbm>>) dst(%dma_wait3A_568 : memref<12x128xf32, #tpu.memory_space<vmem>>)
      %dma_wait3A_574 = arith.constant 1 : i32
      %dma_wait3A_575 = arith.constant 0 : i32
      %dma_wait3A_576 = arith.constant 0 : i32
      %dma_wait3A_577 = tpu.memref_slice %arg9[%dma_wait3A_574, %dma_wait3A_575, %dma_wait3A_576] : memref<8x12x128xf32, #tpu.memory_space<vmem>> -> memref<1x12x128xf32, #tpu.memory_space<vmem>>
      %dma_wait3A_578 = tpu.memref_squeeze %dma_wait3A_577 : memref<1x12x128xf32, #tpu.memory_space<vmem>> -> memref<12x128xf32, #tpu.memory_space<vmem>>
      %dma_wait3A_579 = arith.constant 0 : i32
      %dma_wait3A_580 = tpu.memref_slice %arg6[%dma_wait3A_579] : memref<8192xi32, #tpu.memory_space<vmem>> -> memref<12xi32, #tpu.memory_space<vmem>>
      %dma_wait3A_581 = arith.constant 0 : i32
      %dma_wait3A_582 = arith.constant 0 : i32
      %dma_wait3A_583 = tpu.memref_slice %arg3[%dma_wait3A_581, %dma_wait3A_582] : memref<348x128xf32, #tpu.memory_space<hbm>> -> memref<348x128xf32, #tpu.memory_space<hbm>>
      tpu.wait_indirect_dma semaphore(%arg12 : memref<!tpu.dma_semaphore, #tpu.memory_space<semaphore_mem>>) src(%dma_wait3A_583 : memref<348x128xf32, #tpu.memory_space<hbm>>) dst(%dma_wait3A_578 : memref<12x128xf32, #tpu.memory_space<vmem>>)
      %dma_wait3A_584 = arith.constant 1 : i32
      %dma_wait3A_585 = arith.constant 0 : i32
      %dma_wait3A_586 = arith.constant 0 : i32
      %dma_wait3A_587 = tpu.memref_slice %arg10[%dma_wait3A_584, %dma_wait3A_585, %dma_wait3A_586] : memref<8x12x128xf32, #tpu.memory_space<vmem>> -> memref<1x12x128xf32, #tpu.memory_space<vmem>>
      %dma_wait3A_588 = tpu.memref_squeeze %dma_wait3A_587 : memref<1x12x128xf32, #tpu.memory_space<vmem>> -> memref<12x128xf32, #tpu.memory_space<vmem>>
      %dma_wait3A_589 = arith.constant 0 : i32
      %dma_wait3A_590 = tpu.memref_slice %arg6[%dma_wait3A_589] : memref<8192xi32, #tpu.memory_space<vmem>> -> memref<12xi32, #tpu.memory_space<vmem>>
      %dma_wait3A_591 = arith.constant 0 : i32
      %dma_wait3A_592 = arith.constant 0 : i32
      %dma_wait3A_593 = tpu.memref_slice %arg4[%dma_wait3A_591, %dma_wait3A_592] : memref<348x128xf32, #tpu.memory_space<hbm>> -> memref<348x128xf32, #tpu.memory_space<hbm>>
      tpu.wait_indirect_dma semaphore(%arg12 : memref<!tpu.dma_semaphore, #tpu.memory_space<semaphore_mem>>) src(%dma_wait3A_593 : memref<348x128xf32, #tpu.memory_space<hbm>>) dst(%dma_wait3A_588 : memref<12x128xf32, #tpu.memory_space<vmem>>)
      %dma_wait3A_594 = arith.constant 2 : i32
      %dma_wait3A_595 = arith.constant 0 : i32
      %dma_wait3A_596 = arith.constant 0 : i32
      %dma_wait3A_597 = tpu.memref_slice %arg9[%dma_wait3A_594, %dma_wait3A_595, %dma_wait3A_596] : memref<8x12x128xf32, #tpu.memory_space<vmem>> -> memref<1x12x128xf32, #tpu.memory_space<vmem>>
      %dma_wait3A_598 = tpu.memref_squeeze %dma_wait3A_597 : memref<1x12x128xf32, #tpu.memory_space<vmem>> -> memref<12x128xf32, #tpu.memory_space<vmem>>
      %dma_wait3A_599 = arith.constant 0 : i32
      %dma_wait3A_600 = tpu.memref_slice %arg6[%dma_wait3A_599] : memref<8192xi32, #tpu.memory_space<vmem>> -> memref<12xi32, #tpu.memory_space<vmem>>
      %dma_wait3A_601 = arith.constant 0 : i32
      %dma_wait3A_602 = arith.constant 0 : i32
      %dma_wait3A_603 = tpu.memref_slice %arg3[%dma_wait3A_601, %dma_wait3A_602] : memref<348x128xf32, #tpu.memory_space<hbm>> -> memref<348x128xf32, #tpu.memory_space<hbm>>
      tpu.wait_indirect_dma semaphore(%arg12 : memref<!tpu.dma_semaphore, #tpu.memory_space<semaphore_mem>>) src(%dma_wait3A_603 : memref<348x128xf32, #tpu.memory_space<hbm>>) dst(%dma_wait3A_598 : memref<12x128xf32, #tpu.memory_space<vmem>>)
      %dma_wait3A_604 = arith.constant 2 : i32
      %dma_wait3A_605 = arith.constant 0 : i32
      %dma_wait3A_606 = arith.constant 0 : i32
      %dma_wait3A_607 = tpu.memref_slice %arg10[%dma_wait3A_604, %dma_wait3A_605, %dma_wait3A_606] : memref<8x12x128xf32, #tpu.memory_space<vmem>> -> memref<1x12x128xf32, #tpu.memory_space<vmem>>
      %dma_wait3A_608 = tpu.memref_squeeze %dma_wait3A_607 : memref<1x12x128xf32, #tpu.memory_space<vmem>> -> memref<12x128xf32, #tpu.memory_space<vmem>>
      %dma_wait3A_609 = arith.constant 0 : i32
      %dma_wait3A_610 = tpu.memref_slice %arg6[%dma_wait3A_609] : memref<8192xi32, #tpu.memory_space<vmem>> -> memref<12xi32, #tpu.memory_space<vmem>>
      %dma_wait3A_611 = arith.constant 0 : i32
      %dma_wait3A_612 = arith.constant 0 : i32
      %dma_wait3A_613 = tpu.memref_slice %arg4[%dma_wait3A_611, %dma_wait3A_612] : memref<348x128xf32, #tpu.memory_space<hbm>> -> memref<348x128xf32, #tpu.memory_space<hbm>>
      tpu.wait_indirect_dma semaphore(%arg12 : memref<!tpu.dma_semaphore, #tpu.memory_space<semaphore_mem>>) src(%dma_wait3A_613 : memref<348x128xf32, #tpu.memory_space<hbm>>) dst(%dma_wait3A_608 : memref<12x128xf32, #tpu.memory_space<vmem>>)
      %dma_wait3A_614 = arith.constant 3 : i32
      %dma_wait3A_615 = arith.constant 0 : i32
      %dma_wait3A_616 = arith.constant 0 : i32
      %dma_wait3A_617 = tpu.memref_slice %arg9[%dma_wait3A_614, %dma_wait3A_615, %dma_wait3A_616] : memref<8x12x128xf32, #tpu.memory_space<vmem>> -> memref<1x12x128xf32, #tpu.memory_space<vmem>>
      %dma_wait3A_618 = tpu.memref_squeeze %dma_wait3A_617 : memref<1x12x128xf32, #tpu.memory_space<vmem>> -> memref<12x128xf32, #tpu.memory_space<vmem>>
      %dma_wait3A_619 = arith.constant 0 : i32
      %dma_wait3A_620 = tpu.memref_slice %arg6[%dma_wait3A_619] : memref<8192xi32, #tpu.memory_space<vmem>> -> memref<12xi32, #tpu.memory_space<vmem>>
      %dma_wait3A_621 = arith.constant 0 : i32
      %dma_wait3A_622 = arith.constant 0 : i32
      %dma_wait3A_623 = tpu.memref_slice %arg3[%dma_wait3A_621, %dma_wait3A_622] : memref<348x128xf32, #tpu.memory_space<hbm>> -> memref<348x128xf32, #tpu.memory_space<hbm>>
      tpu.wait_indirect_dma semaphore(%arg12 : memref<!tpu.dma_semaphore, #tpu.memory_space<semaphore_mem>>) src(%dma_wait3A_623 : memref<348x128xf32, #tpu.memory_space<hbm>>) dst(%dma_wait3A_618 : memref<12x128xf32, #tpu.memory_space<vmem>>)
      %dma_wait3A_624 = arith.constant 3 : i32
      %dma_wait3A_625 = arith.constant 0 : i32
      %dma_wait3A_626 = arith.constant 0 : i32
      %dma_wait3A_627 = tpu.memref_slice %arg10[%dma_wait3A_624, %dma_wait3A_625, %dma_wait3A_626] : memref<8x12x128xf32, #tpu.memory_space<vmem>> -> memref<1x12x128xf32, #tpu.memory_space<vmem>>
      %dma_wait3A_628 = tpu.memref_squeeze %dma_wait3A_627 : memref<1x12x128xf32, #tpu.memory_space<vmem>> -> memref<12x128xf32, #tpu.memory_space<vmem>>
      %dma_wait3A_629 = arith.constant 0 : i32
      %dma_wait3A_630 = tpu.memref_slice %arg6[%dma_wait3A_629] : memref<8192xi32, #tpu.memory_space<vmem>> -> memref<12xi32, #tpu.memory_space<vmem>>
      %dma_wait3A_631 = arith.constant 0 : i32
      %dma_wait3A_632 = arith.constant 0 : i32
      %dma_wait3A_633 = tpu.memref_slice %arg4[%dma_wait3A_631, %dma_wait3A_632] : memref<348x128xf32, #tpu.memory_space<hbm>> -> memref<348x128xf32, #tpu.memory_space<hbm>>
      tpu.wait_indirect_dma semaphore(%arg12 : memref<!tpu.dma_semaphore, #tpu.memory_space<semaphore_mem>>) src(%dma_wait3A_633 : memref<348x128xf32, #tpu.memory_space<hbm>>) dst(%dma_wait3A_628 : memref<12x128xf32, #tpu.memory_space<vmem>>)
      %dma_wait3A_634 = arith.constant 4 : i32
      %dma_wait3A_635 = arith.constant 0 : i32
      %dma_wait3A_636 = arith.constant 0 : i32
      %dma_wait3A_637 = tpu.memref_slice %arg9[%dma_wait3A_634, %dma_wait3A_635, %dma_wait3A_636] : memref<8x12x128xf32, #tpu.memory_space<vmem>> -> memref<1x12x128xf32, #tpu.memory_space<vmem>>
      %dma_wait3A_638 = tpu.memref_squeeze %dma_wait3A_637 : memref<1x12x128xf32, #tpu.memory_space<vmem>> -> memref<12x128xf32, #tpu.memory_space<vmem>>
      %dma_wait3A_639 = arith.constant 0 : i32
      %dma_wait3A_640 = tpu.memref_slice %arg6[%dma_wait3A_639] : memref<8192xi32, #tpu.memory_space<vmem>> -> memref<12xi32, #tpu.memory_space<vmem>>
      %dma_wait3A_641 = arith.constant 0 : i32
      %dma_wait3A_642 = arith.constant 0 : i32
      %dma_wait3A_643 = tpu.memref_slice %arg3[%dma_wait3A_641, %dma_wait3A_642] : memref<348x128xf32, #tpu.memory_space<hbm>> -> memref<348x128xf32, #tpu.memory_space<hbm>>
      tpu.wait_indirect_dma semaphore(%arg12 : memref<!tpu.dma_semaphore, #tpu.memory_space<semaphore_mem>>) src(%dma_wait3A_643 : memref<348x128xf32, #tpu.memory_space<hbm>>) dst(%dma_wait3A_638 : memref<12x128xf32, #tpu.memory_space<vmem>>)
      %dma_wait3A_644 = arith.constant 4 : i32
      %dma_wait3A_645 = arith.constant 0 : i32
      %dma_wait3A_646 = arith.constant 0 : i32
      %dma_wait3A_647 = tpu.memref_slice %arg10[%dma_wait3A_644, %dma_wait3A_645, %dma_wait3A_646] : memref<8x12x128xf32, #tpu.memory_space<vmem>> -> memref<1x12x128xf32, #tpu.memory_space<vmem>>
      %dma_wait3A_648 = tpu.memref_squeeze %dma_wait3A_647 : memref<1x12x128xf32, #tpu.memory_space<vmem>> -> memref<12x128xf32, #tpu.memory_space<vmem>>
      %dma_wait3A_649 = arith.constant 0 : i32
      %dma_wait3A_650 = tpu.memref_slice %arg6[%dma_wait3A_649] : memref<8192xi32, #tpu.memory_space<vmem>> -> memref<12xi32, #tpu.memory_space<vmem>>
      %dma_wait3A_651 = arith.constant 0 : i32
      %dma_wait3A_652 = arith.constant 0 : i32
      %dma_wait3A_653 = tpu.memref_slice %arg4[%dma_wait3A_651, %dma_wait3A_652] : memref<348x128xf32, #tpu.memory_space<hbm>> -> memref<348x128xf32, #tpu.memory_space<hbm>>
      tpu.wait_indirect_dma semaphore(%arg12 : memref<!tpu.dma_semaphore, #tpu.memory_space<semaphore_mem>>) src(%dma_wait3A_653 : memref<348x128xf32, #tpu.memory_space<hbm>>) dst(%dma_wait3A_648 : memref<12x128xf32, #tpu.memory_space<vmem>>)
      %dma_wait3A_654 = arith.constant 5 : i32
      %dma_wait3A_655 = arith.constant 0 : i32
      %dma_wait3A_656 = arith.constant 0 : i32
      %dma_wait3A_657 = tpu.memref_slice %arg9[%dma_wait3A_654, %dma_wait3A_655, %dma_wait3A_656] : memref<8x12x128xf32, #tpu.memory_space<vmem>> -> memref<1x12x128xf32, #tpu.memory_space<vmem>>
      %dma_wait3A_658 = tpu.memref_squeeze %dma_wait3A_657 : memref<1x12x128xf32, #tpu.memory_space<vmem>> -> memref<12x128xf32, #tpu.memory_space<vmem>>
      %dma_wait3A_659 = arith.constant 0 : i32
      %dma_wait3A_660 = tpu.memref_slice %arg6[%dma_wait3A_659] : memref<8192xi32, #tpu.memory_space<vmem>> -> memref<12xi32, #tpu.memory_space<vmem>>
      %dma_wait3A_661 = arith.constant 0 : i32
      %dma_wait3A_662 = arith.constant 0 : i32
      %dma_wait3A_663 = tpu.memref_slice %arg3[%dma_wait3A_661, %dma_wait3A_662] : memref<348x128xf32, #tpu.memory_space<hbm>> -> memref<348x128xf32, #tpu.memory_space<hbm>>
      tpu.wait_indirect_dma semaphore(%arg12 : memref<!tpu.dma_semaphore, #tpu.memory_space<semaphore_mem>>) src(%dma_wait3A_663 : memref<348x128xf32, #tpu.memory_space<hbm>>) dst(%dma_wait3A_658 : memref<12x128xf32, #tpu.memory_space<vmem>>)
      %dma_wait3A_664 = arith.constant 5 : i32
      %dma_wait3A_665 = arith.constant 0 : i32
      %dma_wait3A_666 = arith.constant 0 : i32
      %dma_wait3A_667 = tpu.memref_slice %arg10[%dma_wait3A_664, %dma_wait3A_665, %dma_wait3A_666] : memref<8x12x128xf32, #tpu.memory_space<vmem>> -> memref<1x12x128xf32, #tpu.memory_space<vmem>>
      %dma_wait3A_668 = tpu.memref_squeeze %dma_wait3A_667 : memref<1x12x128xf32, #tpu.memory_space<vmem>> -> memref<12x128xf32, #tpu.memory_space<vmem>>
      %dma_wait3A_669 = arith.constant 0 : i32
      %dma_wait3A_670 = tpu.memref_slice %arg6[%dma_wait3A_669] : memref<8192xi32, #tpu.memory_space<vmem>> -> memref<12xi32, #tpu.memory_space<vmem>>
      %dma_wait3A_671 = arith.constant 0 : i32
      %dma_wait3A_672 = arith.constant 0 : i32
      %dma_wait3A_673 = tpu.memref_slice %arg4[%dma_wait3A_671, %dma_wait3A_672] : memref<348x128xf32, #tpu.memory_space<hbm>> -> memref<348x128xf32, #tpu.memory_space<hbm>>
      tpu.wait_indirect_dma semaphore(%arg12 : memref<!tpu.dma_semaphore, #tpu.memory_space<semaphore_mem>>) src(%dma_wait3A_673 : memref<348x128xf32, #tpu.memory_space<hbm>>) dst(%dma_wait3A_668 : memref<12x128xf32, #tpu.memory_space<vmem>>)
      %dma_wait3A_674 = arith.constant 6 : i32
      %dma_wait3A_675 = arith.constant 0 : i32
      %dma_wait3A_676 = arith.constant 0 : i32
      %dma_wait3A_677 = tpu.memref_slice %arg9[%dma_wait3A_674, %dma_wait3A_675, %dma_wait3A_676] : memref<8x12x128xf32, #tpu.memory_space<vmem>> -> memref<1x12x128xf32, #tpu.memory_space<vmem>>
      %dma_wait3A_678 = tpu.memref_squeeze %dma_wait3A_677 : memref<1x12x128xf32, #tpu.memory_space<vmem>> -> memref<12x128xf32, #tpu.memory_space<vmem>>
      %dma_wait3A_679 = arith.constant 0 : i32
      %dma_wait3A_680 = tpu.memref_slice %arg6[%dma_wait3A_679] : memref<8192xi32, #tpu.memory_space<vmem>> -> memref<12xi32, #tpu.memory_space<vmem>>
      %dma_wait3A_681 = arith.constant 0 : i32
      %dma_wait3A_682 = arith.constant 0 : i32
      %dma_wait3A_683 = tpu.memref_slice %arg3[%dma_wait3A_681, %dma_wait3A_682] : memref<348x128xf32, #tpu.memory_space<hbm>> -> memref<348x128xf32, #tpu.memory_space<hbm>>
      tpu.wait_indirect_dma semaphore(%arg12 : memref<!tpu.dma_semaphore, #tpu.memory_space<semaphore_mem>>) src(%dma_wait3A_683 : memref<348x128xf32, #tpu.memory_space<hbm>>) dst(%dma_wait3A_678 : memref<12x128xf32, #tpu.memory_space<vmem>>)
      %dma_wait3A_684 = arith.constant 6 : i32
      %dma_wait3A_685 = arith.constant 0 : i32
      %dma_wait3A_686 = arith.constant 0 : i32
      %dma_wait3A_687 = tpu.memref_slice %arg10[%dma_wait3A_684, %dma_wait3A_685, %dma_wait3A_686] : memref<8x12x128xf32, #tpu.memory_space<vmem>> -> memref<1x12x128xf32, #tpu.memory_space<vmem>>
      %dma_wait3A_688 = tpu.memref_squeeze %dma_wait3A_687 : memref<1x12x128xf32, #tpu.memory_space<vmem>> -> memref<12x128xf32, #tpu.memory_space<vmem>>
      %dma_wait3A_689 = arith.constant 0 : i32
      %dma_wait3A_690 = tpu.memref_slice %arg6[%dma_wait3A_689] : memref<8192xi32, #tpu.memory_space<vmem>> -> memref<12xi32, #tpu.memory_space<vmem>>
      %dma_wait3A_691 = arith.constant 0 : i32
      %dma_wait3A_692 = arith.constant 0 : i32
      %dma_wait3A_693 = tpu.memref_slice %arg4[%dma_wait3A_691, %dma_wait3A_692] : memref<348x128xf32, #tpu.memory_space<hbm>> -> memref<348x128xf32, #tpu.memory_space<hbm>>
      tpu.wait_indirect_dma semaphore(%arg12 : memref<!tpu.dma_semaphore, #tpu.memory_space<semaphore_mem>>) src(%dma_wait3A_693 : memref<348x128xf32, #tpu.memory_space<hbm>>) dst(%dma_wait3A_688 : memref<12x128xf32, #tpu.memory_space<vmem>>)
      %dma_wait3A_694 = arith.constant 7 : i32
      %dma_wait3A_695 = arith.constant 0 : i32
      %dma_wait3A_696 = arith.constant 0 : i32
      %dma_wait3A_697 = tpu.memref_slice %arg9[%dma_wait3A_694, %dma_wait3A_695, %dma_wait3A_696] : memref<8x12x128xf32, #tpu.memory_space<vmem>> -> memref<1x12x128xf32, #tpu.memory_space<vmem>>
      %dma_wait3A_698 = tpu.memref_squeeze %dma_wait3A_697 : memref<1x12x128xf32, #tpu.memory_space<vmem>> -> memref<12x128xf32, #tpu.memory_space<vmem>>
      %dma_wait3A_699 = arith.constant 0 : i32
      %dma_wait3A_700 = tpu.memref_slice %arg6[%dma_wait3A_699] : memref<8192xi32, #tpu.memory_space<vmem>> -> memref<12xi32, #tpu.memory_space<vmem>>
      %dma_wait3A_701 = arith.constant 0 : i32
      %dma_wait3A_702 = arith.constant 0 : i32
      %dma_wait3A_703 = tpu.memref_slice %arg3[%dma_wait3A_701, %dma_wait3A_702] : memref<348x128xf32, #tpu.memory_space<hbm>> -> memref<348x128xf32, #tpu.memory_space<hbm>>
      tpu.wait_indirect_dma semaphore(%arg12 : memref<!tpu.dma_semaphore, #tpu.memory_space<semaphore_mem>>) src(%dma_wait3A_703 : memref<348x128xf32, #tpu.memory_space<hbm>>) dst(%dma_wait3A_698 : memref<12x128xf32, #tpu.memory_space<vmem>>)
      %dma_wait3A_704 = arith.constant 7 : i32
      %dma_wait3A_705 = arith.constant 0 : i32
      %dma_wait3A_706 = arith.constant 0 : i32
      %dma_wait3A_707 = tpu.memref_slice %arg10[%dma_wait3A_704, %dma_wait3A_705, %dma_wait3A_706] : memref<8x12x128xf32, #tpu.memory_space<vmem>> -> memref<1x12x128xf32, #tpu.memory_space<vmem>>
      %dma_wait3A_708 = tpu.memref_squeeze %dma_wait3A_707 : memref<1x12x128xf32, #tpu.memory_space<vmem>> -> memref<12x128xf32, #tpu.memory_space<vmem>>
      %dma_wait3A_709 = arith.constant 0 : i32
      %dma_wait3A_710 = tpu.memref_slice %arg6[%dma_wait3A_709] : memref<8192xi32, #tpu.memory_space<vmem>> -> memref<12xi32, #tpu.memory_space<vmem>>
      %dma_wait3A_711 = arith.constant 0 : i32
      %dma_wait3A_712 = arith.constant 0 : i32
      %dma_wait3A_713 = tpu.memref_slice %arg4[%dma_wait3A_711, %dma_wait3A_712] : memref<348x128xf32, #tpu.memory_space<hbm>> -> memref<348x128xf32, #tpu.memory_space<hbm>>
      tpu.wait_indirect_dma semaphore(%arg12 : memref<!tpu.dma_semaphore, #tpu.memory_space<semaphore_mem>>) src(%dma_wait3A_713 : memref<348x128xf32, #tpu.memory_space<hbm>>) dst(%dma_wait3A_708 : memref<12x128xf32, #tpu.memory_space<vmem>>)
      %add3A_714 = arith.constant 1 : i32
      %add3A_715 = arith.addi %mul3A_192, %add3A_714 : i32
      %mul3A_716 = arith.constant 8 : i32
      %mul3A_717 = arith.muli %add3A_715, %mul3A_716 : i32
      %add3A_718 = arith.addi %mul3A_2, %mul3A_717 : i32
      "tpu.region"() ({
        %run_scoped3A = tpu.sem_alloc : memref<!tpu.dma_semaphore, #tpu.memory_space<semaphore_mem>>
        %dma_start3A_719 = arith.constant 0 : i32
        %dma_start3A_720 = arith.constant 0 : i32
        %dma_start3A_721 = tpu.memref_slice %arg5[%add3A_718, %dma_start3A_719, %dma_start3A_720] : memref<16384x12x256xf32, #tpu.memory_space<hbm>> -> memref<8x12x128xf32, #tpu.memory_space<hbm>>
        %dma_start3A_722 = arith.constant 0 : i32
        %dma_start3A_723 = arith.constant 0 : i32
        %dma_start3A_724 = tpu.memref_slice %arg5[%add3A_718, %dma_start3A_722, %dma_start3A_723] : memref<16384x12x256xf32, #tpu.memory_space<hbm>> -> memref<8x12x128xf32, #tpu.memory_space<hbm>>
        tpu.enqueue_dma source(%arg9 : memref<8x12x128xf32, #tpu.memory_space<vmem>>) target(%dma_start3A_724 : memref<8x12x128xf32, #tpu.memory_space<hbm>>) target_semaphore(%run_scoped3A : memref<!tpu.dma_semaphore, #tpu.memory_space<semaphore_mem>>)
        %dma_wait3A_725 = arith.constant 0 : i32
        %dma_wait3A_726 = arith.constant 0 : i32
        %dma_wait3A_727 = tpu.memref_slice %arg5[%add3A_718, %dma_wait3A_725, %dma_wait3A_726] : memref<16384x12x256xf32, #tpu.memory_space<hbm>> -> memref<8x12x128xf32, #tpu.memory_space<hbm>>
        %dma_wait3A_728 = arith.constant 0 : i32
        %dma_wait3A_729 = arith.constant 0 : i32
        %dma_wait3A_730 = tpu.memref_slice %arg5[%add3A_718, %dma_wait3A_728, %dma_wait3A_729] : memref<16384x12x256xf32, #tpu.memory_space<hbm>> -> memref<8x12x128xf32, #tpu.memory_space<hbm>>
        tpu.wait_dma2 semaphore(%run_scoped3A : memref<!tpu.dma_semaphore, #tpu.memory_space<semaphore_mem>>) src(%arg9 : memref<8x12x128xf32, #tpu.memory_space<vmem>>) dst(%dma_wait3A_730 : memref<8x12x128xf32, #tpu.memory_space<hbm>>)
        tpu.yield
      }) : () -> ()
      "tpu.region"() ({
        %run_scoped3A = tpu.sem_alloc : memref<!tpu.dma_semaphore, #tpu.memory_space<semaphore_mem>>
        %dma_start3A_719 = arith.constant 0 : i32
        %dma_start3A_720 = arith.constant 128 : i32
        %dma_start3A_721 = tpu.memref_slice %arg5[%add3A_718, %dma_start3A_719, %dma_start3A_720] : memref<16384x12x256xf32, #tpu.memory_space<hbm>> -> memref<8x12x128xf32, #tpu.memory_space<hbm>>
        %dma_start3A_722 = arith.constant 0 : i32
        %dma_start3A_723 = arith.constant 128 : i32
        %dma_start3A_724 = tpu.memref_slice %arg5[%add3A_718, %dma_start3A_722, %dma_start3A_723] : memref<16384x12x256xf32, #tpu.memory_space<hbm>> -> memref<8x12x128xf32, #tpu.memory_space<hbm>>
        tpu.enqueue_dma source(%arg10 : memref<8x12x128xf32, #tpu.memory_space<vmem>>) target(%dma_start3A_724 : memref<8x12x128xf32, #tpu.memory_space<hbm>>) target_semaphore(%run_scoped3A : memref<!tpu.dma_semaphore, #tpu.memory_space<semaphore_mem>>)
        %dma_wait3A_725 = arith.constant 0 : i32
        %dma_wait3A_726 = arith.constant 128 : i32
        %dma_wait3A_727 = tpu.memref_slice %arg5[%add3A_718, %dma_wait3A_725, %dma_wait3A_726] : memref<16384x12x256xf32, #tpu.memory_space<hbm>> -> memref<8x12x128xf32, #tpu.memory_space<hbm>>
        %dma_wait3A_728 = arith.constant 0 : i32
        %dma_wait3A_729 = arith.constant 128 : i32
        %dma_wait3A_730 = tpu.memref_slice %arg5[%add3A_718, %dma_wait3A_728, %dma_wait3A_729] : memref<16384x12x256xf32, #tpu.memory_space<hbm>> -> memref<8x12x128xf32, #tpu.memory_space<hbm>>
        tpu.wait_dma2 semaphore(%run_scoped3A : memref<!tpu.dma_semaphore, #tpu.memory_space<semaphore_mem>>) src(%arg10 : memref<8x12x128xf32, #tpu.memory_space<vmem>>) dst(%dma_wait3A_730 : memref<8x12x128xf32, #tpu.memory_space<hbm>>)
        tpu.yield
      }) : () -> ()
    }
    %scan3A_189 = arith.constant 32 : i32
    return
  }
}

module attributes {stable_mosaic.version = 14 : i64} {
  func.func @_fuse_tables_body(%arg0: memref<29x256xf32, #tpu.memory_space<vmem>>, %arg1: memref<12x256xf32, #tpu.memory_space<vmem>>, %arg2: memref<29x12x256xf32, #tpu.memory_space<vmem>>) attributes {dimension_semantics = [], scalar_prefetch = 0 : i64, scratch_operands = 0 : i64, tpu.core_type = #tpu.core_type<tc>} {
    %get3A = arith.constant 0 : index
    %get3A_0 = arith.constant 0 : index
    %get3A_1 = vector.load %arg0[%get3A, %get3A_0] : memref<29x256xf32, #tpu.memory_space<vmem>>, vector<29x256xf32>
    %broadcast_in_dim3A = vector.shape_cast %get3A_1 : vector<29x256xf32> to vector<29x1x256xf32>
    %get3A_2 = arith.constant 0 : index
    %get3A_3 = arith.constant 0 : index
    %get3A_4 = vector.load %arg1[%get3A_2, %get3A_3] : memref<12x256xf32, #tpu.memory_space<vmem>>, vector<12x256xf32>
    %broadcast_in_dim3A_5 = vector.shape_cast %get3A_4 : vector<12x256xf32> to vector<1x12x256xf32>
    %add3A = vector.broadcast %broadcast_in_dim3A : vector<29x1x256xf32> to vector<29x12x256xf32>
    %add3A_6 = vector.broadcast %broadcast_in_dim3A_5 : vector<1x12x256xf32> to vector<29x12x256xf32>
    %add3A_7 = arith.addf %add3A, %add3A_6 : vector<29x12x256xf32>
    %swap3A = arith.constant 0 : index
    %swap3A_8 = arith.constant 0 : index
    %swap3A_9 = arith.constant 0 : index
    %swap3A_10 = vector.load %arg2[%swap3A, %swap3A_8, %swap3A_9] : memref<29x12x256xf32, #tpu.memory_space<vmem>>, vector<29x12x256xf32>
    tpu.vector_store %arg2[%swap3A, %swap3A_8, %swap3A_9], %add3A_7 {strides = array<i32>} : memref<29x12x256xf32, #tpu.memory_space<vmem>>, vector<29x12x256xf32>,
    return
  }
}

</mosaic_0001>

<sc_bundles>
// kernel: kernel.4.cloned.1.call-start
scs
__scs_entry_jumppad:
0x0: {  	(pc) =	sbr.rel $0x88, $3  }
0x1: {  	(tag) =	ssettag $0x0;
	lr =	simm.s32 $0x1  }
0x2: {  	[smem:$0x3F9E] =	sst lr;
	_ =	strace $0xD0000000  }
0x3: {  	_ = 	snop  }
0x4: {  	_ = 	snop  }
0x5: {  	_ = 	snop  }
0x6: {  	_ = 	snop  }
0x7: {  	_ = 	snop  }
__scs_overlays_trampoline_lowered:
0x8: {  	[smem:$0x3FAD] =	sst s0  }
0x9: {  	[smem:$0x3FAE] =	sst s1  }
0xa: {  	[smem:$0x3FAF] =	sst s2  }
0xb: {  	[smem:$0x3FB0] =	sst s3  }
0xc: {  	[smem:$0x3FB1] =	sst s4  }
0xd: {  	[smem:$0x3FB2] =	sst s5  }
0xe: {  	[smem:$0x3FB3] =	sst s6  }
0xf: {  	[smem:$0x3FB4] =	sst s7  }
0x10: {  	[smem:$0x3FB5] =	sst s8  }
0x11: {  	[smem:$0x3FB6] =	sst s9;
	s0 =	simm.s32 @!p0 $0x0  }
0x12: {  	s1 =	sld [smem:$0x3F9C];
	s0 =	simm.s32 @p0 $0x1  }
0x13: {  	[smem:$0x3FB7] =	sst s0;
	s0 =	simm.s32 @!p1 $0x0  }
0x14: {  	s2 =	sld [smem:$0x3F9B];
	s0 =	simm.s32 @p1 $0x1  }
0x15: {  	[smem:$0x3FB8] =	sst s0;
	s0 =	simm.s32 @!p2 $0x0  }
0x16: {  	s3 =	sld [smem:$0x3FDB];
	s0 =	simm.s32 @p2 $0x1  }
0x17: {  	s4 =	simm.s32 $0x1BF5;
	[smem:$0x3FBA] =	sst s0  }
0x18: {  	s0 =	sld [smem:$0x3F9D];
	_ =	swait.ge [sflag:s4], $0x0  }
0x19: {  	s7 =	sld [smem:$0x3F9E]  }
0x1a: {  	s8 =	sadd.s32 $0xFFFFE003, lr  }
0x1b: {  	s9 =	sadd.s32 $0xFFFFFEF7, lr;
	s5 =	simm.s32 $0xFFFFFFFF;
	p2 =	slt.u32 s8, $0xFFFFF086  }
0x1c: {  	p1 =	slt.u32 s9, $0xF7A;
	s5 =	simm.s32 @!p2 $0x0  }
0x1d: {  	s5 =	simm.s32 @p1 $0x1;
	p0 =	seq.s32 s7, s2  }
0x1e: {  	s7 =	smul.u32 @!p0 $0xF7A, s2;
	p2 =	seq.s32 @!p0 s5, $0x0  }
0x1f: {  	s9 =	smul.u32 $0xF7A, s1;
	s8 =	simm.s32 @!p0 $0x1BF5;
	p2 =	por !p2, p0  }
0x20: {  	[sflag:s8] =	ssyncset.s32 @!p0 $0xFFFFF086;
	s6 =	sadd.s32 @!p0 s3, s7;
	s7 =	simm.s32 @!p0 $0x108  }
0x21: {  	s3 =	sadd.s32 s3, s9;
	s6 =	sadd.s32 @!p0 $0x88, s6;
	s7 =	simm.s32 @p2 $0x1082  }
0x22: {  	[simem:s7], [sflag:s8] =	dma.local @!p0 [hbm:s6], $0xF7A  }
0x23: {  	s9 =	sor.u32 $0xD0000000, s2;
	s6 =	simm.s32 $0x108;
	_ =	swait.ge @!p0 [sflag:s8], $0x0  }
0x24: {  	s3 =	sadd.s32 $0x88, s3;
	s6 =	simm.s32 @!p1 $0x1082;
	[sflag:s4] =	ssyncset.s32 $0xFFFFF086  }
0x25: {  	[simem:s6], [sflag:s4] =	dma.local [hbm:s3], $0xF7A  }
0x26: {  	[smem:$0x3F9E] =	sst s1;
	(tag) =	ssettag s2;
	_ =	strace s9  }
0x27: {  	s1 =	sld [smem:$0x3FAE]  }
0x28: {  	s2 =	sld [smem:$0x3FAF]  }
0x29: {  	s4 =	sld [smem:$0x3FB1]  }
0x2a: {  	p0 =	seq.s32 s5, $0x0;
	s5 =	sld [smem:$0x3FB2]  }
0x2b: {  	s6 =	sld [smem:$0x3FB3]  }
0x2c: {  	s7 =	sld [smem:$0x3FB4]  }
0x2d: {  	s3 =	simm.s32 $0x108;
	s8 =	sld [smem:$0x3FB5]  }
0x2e: {  	s3 =	simm.s32 @!p0 $0x1082;
	s9 =	sld [smem:$0x3FB6]  }
0x2f: {  	lr =	sadd.s32 s0, s3;
	s0 =	sld [smem:$0x3FAD]  }
0x30: {  	s3 =	sld [smem:$0x3FB0]  }
0x31: {  	[smem:$0x3FB9] =	sst s10  }
0x32: {  	s10 =	sld [smem:$0x3FB7];
	_ =	sdelay $0x3  }
0x33: {  	p0 =	seq.s32 s10, $0x1;
	s10 =	sld [smem:$0x3FB9];
	_ =	sdelay $0x3  }
0x34: {  	[smem:$0x3FB9] =	sst s10  }
0x35: {  	s10 =	sld [smem:$0x3FB8];
	_ =	sdelay $0x3  }
0x36: {  	p1 =	seq.s32 s10, $0x1;
	s10 =	sld [smem:$0x3FB9];
	_ =	sdelay $0x3  }
0x37: {  	[smem:$0x3FB9] =	sst s10  }
0x38: {  	s10 =	sld [smem:$0x3FBA]  }
0x39: {  	_ = 	snop;
	(pc) =	sbr.ind lr, $3  }
0x3a: {  	_ = 	snop  }
0x3b: {  	_ = 	snop  }
0x3c: {  	p2 =	seq.s32 s10, $0x1;
	s10 =	sld [smem:$0x3FB9]  }
0x3d: {  	_ =	shalt  }
0x3e: {  	_ =	shalt  }
0x3f: {  	_ =	shalt  }
0x40: {  	_ =	shalt  }
0x41: {  	_ =	shalt  }
0x42: {  	_ =	shalt  }
0x43: {  	_ =	shalt  }
0x44: {  	_ =	shalt  }
0x45: {  	_ =	shalt  }
0x46: {  	_ =	shalt  }
0x47: {  	_ =	shalt  }
0x48: {  	_ =	shalt  }
0x49: {  	_ =	shalt  }
0x4a: {  	_ =	shalt  }
0x4b: {  	_ =	shalt  }
0x4c: {  	_ =	shalt  }
0x4d: {  	_ =	shalt  }
0x4e: {  	_ =	shalt  }
0x4f: {  	_ =	shalt  }
0x50: {  	_ =	shalt  }
0x51: {  	_ =	shalt  }
0x52: {  	_ =	shalt  }
0x53: {  	_ =	shalt  }
0x54: {  	_ =	shalt  }
0x55: {  	_ =	shalt  }
0x56: {  	_ =	shalt  }
0x57: {  	_ =	shalt  }
0x58: {  	_ =	shalt  }
0x59: {  	_ =	shalt  }
0x5a: {  	_ =	shalt  }
0x5b: {  	_ =	shalt  }
0x5c: {  	_ =	shalt  }
0x5d: {  	_ =	shalt  }
0x5e: {  	_ =	shalt  }
0x5f: {  	_ =	shalt  }
0x60: {  	_ =	shalt  }
0x61: {  	_ =	shalt  }
0x62: {  	_ =	shalt  }
0x63: {  	_ =	shalt  }
0x64: {  	_ =	shalt  }
0x65: {  	_ =	shalt  }
0x66: {  	_ =	shalt  }
0x67: {  	_ =	shalt  }
0x68: {  	_ =	shalt  }
0x69: {  	_ =	shalt  }
0x6a: {  	_ =	shalt  }
0x6b: {  	_ =	shalt  }
0x6c: {  	_ =	shalt  }
0x6d: {  	_ =	shalt  }
0x6e: {  	_ =	shalt  }
0x6f: {  	_ =	shalt  }
0x70: {  	_ =	shalt  }
0x71: {  	_ =	shalt  }
0x72: {  	_ =	shalt  }
0x73: {  	_ =	shalt  }
0x74: {  	_ =	shalt  }
0x75: {  	_ =	shalt  }
0x76: {  	_ =	shalt  }
0x77: {  	_ =	shalt  }
0x78: {  	_ =	shalt  }
0x79: {  	_ =	shalt  }
0x7a: {  	_ =	shalt  }
0x7b: {  	_ =	shalt  }
0x7c: {  	_ =	shalt  }
0x7d: {  	_ =	shalt  }
0x7e: {  	_ =	shalt  }
0x7f: {  	_ =	shalt  }
0x80: {  	_ =	shalt  }
0x81: {  	_ =	shalt  }
0x82: {  	_ =	shalt  }
0x83: {  	_ =	shalt  }
0x84: {  	_ =	shalt  }
0x85: {  	_ =	shalt  }
0x86: {  	_ =	shalt  }
0x87: {  	_ =	shalt  }
.Lfunc_end0:
.L_simem_size_0:
called_computation_lowered:
.L_overlay_start_0:
0x88: {  	s2 =	sld [smem:$0x3FD9]  }
0x89: {  	s3 =	sld [smem:$0x3FFE];
	_ =	sdelay $0x1  }
0x8a: {  	s1 =	srdreg.scid  }
0x8b: {  	s0 =	sand.u32 $0x1, s1  }
0x8c: {  	s17 =	sshll.u32 s0, $0xA;
	s2 =	sadd.s32 s3, s2  }
0x8d: {  	s2 =	sadd.s32 s2, s17  }
0x8e: {  	[smem:$0x3FC5] =	sst s2  }
0x8f: {  	_ = 	snop  }
0x90: {  	s2 =	sld [smem:$0x3FD0];
	(tm) =	ssettm $0x1  }
0x91: {  	s18 =	sld [smem:$0x3FFB];
	_ =	sdelay $0x3  }
0x92: {  	_ =	strace s18  }
0x93: {  	s3 =	sld [smem:$0x3FFC];
	_ =	sdelay $0x3  }
0x94: {  	_ =	strace s3  }
0x95: {  	s3 =	sld [smem:$0x3FFD];
	_ =	sdelay $0x3  }
0x96: {  	_ =	strace s3  }
0x97: {  	_ =	strace $0x8FFFFFFF  }
0x98: {  	s19 =	sld [smem:$0x3FDB];
	_ =	sdelay $0x1  }
0x99: {  	s4 =	simm.s32 $_scs_section_size  }
0x9a: {  	s5 =	simm.s32 $_size__tile_overlayer_lowered;
	s6 =	simm.s32 $_tile_overlayer_lowered  }
0x9b: {  	s22 =	simm.s32 $0x1BFF;
	s21 =	sshll.u32 s6, $0x1;
	s3 =	sadd.s32 s4, s19  }
0x9c: {  	s7 =	simm.s32 $0x0;
	s20 =	sshll.u32 s5, $0x1;
	s5 =	sadd.s32 s21, s3  }
0x9d: {  	[timem:s7], [sflag:s22] =	dma.local [hbm:s5], s20  }
0x9e: {  	_ =	swait.ge [sflag:s22], s20  }
0x9f: {  	s4 =	ssub.s32 $0x0, s20;
	[sflag:s22] =	ssyncset.done $0x0  }
0xa0: {  	[sflag:s22] =	ssyncadd.s32 s4;
	_ =	sdelay $0x1  }
0xa1: {  	s23 =	simm.s32 $0x1B8B  }
0xa2: {  	_ =	swait.ge [sflag:s23], $0x1  }
0xa3: {  	[sflag:s23] =	ssyncset.done $0x0  }
0xa4: {  	s25 =	simm.s32 $0x1B8E;
	s24 =	sld [smem:$0x3FFE];
	[sflag:s23] =	ssyncadd.s32 $0xFFFFFFFF  }
0xa5: {  	s26 =	simm.s32 $execute0_lowered;
	[smem:$0x3FD2] =	sst s25  }
0xa6: {  	s5 =	sshll.u32 s26, $0x1;
	_ =	strace $0x80000046;
	[dreg:$0x1] =	wrdreg $0xFFFFFFFF  }
0xa7: {  	s28 =	simm.s32 $_size_execute0_lowered;
	s3 =	sadd.s32 s3, s5;
	[dreg:$0x0] =	wrdreg $0x0  }
0xa8: {  	s5 =	sshll.u32 s28, $0x1;
	[dreg:$0x2] =	wrdreg s3  }
0xa9: {  	[dreg:$0x3] =	wrdreg s5  }
0xaa: {  	[dreg:$0x4] =	wrdreg $0xC0  }
0xab: {  	_ =	task [dreg:s7], $0x5FFFF  }
0xac: {  	[dreg:$0x1] =	wrdreg $0xFFFFFFFF  }
0xad: {  	[dreg:$0x0] =	wrdreg $0x60  }
0xae: {  	[dreg:$0x2] =	wrdreg s2  }
0xaf: {  	[dreg:$0x3] =	wrdreg s24  }
0xb0: {  	[dreg:$0x4] =	wrdreg $0x9  }
0xb1: {  	_ =	task.clear_ibuf [dreg:s7], $0x5FFFF;
	_ =	strace $0x90000046  }
0xb2: {  	s29 =	simm.s32 $0x9;
	_ =	strace $0x80000048  }
0xb3: {  	_ =	swait.ge [sflag:s29], $0x1  }
0xb4: {  	[sflag:s29] =	ssyncadd.s32 $0xFFFFFFFF  }
0xb5: {  	_ =	strace $0x90000048  }
0xb6: {  	_ =	sfence  }
0xb7: {  	s30 =	sld [smem:$0x0];
	_ =	sdelay $0x2  }
0xb8: {  	s31 =	sshll.u32 s1, $0xD;
	s1 =	sshrl.u32 s1, $0x2  }
0xb9: {  	s3 =	sand.u32 $0x4000, s31;
	s1 =	sadd.s32 s1, s30  }
0xba: {  	s0 =	sor.u32 s3, s0;
	s1 =	sshll.u32 s1, $0x11  }
0xbb: {  	s0 =	sor.u32 s1, s0  }
0xbc: {  	s0 =	sadd.s32 $0x8F2B, s0  }
0xbd: {  	[sflag:s0] =	ssyncadd.remote.s32 $0x1  }
0xbe: {  	_ =	sfence.sel $0xFFFF  }
0xbf: {  	[dreg:$0x0] =	wrdreg $0xFFFFFFFF;
	(pc) =	sbr.abs _section_cstart, $3  }
0xc0: {  	[dreg:$0x1] =	wrdreg $0xFFFFFFFF  }
0xc1: {  	_ =	task.clear_ibuf [dreg:s7], $0x2FFFF;
	_ =	strace $0x9FFFFFFF  }
0xc2: {  	(tm) =	ssettm $0x7FFFFFFF  }
0xc3: {  	_ =	shalt  }
tec
execute0_lowered:
.L_overlay_start_1:
0x0: {  	(tag) =	ssettag $0x1  }
0x1: {  	s0 =	rddreg [dreg:$0x0]  }
0x2: {  	s3 =	rddreg [dreg:$0x1];
	s1 =	simm.s32 $0x0  }
0x3: {  	s8 =	simm.s32 $0x2400;
	[smem:$0x7FF] =	sst s1  }
0x4: {  	s11 =	simm.s32 $0x2C00;
	_ =	strace $0x80000047;
	[dreg:$0x3] =	wrdreg s8  }
0x5: {  	s13 =	simm.s32 $0x3400;
	[dreg:$0x4] =	wrdreg s11  }
0x6: {  	s14 =	simm.s32 $0x3C00;
	[dreg:$0x5] =	wrdreg s13  }
0x7: {  	s4 =	srdreg.scid;
	s15 =	simm.s32 $0x4400;
	[dreg:$0x6] =	wrdreg s14  }
0x8: {  	s10 =	stileid.u32;
	s16 =	simm.s32 $0x4C00;
	[dreg:$0x7] =	wrdreg s15  }
0x9: {  	s17 =	simm.s32 $0x5400;
	s19 =	simm.s32 $0x5C00;
	[dreg:$0x8] =	wrdreg s16  }
0xa: {  	s20 =	simm.s32 $0x6400;
	s21 =	simm.s32 $0x6C00;
	[dreg:$0x9] =	wrdreg s17  }
0xb: {  	s22 =	simm.s32 $0x7400;
	s23 =	simm.s32 $0x7C00;
	[dreg:$0xa] =	wrdreg s19  }
0xc: {  	s24 =	simm.s32 $0x8400;
	s25 =	simm.s32 $0x8C00;
	[dreg:$0xb] =	wrdreg s20  }
0xd: {  	s26 =	simm.s32 $0x9400;
	s28 =	simm.s32 $0x6800;
	[dreg:$0xc] =	wrdreg s21  }
0xe: {  	s30 =	simm.s32 $0x3000;
	s31 =	simm.s32 $0x7000;
	[dreg:$0xd] =	wrdreg s22  }
0xf: {  	s29 =	simm.s32 $0xB800;
	s2 =	sadd.s32 $0x2000, s3;
	[dreg:$0xe] =	wrdreg s23  }
0x10: {  	s5 =	sand.u32 $0x1, s4;
	s4 =	sadd.s32 $0xA00, s3;
	[dreg:$0xf] =	wrdreg s24  }
0x11: {  	s3 =	sadd.s32 $0x3600, s3;
	s12 =	sshll.u32 s10, $0xB;
	[dreg:$0x10] =	wrdreg s25  }
0x12: {  	s18 =	sshll.u32 s10, $0x16;
	[dreg:$0x11] =	wrdreg s26;
	s11 =	simm.s32 $0xB400  }
0x13: {  	s10 =	simm.s32 $0xC;
	s13 =	simm.s32 $0xC400;
	[dreg:$0x15] =	wrdreg s11  }
0x14: {  	s6 =	ssub.s32 $0x2, s5;
	s14 =	simm.s32 $0xCC00;
	[dreg:$0x17] =	wrdreg s13  }
0x15: {  	s9 =	sshll.u32 s5, $0xA;
	s15 =	simm.s32 $0xD400;
	[dreg:$0x18] =	wrdreg s14  }
0x16: {  	s5 =	sshll.u32 s5, $0x15;
	s16 =	simm.s32 $0xDC00;
	[dreg:$0x19] =	wrdreg s15  }
0x17: {  	s26 =	simm.s32 $0x6000;
	s17 =	simm.s32 $0xE400;
	[dreg:$0x1a] =	wrdreg s16  }
0x18: {  	s24 =	simm.s32 $0x2800;
	s19 =	simm.s32 $0xF400;
	[dreg:$0x1b] =	wrdreg s17  }
0x19: {  	s20 =	simm.s32 $0xFC00;
	s21 =	simm.s32 $0x10400;
	[dreg:$0x1d] =	wrdreg s19  }
0x1a: {  	s22 =	simm.s32 $0x10C00;
	s23 =	simm.s32 $0x11400;
	[dreg:$0x1e] =	wrdreg s20  }
0x1b: {  	s25 =	simm.s32 $0x11C00;
	s7 =	sshrl.u32 s6, $0x1;
	[dreg:$0x1f] =	wrdreg s21  }
0x1c: {  	s8 =	sor.u32 s9, s12;
	s5 =	sor.u32 s5, s18;
	[smem:$0x7FB] =	sst s22  }
0x1d: {  	s9 =	simm.s32 $0x3;
	s12 =	simm.s32 $0xBC00;
	[smem:$0x7FC] =	sst s23  }
0x1e: {  	s18 =	simm.s32 $0xEC00;
	[smem:$0x7FD] =	sst s25;
	s13 =	simm.s32 $0xE000  }
0x1f: {  	s16 =	simm.s32 $0xA800;
	s19 =	simm.s32 $0xE800;
	s22 =	simm.s32 $0xB000  }
0x20: {  	s25 =	simm.s32 $0xF000;
	s11 =	simm.s32 $0xC800;
	s14 =	simm.s32 $0xD000  }
0x21: {  	s15 =	simm.s32 $0x11000;
	s17 =	simm.s32 $0xD800;
	s20 =	simm.s32 $0x1  }
0x22: {  	s21 =	simm.s32 $0x2;
	s6 =	ssub.s32 s6, s7;
	[dreg:$0x16] =	wrdreg s12  }
0x23: {  	v0 =	vimm.s32 $0x3210BA98;
	s0 =	sadd.s32 s0, s8;
	s7 =	simm.s32 $0xA400;
	[dreg:$0x1c] =	wrdreg s18  }
0x24: {  	v1 =	vimm.s32 $0x76543210;
	s8 =	simm.s32 $0xAC00;
	s12 =	simm.s32 $0x10800;
	[smem:$0x7F7] =	sst s0  }
0x25: {  	v0 =	vunpack.c.l.s4.s8 v0;
	v1 =	vunpack.c.l.s4.s8 v1;
	s18 =	simm.s32 $0x11800;
	s6 =	smax.u32 s6, $0x1;
	[dreg:$0x13] =	wrdreg s7  }
0x26: {  	[smem:$0x7F8] =	sst s6;
	s6 =	sshrl.u32 s5, $0x3;
	s5 =	sor.u32 $0x8000, s5  }
0x27: {  	v0 =	vunpack.c.0.s8.s32 v0;
	v1 =	vunpack.c.0.s8.s32 v1;
	[dreg:$0x14] =	wrdreg s8;
	s6 =	sadd.s32 s6, s3;
	s5 =	sshrl.u32 s5, $0x3  }
0x28: {  	s0 =	simm.s32 $0xF800;
	s6 =	sadd.s32 $0x80, s6;
	s3 =	sadd.s32 s5, s3  }
0x29: {  	s7 =	simm.s32 $0xC000;
	v0 =	vcombine.low v1, v0;
	[smem:$0x7F9] =	sst s6;
	s3 =	sadd.s32 $0x80, s3  }
0x2a: {  	s8 =	simm.s32 $0x10000;
	s6 =	simm.s32 $0x9C00;
	[smem:$0x7FA] =	sst s3  }
0x2b: {  	v0 =	vand.u32 $0xF, v0;
	s5 =	simm.s32 $0x0;
	[dreg:$0x12] =	wrdreg s6;
	s6 =	simm.s32 $0x2000  }
.LBB2_1:
0x2c: {  	s3 =	sld [smem:$0x7F7];
	_ =	sdelay $0x1  }
0x2d: {  	[smem:$0x7F6] =	sst s5  }
0x2e: {  	[tilespmem:s1], [sflag:$0x3] =	stream.linear.gather [hbm4b:s3+s1], $0x2000, $0x38;
	[tilespmem:$0x12000] =	vst v63  }
0x2f: {  	_ =	swait.ge [sflag:s9], $0x2000  }
0x30: {  	[sflag:s9] =	ssyncset.done $0x0  }
0x31: {  	s23 =	simm.s32 $0x40;
	s3 =	simm.s32 $0x0;
	[sflag:s9] =	ssyncadd.s32 $0xFFFFE000  }
.LBB2_2:
0x32: {  	p0 =	sne.s32 s23, $0x7FC0;
	v1 =	vld [tilespmem:s3+$0x0];
	_ =	sdelay $0x3  }
.Ltmp0:
0x33: {  	(pc) =	sbr.rel @p0 .LBB2_2-.Ltmp0, $3  }
0x34: {  	v1 =	vmul.u32 $0xC, v1;
	_ =	sdelay $0x1  }
0x35: {  	v1 =	vadd.s32 v0, v1  }
0x36: {  	[tilespmem:s3+$0x0] =	vst v1;
	s3 =	sshra.s32 s23, $0x2;
	s23 =	sadd.s32 $0x40, s23  }
0x37: {  	v1 =	vld [tilespmem:s3+$0x0];
	_ =	sdelay $0x4  }
0x38: {  	v1 =	vmul.u32 $0xC, v1;
	_ =	sdelay $0x1  }
0x39: {  	v1 =	vadd.s32 v0, v1  }
0x3a: {  	s23 =	simm.s32 $0x0;
	[tilespmem:s3+$0x0] =	vst v1  }
0x3b: {  	[tilespmem:s6], [sflag:$0x1] =	stream.indirect.gather [hbm4b:s2+s10], $0x80, s23, s10, $0xb8;
	[tilespmem:$0x12000] =	vst v63  }
0x3c: {  	_ = 	snop  }
0x3d: {  	[tilespmem:s26], [sflag:$0x1] =	stream.indirect.gather [hbm4b:s4+s10], $0x80, s23, s10, $0xb8;
	[tilespmem:$0x12000] =	vst v63  }
0x3e: {  	s5 =	simm.s32 $0x10  }
0x3f: {  	[tilespmem:s24], [sflag:$0x1] =	stream.indirect.gather [hbm4b:s2+s10], $0x80, s5, s10, $0xb8;
	[tilespmem:$0x12000] =	vst v63  }
0x40: {  	_ = 	snop  }
0x41: {  	[tilespmem:s28], [sflag:$0x1] =	stream.indirect.gather [hbm4b:s4+s10], $0x80, s5, s10, $0xb8;
	[tilespmem:$0x12000] =	vst v63  }
0x42: {  	s23 =	simm.s32 $0x20  }
0x43: {  	[tilespmem:s30], [sflag:$0x1] =	stream.indirect.gather [hbm4b:s2+s10], $0x80, s23, s10, $0xb8;
	[tilespmem:$0x12000] =	vst v63  }
0x44: {  	_ = 	snop  }
0x45: {  	[tilespmem:s31], [sflag:$0x1] =	stream.indirect.gather [hbm4b:s4+s10], $0x80, s23, s10, $0xb8;
	[tilespmem:$0x12000] =	vst v63  }
0x46: {  	s3 =	simm.s32 $0x30;
	s23 =	simm.s32 $0x3800  }
0x47: {  	[tilespmem:s23], [sflag:$0x1] =	stream.indirect.gather [hbm4b:s2+s10], $0x80, s3, s10, $0xb8;
	[tilespmem:$0x12000] =	vst v63  }
0x48: {  	s5 =	simm.s32 $0x7800  }
0x49: {  	[tilespmem:s5], [sflag:$0x1] =	stream.indirect.gather [hbm4b:s4+s10], $0x80, s3, s10, $0xb8;
	[tilespmem:$0x12000] =	vst v63  }
0x4a: {  	s3 =	simm.s32 $0x40;
	s5 =	simm.s32 $0x4000  }
0x4b: {  	[tilespmem:s5], [sflag:$0x1] =	stream.indirect.gather [hbm4b:s2+s10], $0x80, s3, s10, $0xb8;
	[tilespmem:$0x12000] =	vst v63  }
0x4c: {  	s5 =	simm.s32 $0x8000  }
0x4d: {  	[tilespmem:s5], [sflag:$0x1] =	stream.indirect.gather [hbm4b:s4+s10], $0x80, s3, s10, $0xb8;
	[tilespmem:$0x12000] =	vst v63  }
0x4e: {  	s3 =	simm.s32 $0x50;
	s5 =	simm.s32 $0x4800  }
0x4f: {  	[tilespmem:s5], [sflag:$0x1] =	stream.indirect.gather [hbm4b:s2+s10], $0x80, s3, s10, $0xb8;
	[tilespmem:$0x12000] =	vst v63  }
0x50: {  	s5 =	simm.s32 $0x8800  }
0x51: {  	[tilespmem:s5], [sflag:$0x1] =	stream.indirect.gather [hbm4b:s4+s10], $0x80, s3, s10, $0xb8;
	[tilespmem:$0x12000] =	vst v63  }
0x52: {  	s3 =	simm.s32 $0x60;
	s5 =	simm.s32 $0x5000  }
0x53: {  	[tilespmem:s5], [sflag:$0x1] =	stream.indirect.gather [hbm4b:s2+s10], $0x80, s3, s10, $0xb8;
	[tilespmem:$0x12000] =	vst v63  }
0x54: {  	s5 =	simm.s32 $0x9000  }
0x55: {  	[tilespmem:s5], [sflag:$0x1] =	stream.indirect.gather [hbm4b:s4+s10], $0x80, s3, s10, $0xb8;
	[tilespmem:$0x12000] =	vst v63  }
0x56: {  	s3 =	simm.s32 $0x70;
	s5 =	simm.s32 $0x5800  }
0x57: {  	[tilespmem:s5], [sflag:$0x1] =	stream.indirect.gather [hbm4b:s2+s10], $0x80, s3, s10, $0xb8;
	[tilespmem:$0x12000] =	vst v63  }
0x58: {  	s5 =	simm.s32 $0x9800  }
0x59: {  	[tilespmem:s5], [sflag:$0x1] =	stream.indirect.gather [hbm4b:s4+s10], $0x80, s3, s10, $0xb8;
	[tilespmem:$0x12000] =	vst v63  }
0x5a: {  	s3 =	simm.s32 $0x80;
	s5 =	simm.s32 $0xA000  }
0x5b: {  	[tilespmem:s5], [sflag:$0x2] =	stream.indirect.gather [hbm4b:s2+s10], $0x80, s3, s10, $0xb8;
	[tilespmem:$0x12000] =	vst v63  }
0x5c: {  	_ = 	snop  }
0x5d: {  	[tilespmem:s13], [sflag:$0x2] =	stream.indirect.gather [hbm4b:s4+s10], $0x80, s3, s10, $0xb8;
	[tilespmem:$0x12000] =	vst v63  }
0x5e: {  	s5 =	simm.s32 $0x90  }
0x5f: {  	[tilespmem:s16], [sflag:$0x2] =	stream.indirect.gather [hbm4b:s2+s10], $0x80, s5, s10, $0xb8;
	[tilespmem:$0x12000] =	vst v63  }
0x60: {  	_ = 	snop  }
0x61: {  	[tilespmem:s19], [sflag:$0x2] =	stream.indirect.gather [hbm4b:s4+s10], $0x80, s5, s10, $0xb8;
	[tilespmem:$0x12000] =	vst v63  }
0x62: {  	s5 =	simm.s32 $0xA0  }
0x63: {  	[tilespmem:s22], [sflag:$0x2] =	stream.indirect.gather [hbm4b:s2+s10], $0x80, s5, s10, $0xb8;
	[tilespmem:$0x12000] =	vst v63  }
0x64: {  	_ = 	snop  }
0x65: {  	[tilespmem:s25], [sflag:$0x2] =	stream.indirect.gather [hbm4b:s4+s10], $0x80, s5, s10, $0xb8;
	[tilespmem:$0x12000] =	vst v63  }
0x66: {  	s5 =	simm.s32 $0xB0  }
0x67: {  	[tilespmem:s29], [sflag:$0x2] =	stream.indirect.gather [hbm4b:s2+s10], $0x80, s5, s10, $0xb8;
	[tilespmem:$0x12000] =	vst v63  }
0x68: {  	_ = 	snop  }
0x69: {  	[tilespmem:s0], [sflag:$0x2] =	stream.indirect.gather [hbm4b:s4+s10], $0x80, s5, s10, $0xb8;
	[tilespmem:$0x12000] =	vst v63  }
0x6a: {  	s5 =	simm.s32 $0xC0  }
0x6b: {  	[tilespmem:s7], [sflag:$0x2] =	stream.indirect.gather [hbm4b:s2+s10], $0x80, s5, s10, $0xb8;
	[tilespmem:$0x12000] =	vst v63  }
0x6c: {  	_ = 	snop  }
0x6d: {  	[tilespmem:s8], [sflag:$0x2] =	stream.indirect.gather [hbm4b:s4+s10], $0x80, s5, s10, $0xb8;
	[tilespmem:$0x12000] =	vst v63  }
0x6e: {  	s5 =	simm.s32 $0xD0  }
0x6f: {  	[tilespmem:s11], [sflag:$0x2] =	stream.indirect.gather [hbm4b:s2+s10], $0x80, s5, s10, $0xb8;
	[tilespmem:$0x12000] =	vst v63  }
0x70: {  	_ = 	snop  }
0x71: {  	[tilespmem:s12], [sflag:$0x2] =	stream.indirect.gather [hbm4b:s4+s10], $0x80, s5, s10, $0xb8;
	[tilespmem:$0x12000] =	vst v63  }
0x72: {  	s5 =	simm.s32 $0xE0  }
0x73: {  	[tilespmem:s14], [sflag:$0x2] =	stream.indirect.gather [hbm4b:s2+s10], $0x80, s5, s10, $0xb8;
	[tilespmem:$0x12000] =	vst v63  }
0x74: {  	_ = 	snop  }
0x75: {  	[tilespmem:s15], [sflag:$0x2] =	stream.indirect.gather [hbm4b:s4+s10], $0x80, s5, s10, $0xb8;
	[tilespmem:$0x12000] =	vst v63  }
0x76: {  	s5 =	simm.s32 $0xF0  }
0x77: {  	[tilespmem:s17], [sflag:$0x2] =	stream.indirect.gather [hbm4b:s2+s10], $0x80, s5, s10, $0xb8;
	[tilespmem:$0x12000] =	vst v63  }
0x78: {  	_ = 	snop  }
0x79: {  	[tilespmem:s18], [sflag:$0x2] =	stream.indirect.gather [hbm4b:s4+s10], $0x80, s5, s10, $0xb8;
	[tilespmem:$0x12000] =	vst v63  }
0x7a: {  	_ =	swait.ge [sflag:s20], $0x600  }
0x7b: {  	[sflag:s20] =	ssyncset.done $0x0  }
0x7c: {  	[sflag:s20] =	ssyncadd.s32 $0xFFFFFA00  }
0x7d: {  	_ =	swait.ge [sflag:s20], $0x600  }
0x7e: {  	[sflag:s20] =	ssyncset.done $0x0  }
0x7f: {  	[sflag:s20] =	ssyncadd.s32 $0xFFFFFA00  }
0x80: {  	_ =	swait.ge [sflag:s20], $0x600  }
0x81: {  	[sflag:s20] =	ssyncset.done $0x0  }
0x82: {  	[sflag:s20] =	ssyncadd.s32 $0xFFFFFA00  }
0x83: {  	_ =	swait.ge [sflag:s20], $0x600  }
0x84: {  	[sflag:s20] =	ssyncset.done $0x0  }
0x85: {  	[sflag:s20] =	ssyncadd.s32 $0xFFFFFA00  }
0x86: {  	_ =	swait.ge [sflag:s20], $0x600  }
0x87: {  	[sflag:s20] =	ssyncset.done $0x0  }
0x88: {  	[sflag:s20] =	ssyncadd.s32 $0xFFFFFA00  }
0x89: {  	_ =	swait.ge [sflag:s20], $0x600  }
0x8a: {  	[sflag:s20] =	ssyncset.done $0x0  }
0x8b: {  	[sflag:s20] =	ssyncadd.s32 $0xFFFFFA00  }
0x8c: {  	_ =	swait.ge [sflag:s20], $0x600  }
0x8d: {  	[sflag:s20] =	ssyncset.done $0x0  }
0x8e: {  	[sflag:s20] =	ssyncadd.s32 $0xFFFFFA00  }
0x8f: {  	_ =	swait.ge [sflag:s20], $0x600  }
0x90: {  	[sflag:s20] =	ssyncset.done $0x0  }
0x91: {  	[sflag:s20] =	ssyncadd.s32 $0xFFFFFA00  }
0x92: {  	_ =	swait.ge [sflag:s20], $0x600  }
0x93: {  	[sflag:s20] =	ssyncset.done $0x0  }
0x94: {  	[sflag:s20] =	ssyncadd.s32 $0xFFFFFA00  }
0x95: {  	_ =	swait.ge [sflag:s20], $0x600  }
0x96: {  	[sflag:s20] =	ssyncset.done $0x0  }
0x97: {  	[sflag:s20] =	ssyncadd.s32 $0xFFFFFA00  }
0x98: {  	_ =	swait.ge [sflag:s20], $0x600  }
0x99: {  	[sflag:s20] =	ssyncset.done $0x0  }
0x9a: {  	[sflag:s20] =	ssyncadd.s32 $0xFFFFFA00  }
0x9b: {  	_ =	swait.ge [sflag:s20], $0x600  }
0x9c: {  	[sflag:s20] =	ssyncset.done $0x0  }
0x9d: {  	[sflag:s20] =	ssyncadd.s32 $0xFFFFFA00  }
0x9e: {  	_ =	swait.ge [sflag:s20], $0x600  }
0x9f: {  	[sflag:s20] =	ssyncset.done $0x0  }
0xa0: {  	[sflag:s20] =	ssyncadd.s32 $0xFFFFFA00  }
0xa1: {  	_ =	swait.ge [sflag:s20], $0x600  }
0xa2: {  	[sflag:s20] =	ssyncset.done $0x0  }
0xa3: {  	[sflag:s20] =	ssyncadd.s32 $0xFFFFFA00  }
0xa4: {  	_ =	swait.ge [sflag:s20], $0x600  }
0xa5: {  	[sflag:s20] =	ssyncset.done $0x0  }
0xa6: {  	[sflag:s20] =	ssyncadd.s32 $0xFFFFFA00  }
0xa7: {  	_ =	swait.ge [sflag:s20], $0x600  }
0xa8: {  	s5 =	sld [smem:$0x7F9];
	_ =	sdelay $0x1  }
0xa9: {  	[sflag:s20] =	ssyncset.done $0x0  }
0xaa: {  	[sflag:s20] =	ssyncadd.s32 $0xFFFFFA00;
	s3 =	sadd.s32 $0xFFFFFF80, s5  }
0xab: {  	[hbm4b:s3+s1] =	stream.linear.scatter [tilespmem:s6], [sflag:$0x3], $0x400, $0x38;
	[tilespmem:$0x12000] =	vst v63  }
0xac: {  	s6 =	sadd.s32 $0x180, s5  }
0xad: {  	[hbm4b:s6+s1] =	stream.linear.scatter [tilespmem:s24], [sflag:$0x3], $0x400, $0x38;
	[tilespmem:$0x12000] =	vst v63  }
0xae: {  	s24 =	sadd.s32 $0x380, s5  }
0xaf: {  	[hbm4b:s24+s1] =	stream.linear.scatter [tilespmem:s30], [sflag:$0x3], $0x400, $0x38;
	[tilespmem:$0x12000] =	vst v63  }
0xb0: {  	s6 =	sadd.s32 $0x580, s5  }
0xb1: {  	[hbm4b:s6+s1] =	stream.linear.scatter [tilespmem:s23], [sflag:$0x3], $0x400, $0x38;
	[tilespmem:$0x12000] =	vst v63  }
0xb2: {  	s24 =	simm.s32 $0x4000;
	s23 =	sadd.s32 $0x780, s5  }
0xb3: {  	[hbm4b:s23+s1] =	stream.linear.scatter [tilespmem:s24], [sflag:$0x3], $0x400, $0x38;
	[tilespmem:$0x12000] =	vst v63  }
0xb4: {  	s23 =	sadd.s32 $0x980, s5;
	s24 =	simm.s32 $0x4800  }
0xb5: {  	[hbm4b:s23+s1] =	stream.linear.scatter [tilespmem:s24], [sflag:$0x3], $0x400, $0x38;
	[tilespmem:$0x12000] =	vst v63  }
0xb6: {  	s23 =	sadd.s32 $0xB80, s5;
	s24 =	simm.s32 $0x5000  }
0xb7: {  	[hbm4b:s23+s1] =	stream.linear.scatter [tilespmem:s24], [sflag:$0x3], $0x400, $0x38;
	[tilespmem:$0x12000] =	vst v63  }
0xb8: {  	s6 =	sadd.s32 $0xD80, s5;
	s24 =	simm.s32 $0x5800  }
0xb9: {  	[hbm4b:s6+s1] =	stream.linear.scatter [tilespmem:s24], [sflag:$0x3], $0x400, $0x38;
	[tilespmem:$0x12000] =	vst v63  }
0xba: {  	s23 =	rddreg [dreg:$0x3];
	s6 =	sadd.s32 $0x80, s5  }
0xbb: {  	[hbm4b:s6+s1] =	stream.linear.scatter [tilespmem:s23], [sflag:$0x3], $0x200, $0x38;
	[tilespmem:$0x12000] =	vst v63  }
0xbc: {  	s24 =	rddreg [dreg:$0x4];
	s6 =	sadd.s32 $0x280, s5  }
0xbd: {  	[hbm4b:s6+s1] =	stream.linear.scatter [tilespmem:s24], [sflag:$0x3], $0x200, $0x38;
	[tilespmem:$0x12000] =	vst v63  }
0xbe: {  	s23 =	rddreg [dreg:$0x5];
	s6 =	sadd.s32 $0x480, s5  }
0xbf: {  	[hbm4b:s6+s1] =	stream.linear.scatter [tilespmem:s23], [sflag:$0x3], $0x200, $0x38;
	[tilespmem:$0x12000] =	vst v63  }
0xc0: {  	s24 =	rddreg [dreg:$0x6];
	s6 =	sadd.s32 $0x680, s5  }
0xc1: {  	[hbm4b:s6+s1] =	stream.linear.scatter [tilespmem:s24], [sflag:$0x3], $0x200, $0x38;
	[tilespmem:$0x12000] =	vst v63  }
0xc2: {  	s23 =	rddreg [dreg:$0x7];
	s6 =	sadd.s32 $0x880, s5  }
0xc3: {  	[hbm4b:s6+s1] =	stream.linear.scatter [tilespmem:s23], [sflag:$0x3], $0x200, $0x38;
	[tilespmem:$0x12000] =	vst v63  }
0xc4: {  	s24 =	rddreg [dreg:$0x8];
	s6 =	sadd.s32 $0xA80, s5  }
0xc5: {  	[hbm4b:s6+s1] =	stream.linear.scatter [tilespmem:s24], [sflag:$0x3], $0x200, $0x38;
	[tilespmem:$0x12000] =	vst v63  }
0xc6: {  	s23 =	rddreg [dreg:$0x9];
	s24 =	sadd.s32 $0xC80, s5  }
0xc7: {  	[hbm4b:s24+s1] =	stream.linear.scatter [tilespmem:s23], [sflag:$0x3], $0x200, $0x38;
	[tilespmem:$0x12000] =	vst v63  }
0xc8: {  	s6 =	rddreg [dreg:$0xa];
	s23 =	sadd.s32 $0xE80, s5  }
0xc9: {  	[hbm4b:s23+s1] =	stream.linear.scatter [tilespmem:s6], [sflag:$0x3], $0x200, $0x38;
	[tilespmem:$0x12000] =	vst v63  }
0xca: {  	_ =	swait.ge [sflag:s9], $0x3000  }
0xcb: {  	[sflag:s9] =	ssyncset.done $0x0  }
0xcc: {  	[sflag:s9] =	ssyncadd.s32 $0xFFFFD000  }
0xcd: {  	[hbm4b:s5+s1] =	stream.linear.scatter [tilespmem:s26], [sflag:$0x3], $0x400, $0x38;
	[tilespmem:$0x12000] =	vst v63  }
0xce: {  	s26 =	sadd.s32 $0x200, s5  }
0xcf: {  	[hbm4b:s26+s1] =	stream.linear.scatter [tilespmem:s28], [sflag:$0x3], $0x400, $0x38;
	[tilespmem:$0x12000] =	vst v63  }
0xd0: {  	s6 =	sadd.s32 $0x400, s5  }
0xd1: {  	[hbm4b:s6+s1] =	stream.linear.scatter [tilespmem:s31], [sflag:$0x3], $0x400, $0x38;
	[tilespmem:$0x12000] =	vst v63  }
0xd2: {  	s24 =	simm.s32 $0x7800;
	s23 =	sadd.s32 $0x600, s5  }
0xd3: {  	[hbm4b:s23+s1] =	stream.linear.scatter [tilespmem:s24], [sflag:$0x3], $0x400, $0x38;
	[tilespmem:$0x12000] =	vst v63  }
0xd4: {  	s26 =	sadd.s32 $0x800, s5;
	s31 =	simm.s32 $0x8000  }
0xd5: {  	[hbm4b:s26+s1] =	stream.linear.scatter [tilespmem:s31], [sflag:$0x3], $0x400, $0x38;
	[tilespmem:$0x12000] =	vst v63  }
0xd6: {  	s23 =	sadd.s32 $0xA00, s5;
	s24 =	simm.s32 $0x8800  }
0xd7: {  	[hbm4b:s23+s1] =	stream.linear.scatter [tilespmem:s24], [sflag:$0x3], $0x400, $0x38;
	[tilespmem:$0x12000] =	vst v63  }
0xd8: {  	s26 =	sadd.s32 $0xC00, s5;
	s31 =	simm.s32 $0x9000  }
0xd9: {  	[hbm4b:s26+s1] =	stream.linear.scatter [tilespmem:s31], [sflag:$0x3], $0x400, $0x38;
	[tilespmem:$0x12000] =	vst v63  }
0xda: {  	s23 =	sadd.s32 $0xE00, s5;
	s26 =	simm.s32 $0x9800  }
0xdb: {  	[hbm4b:s23+s1] =	stream.linear.scatter [tilespmem:s26], [sflag:$0x3], $0x400, $0x38;
	[tilespmem:$0x12000] =	vst v63  }
0xdc: {  	s24 =	rddreg [dreg:$0xb];
	s31 =	sadd.s32 $0x100, s5  }
0xdd: {  	[hbm4b:s31+s1] =	stream.linear.scatter [tilespmem:s24], [sflag:$0x3], $0x200, $0x38;
	[tilespmem:$0x12000] =	vst v63  }
0xde: {  	s6 =	rddreg [dreg:$0xc];
	s23 =	sadd.s32 $0x300, s5  }
0xdf: {  	[hbm4b:s23+s1] =	stream.linear.scatter [tilespmem:s6], [sflag:$0x3], $0x200, $0x38;
	[tilespmem:$0x12000] =	vst v63  }
0xe0: {  	s26 =	rddreg [dreg:$0xd];
	s31 =	sadd.s32 $0x500, s5  }
0xe1: {  	[hbm4b:s31+s1] =	stream.linear.scatter [tilespmem:s26], [sflag:$0x3], $0x200, $0x38;
	[tilespmem:$0x12000] =	vst v63  }
0xe2: {  	s6 =	rddreg [dreg:$0xe];
	s23 =	sadd.s32 $0x700, s5  }
0xe3: {  	[hbm4b:s23+s1] =	stream.linear.scatter [tilespmem:s6], [sflag:$0x3], $0x200, $0x38;
	[tilespmem:$0x12000] =	vst v63  }
0xe4: {  	s26 =	rddreg [dreg:$0xf];
	s31 =	sadd.s32 $0x900, s5  }
0xe5: {  	[hbm4b:s31+s1] =	stream.linear.scatter [tilespmem:s26], [sflag:$0x3], $0x200, $0x38;
	[tilespmem:$0x12000] =	vst v63  }
0xe6: {  	s6 =	rddreg [dreg:$0x10];
	s23 =	sadd.s32 $0xB00, s5  }
0xe7: {  	[hbm4b:s23+s1] =	stream.linear.scatter [tilespmem:s6], [sflag:$0x3], $0x200, $0x38;
	[tilespmem:$0x12000] =	vst v63  }
0xe8: {  	s26 =	rddreg [dreg:$0x11];
	s31 =	sadd.s32 $0xD00, s5  }
0xe9: {  	[hbm4b:s31+s1] =	stream.linear.scatter [tilespmem:s26], [sflag:$0x3], $0x200, $0x38;
	[tilespmem:$0x12000] =	vst v63  }
0xea: {  	s6 =	rddreg [dreg:$0x12];
	s26 =	sadd.s32 $0xF00, s5  }
0xeb: {  	[hbm4b:s26+s1] =	stream.linear.scatter [tilespmem:s6], [sflag:$0x3], $0x200, $0x38;
	[tilespmem:$0x12000] =	vst v63  }
0xec: {  	p0 =	por $0x0, $0x0;
	_ =	swait.ge [sflag:s9], $0x3000  }
0xed: {  	s3 =	simm.s32 @!p0 $0x2000;
	[sflag:s9] =	ssyncset.done $0x0  }
0xee: {  	s24 =	simm.s32 @!p0 $0xC;
	s23 =	simm.s32 @!p0 $0x100;
	[sflag:s9] =	ssyncadd.s32 $0xFFFFD000  }
0xef: {  	[tilespmem:s3], [sflag:$0x1] =	stream.indirect.gather @!p0 [hbm4b:s2+s24], $0x80, s23, s24, $0xb8;
	[tilespmem:$0x12000] =	vst v63  }
0xf0: {  	s3 =	simm.s32 @!p0 $0x6000  }
0xf1: {  	[tilespmem:s3], [sflag:$0x1] =	stream.indirect.gather @!p0 [hbm4b:s4+s24], $0x80, s23, s24, $0xb8;
	[tilespmem:$0x12000] =	vst v63  }
0xf2: {  	s3 =	simm.s32 @!p0 $0x110;
	s23 =	simm.s32 @!p0 $0x2800  }
0xf3: {  	[tilespmem:s23], [sflag:$0x1] =	stream.indirect.gather @!p0 [hbm4b:s2+s24], $0x80, s3, s24, $0xb8;
	[tilespmem:$0x12000] =	vst v63  }
0xf4: {  	s23 =	simm.s32 @!p0 $0x6800  }
0xf5: {  	[tilespmem:s23], [sflag:$0x1] =	stream.indirect.gather @!p0 [hbm4b:s4+s24], $0x80, s3, s24, $0xb8;
	[tilespmem:$0x12000] =	vst v63  }
0xf6: {  	s3 =	simm.s32 @!p0 $0x120;
	s23 =	simm.s32 @!p0 $0x3000  }
0xf7: {  	[tilespmem:s23], [sflag:$0x1] =	stream.indirect.gather @!p0 [hbm4b:s2+s24], $0x80, s3, s24, $0xb8;
	[tilespmem:$0x12000] =	vst v63  }
0xf8: {  	s23 =	simm.s32 @!p0 $0x7000  }
0xf9: {  	[tilespmem:s23], [sflag:$0x1] =	stream.indirect.gather @!p0 [hbm4b:s4+s24], $0x80, s3, s24, $0xb8;
	[tilespmem:$0x12000] =	vst v63  }
0xfa: {  	s3 =	simm.s32 @!p0 $0x130;
	s23 =	simm.s32 @!p0 $0x3800  }
0xfb: {  	[tilespmem:s23], [sflag:$0x1] =	stream.indirect.gather @!p0 [hbm4b:s2+s24], $0x80, s3, s24, $0xb8;
	[tilespmem:$0x12000] =	vst v63  }
0xfc: {  	s23 =	simm.s32 @!p0 $0x7800  }
0xfd: {  	[tilespmem:s23], [sflag:$0x1] =	stream.indirect.gather @!p0 [hbm4b:s4+s24], $0x80, s3, s24, $0xb8;
	[tilespmem:$0x12000] =	vst v63  }
0xfe: {  	s3 =	simm.s32 @!p0 $0x140;
	s23 =	simm.s32 @!p0 $0x4000  }
0xff: {  	[tilespmem:s23], [sflag:$0x1] =	stream.indirect.gather @!p0 [hbm4b:s2+s24], $0x80, s3, s24, $0xb8;
	[tilespmem:$0x12000] =	vst v63  }
0x100: {  	s23 =	simm.s32 @!p0 $0x8000  }
0x101: {  	[tilespmem:s23], [sflag:$0x1] =	stream.indirect.gather @!p0 [hbm4b:s4+s24], $0x80, s3, s24, $0xb8;
	[tilespmem:$0x12000] =	vst v63  }
0x102: {  	s3 =	simm.s32 @!p0 $0x150;
	s23 =	simm.s32 @!p0 $0x4800  }
0x103: {  	[tilespmem:s23], [sflag:$0x1] =	stream.indirect.gather @!p0 [hbm4b:s2+s24], $0x80, s3, s24, $0xb8;
	[tilespmem:$0x12000] =	vst v63  }
0x104: {  	s23 =	simm.s32 @!p0 $0x8800  }
0x105: {  	[tilespmem:s23], [sflag:$0x1] =	stream.indirect.gather @!p0 [hbm4b:s4+s24], $0x80, s3, s24, $0xb8;
	[tilespmem:$0x12000] =	vst v63  }
0x106: {  	s3 =	simm.s32 @!p0 $0x160;
	s23 =	simm.s32 @!p0 $0x5000  }
0x107: {  	[tilespmem:s23], [sflag:$0x1] =	stream.indirect.gather @!p0 [hbm4b:s2+s24], $0x80, s3, s24, $0xb8;
	[tilespmem:$0x12000] =	vst v63  }
0x108: {  	s23 =	simm.s32 @!p0 $0x9000  }
0x109: {  	[tilespmem:s23], [sflag:$0x1] =	stream.indirect.gather @!p0 [hbm4b:s4+s24], $0x80, s3, s24, $0xb8;
	[tilespmem:$0x12000] =	vst v63  }
0x10a: {  	s3 =	simm.s32 @!p0 $0x170;
	s23 =	simm.s32 @!p0 $0x5800  }
0x10b: {  	[tilespmem:s23], [sflag:$0x1] =	stream.indirect.gather @!p0 [hbm4b:s2+s24], $0x80, s3, s24, $0xb8;
	[tilespmem:$0x12000] =	vst v63  }
0x10c: {  	s23 =	simm.s32 @!p0 $0x9800  }
0x10d: {  	[tilespmem:s23], [sflag:$0x1] =	stream.indirect.gather @!p0 [hbm4b:s4+s24], $0x80, s3, s24, $0xb8;
	[tilespmem:$0x12000] =	vst v63  }
0x10e: {  	_ =	swait.ge [sflag:s21], $0x600  }
0x10f: {  	[sflag:s21] =	ssyncset.done $0x0  }
0x110: {  	[sflag:s21] =	ssyncadd.s32 $0xFFFFFA00  }
0x111: {  	_ =	swait.ge [sflag:s21], $0x600  }
0x112: {  	[sflag:s21] =	ssyncset.done $0x0  }
0x113: {  	[sflag:s21] =	ssyncadd.s32 $0xFFFFFA00  }
0x114: {  	_ =	swait.ge [sflag:s21], $0x600  }
0x115: {  	[sflag:s21] =	ssyncset.done $0x0  }
0x116: {  	[sflag:s21] =	ssyncadd.s32 $0xFFFFFA00  }
0x117: {  	_ =	swait.ge [sflag:s21], $0x600  }
0x118: {  	[sflag:s21] =	ssyncset.done $0x0  }
0x119: {  	[sflag:s21] =	ssyncadd.s32 $0xFFFFFA00  }
0x11a: {  	_ =	swait.ge [sflag:s21], $0x600  }
0x11b: {  	[sflag:s21] =	ssyncset.done $0x0  }
0x11c: {  	[sflag:s21] =	ssyncadd.s32 $0xFFFFFA00  }
0x11d: {  	_ =	swait.ge [sflag:s21], $0x600  }
0x11e: {  	[sflag:s21] =	ssyncset.done $0x0  }
0x11f: {  	[sflag:s21] =	ssyncadd.s32 $0xFFFFFA00  }
0x120: {  	_ =	swait.ge [sflag:s21], $0x600  }
0x121: {  	[sflag:s21] =	ssyncset.done $0x0  }
0x122: {  	[sflag:s21] =	ssyncadd.s32 $0xFFFFFA00  }
0x123: {  	_ =	swait.ge [sflag:s21], $0x600  }
0x124: {  	[sflag:s21] =	ssyncset.done $0x0  }
0x125: {  	[sflag:s21] =	ssyncadd.s32 $0xFFFFFA00  }
0x126: {  	_ =	swait.ge [sflag:s21], $0x600  }
0x127: {  	[sflag:s21] =	ssyncset.done $0x0  }
0x128: {  	[sflag:s21] =	ssyncadd.s32 $0xFFFFFA00  }
0x129: {  	_ =	swait.ge [sflag:s21], $0x600  }
0x12a: {  	[sflag:s21] =	ssyncset.done $0x0  }
0x12b: {  	[sflag:s21] =	ssyncadd.s32 $0xFFFFFA00  }
0x12c: {  	_ =	swait.ge [sflag:s21], $0x600  }
0x12d: {  	[sflag:s21] =	ssyncset.done $0x0  }
0x12e: {  	[sflag:s21] =	ssyncadd.s32 $0xFFFFFA00  }
0x12f: {  	_ =	swait.ge [sflag:s21], $0x600  }
0x130: {  	[sflag:s21] =	ssyncset.done $0x0  }
0x131: {  	[sflag:s21] =	ssyncadd.s32 $0xFFFFFA00  }
0x132: {  	_ =	swait.ge [sflag:s21], $0x600  }
0x133: {  	[sflag:s21] =	ssyncset.done $0x0  }
0x134: {  	[sflag:s21] =	ssyncadd.s32 $0xFFFFFA00  }
0x135: {  	_ =	swait.ge [sflag:s21], $0x600  }
0x136: {  	[sflag:s21] =	ssyncset.done $0x0  }
0x137: {  	[sflag:s21] =	ssyncadd.s32 $0xFFFFFA00  }
0x138: {  	_ =	swait.ge [sflag:s21], $0x600  }
0x139: {  	[sflag:s21] =	ssyncset.done $0x0  }
0x13a: {  	[sflag:s21] =	ssyncadd.s32 $0xFFFFFA00  }
0x13b: {  	_ =	swait.ge [sflag:s21], $0x600  }
0x13c: {  	s6 =	sld [smem:$0x7FA];
	_ =	sdelay $0x1  }
0x13d: {  	[sflag:s21] =	ssyncset.done $0x0  }
0x13e: {  	s30 =	simm.s32 $0xA000;
	[sflag:s21] =	ssyncadd.s32 $0xFFFFFA00;
	s31 =	sadd.s32 $0xFFFFFF80, s6  }
0x13f: {  	[hbm4b:s31+s1] =	stream.linear.scatter [tilespmem:s30], [sflag:$0x3], $0x400, $0x38;
	[tilespmem:$0x12000] =	vst v63  }
0x140: {  	s23 =	sadd.s32 $0x180, s6  }
0x141: {  	[hbm4b:s23+s1] =	stream.linear.scatter [tilespmem:s16], [sflag:$0x3], $0x400, $0x38;
	[tilespmem:$0x12000] =	vst v63  }
0x142: {  	s24 =	sadd.s32 $0x380, s6  }
0x143: {  	[hbm4b:s24+s1] =	stream.linear.scatter [tilespmem:s22], [sflag:$0x3], $0x400, $0x38;
	[tilespmem:$0x12000] =	vst v63  }
0x144: {  	s26 =	sadd.s32 $0x580, s6  }
0x145: {  	[hbm4b:s26+s1] =	stream.linear.scatter [tilespmem:s29], [sflag:$0x3], $0x400, $0x38;
	[tilespmem:$0x12000] =	vst v63  }
0x146: {  	s30 =	sadd.s32 $0x780, s6  }
0x147: {  	[hbm4b:s30+s1] =	stream.linear.scatter [tilespmem:s7], [sflag:$0x3], $0x400, $0x38;
	[tilespmem:$0x12000] =	vst v63  }
0x148: {  	s31 =	sadd.s32 $0x980, s6  }
0x149: {  	[hbm4b:s31+s1] =	stream.linear.scatter [tilespmem:s11], [sflag:$0x3], $0x400, $0x38;
	[tilespmem:$0x12000] =	vst v63  }
0x14a: {  	s23 =	sadd.s32 $0xB80, s6  }
0x14b: {  	[hbm4b:s23+s1] =	stream.linear.scatter [tilespmem:s14], [sflag:$0x3], $0x400, $0x38;
	[tilespmem:$0x12000] =	vst v63  }
0x14c: {  	s24 =	sadd.s32 $0xD80, s6  }
0x14d: {  	[hbm4b:s24+s1] =	stream.linear.scatter [tilespmem:s17], [sflag:$0x3], $0x400, $0x38;
	[tilespmem:$0x12000] =	vst v63  }
0x14e: {  	s26 =	rddreg [dreg:$0x13];
	s30 =	sadd.s32 $0x80, s6  }
0x14f: {  	[hbm4b:s30+s1] =	stream.linear.scatter [tilespmem:s26], [sflag:$0x3], $0x200, $0x38;
	[tilespmem:$0x12000] =	vst v63  }
0x150: {  	s31 =	rddreg [dreg:$0x14];
	s23 =	sadd.s32 $0x280, s6  }
0x151: {  	[hbm4b:s23+s1] =	stream.linear.scatter [tilespmem:s31], [sflag:$0x3], $0x200, $0x38;
	[tilespmem:$0x12000] =	vst v63  }
0x152: {  	s26 =	rddreg [dreg:$0x15];
	s30 =	sadd.s32 $0x480, s6  }
0x153: {  	[hbm4b:s30+s1] =	stream.linear.scatter [tilespmem:s26], [sflag:$0x3], $0x200, $0x38;
	[tilespmem:$0x12000] =	vst v63  }
0x154: {  	s31 =	rddreg [dreg:$0x16];
	s23 =	sadd.s32 $0x680, s6  }
0x155: {  	[hbm4b:s23+s1] =	stream.linear.scatter [tilespmem:s31], [sflag:$0x3], $0x200, $0x38;
	[tilespmem:$0x12000] =	vst v63  }
0x156: {  	s26 =	rddreg [dreg:$0x17];
	s30 =	sadd.s32 $0x880, s6  }
0x157: {  	[hbm4b:s30+s1] =	stream.linear.scatter [tilespmem:s26], [sflag:$0x3], $0x200, $0x38;
	[tilespmem:$0x12000] =	vst v63  }
0x158: {  	s31 =	rddreg [dreg:$0x18];
	s23 =	sadd.s32 $0xA80, s6  }
0x159: {  	[hbm4b:s23+s1] =	stream.linear.scatter [tilespmem:s31], [sflag:$0x3], $0x200, $0x38;
	[tilespmem:$0x12000] =	vst v63  }
0x15a: {  	s26 =	rddreg [dreg:$0x19];
	s30 =	sadd.s32 $0xC80, s6  }
0x15b: {  	[hbm4b:s30+s1] =	stream.linear.scatter [tilespmem:s26], [sflag:$0x3], $0x200, $0x38;
	[tilespmem:$0x12000] =	vst v63  }
0x15c: {  	s31 =	rddreg [dreg:$0x1a];
	s23 =	sadd.s32 $0xE80, s6  }
0x15d: {  	[hbm4b:s23+s1] =	stream.linear.scatter [tilespmem:s31], [sflag:$0x3], $0x200, $0x38;
	[tilespmem:$0x12000] =	vst v63  }
0x15e: {  	_ =	swait.ge [sflag:s9], $0x3000  }
0x15f: {  	[sflag:s9] =	ssyncset.done $0x0  }
0x160: {  	[sflag:s9] =	ssyncadd.s32 $0xFFFFD000  }
0x161: {  	[hbm4b:s6+s1] =	stream.linear.scatter [tilespmem:s13], [sflag:$0x3], $0x400, $0x38;
	[tilespmem:$0x12000] =	vst v63  }
0x162: {  	s26 =	sadd.s32 $0x200, s6  }
0x163: {  	[hbm4b:s26+s1] =	stream.linear.scatter [tilespmem:s19], [sflag:$0x3], $0x400, $0x38;
	[tilespmem:$0x12000] =	vst v63  }
0x164: {  	s30 =	sadd.s32 $0x400, s6  }
0x165: {  	[hbm4b:s30+s1] =	stream.linear.scatter [tilespmem:s25], [sflag:$0x3], $0x400, $0x38;
	[tilespmem:$0x12000] =	vst v63  }
0x166: {  	s31 =	sadd.s32 $0x600, s6  }
0x167: {  	[hbm4b:s31+s1] =	stream.linear.scatter [tilespmem:s0], [sflag:$0x3], $0x400, $0x38;
	[tilespmem:$0x12000] =	vst v63  }
0x168: {  	s23 =	sadd.s32 $0x800, s6  }
0x169: {  	[hbm4b:s23+s1] =	stream.linear.scatter [tilespmem:s8], [sflag:$0x3], $0x400, $0x38;
	[tilespmem:$0x12000] =	vst v63  }
0x16a: {  	s24 =	sadd.s32 $0xA00, s6  }
0x16b: {  	[hbm4b:s24+s1] =	stream.linear.scatter [tilespmem:s12], [sflag:$0x3], $0x400, $0x38;
	[tilespmem:$0x12000] =	vst v63  }
0x16c: {  	s26 =	sadd.s32 $0xC00, s6  }
0x16d: {  	[hbm4b:s26+s1] =	stream.linear.scatter [tilespmem:s15], [sflag:$0x3], $0x400, $0x38;
	[tilespmem:$0x12000] =	vst v63  }
0x16e: {  	s30 =	sadd.s32 $0xE00, s6;
	s31 =	rddreg [dreg:$0x1b]  }
0x16f: {  	[hbm4b:s30+s1] =	stream.linear.scatter [tilespmem:s18], [sflag:$0x3], $0x400, $0x38;
	[tilespmem:$0x12000] =	vst v63  }
0x170: {  	s24 =	sadd.s32 $0x100, s6;
	s26 =	rddreg [dreg:$0x1c]  }
0x171: {  	[hbm4b:s24+s1] =	stream.linear.scatter [tilespmem:s31], [sflag:$0x3], $0x200, $0x38;
	[tilespmem:$0x12000] =	vst v63  }
0x172: {  	s30 =	sadd.s32 $0x300, s6;
	s31 =	rddreg [dreg:$0x1d]  }
0x173: {  	[hbm4b:s30+s1] =	stream.linear.scatter [tilespmem:s26], [sflag:$0x3], $0x200, $0x38;
	[tilespmem:$0x12000] =	vst v63  }
0x174: {  	s24 =	sadd.s32 $0x500, s6;
	s26 =	rddreg [dreg:$0x1e]  }
0x175: {  	[hbm4b:s24+s1] =	stream.linear.scatter [tilespmem:s31], [sflag:$0x3], $0x200, $0x38;
	[tilespmem:$0x12000] =	vst v63  }
0x176: {  	s30 =	sadd.s32 $0x700, s6;
	s31 =	rddreg [dreg:$0x1f]  }
0x177: {  	[hbm4b:s30+s1] =	stream.linear.scatter [tilespmem:s26], [sflag:$0x3], $0x200, $0x38;
	[tilespmem:$0x12000] =	vst v63  }
0x178: {  	s24 =	sadd.s32 $0x900, s6;
	s26 =	sld [smem:$0x7FB]  }
0x179: {  	[hbm4b:s24+s1] =	stream.linear.scatter [tilespmem:s31], [sflag:$0x3], $0x200, $0x38;
	[tilespmem:$0x12000] =	vst v63  }
0x17a: {  	s30 =	sadd.s32 $0xB00, s6;
	s31 =	sld [smem:$0x7FC]  }
0x17b: {  	[hbm4b:s30+s1] =	stream.linear.scatter [tilespmem:s26], [sflag:$0x3], $0x200, $0x38;
	[tilespmem:$0x12000] =	vst v63  }
0x17c: {  	s26 =	sadd.s32 $0xD00, s6;
	s30 =	sld [smem:$0x7FD]  }
0x17d: {  	[hbm4b:s26+s1] =	stream.linear.scatter [tilespmem:s31], [sflag:$0x3], $0x200, $0x38;
	[tilespmem:$0x12000] =	vst v63  }
0x17e: {  	s31 =	sadd.s32 $0xF00, s6  }
0x17f: {  	[hbm4b:s31+s1] =	stream.linear.scatter [tilespmem:s30], [sflag:$0x3], $0x200, $0x38;
	[tilespmem:$0x12000] =	vst v63  }
0x180: {  	s28 =	simm.s32 $0x800;
	s23 =	sadd.s32 $0x2000, s6;
	_ =	swait.ge [sflag:s9], $0x3000  }
0x181: {  	s24 =	sadd.s32 $0x2000, s5;
	s26 =	simm.s32 $0x400;
	[sflag:s9] =	ssyncset.done $0x0  }
.LBB2_4:
0x182: {  	s3 =	sshra.s32 s26, $0x2  }
0x183: {  	[sflag:s9] =	ssyncadd.s32 $0xFFFFD000;
	s5 =	simm.s32 $0xA000;
	s31 =	sadd.s32 $0x80, s3  }
0x184: {  	[tilespmem:s5], [sflag:$0x2] =	stream.indirect.gather [hbm4b:s2+s10], $0x80, s31, s10, $0xb8;
	[tilespmem:$0x12000] =	vst v63  }
0x185: {  	_ = 	snop  }
0x186: {  	[tilespmem:s13], [sflag:$0x2] =	stream.indirect.gather [hbm4b:s4+s10], $0x80, s31, s10, $0xb8;
	[tilespmem:$0x12000] =	vst v63  }
0x187: {  	s6 =	sadd.s32 $0x90, s3  }
0x188: {  	[tilespmem:s16], [sflag:$0x2] =	stream.indirect.gather [hbm4b:s2+s10], $0x80, s6, s10, $0xb8;
	[tilespmem:$0x12000] =	vst v63  }
0x189: {  	_ = 	snop  }
0x18a: {  	[tilespmem:s19], [sflag:$0x2] =	stream.indirect.gather [hbm4b:s4+s10], $0x80, s6, s10, $0xb8;
	[tilespmem:$0x12000] =	vst v63  }
0x18b: {  	s5 =	sadd.s32 $0xA0, s3  }
0x18c: {  	[tilespmem:s22], [sflag:$0x2] =	stream.indirect.gather [hbm4b:s2+s10], $0x80, s5, s10, $0xb8;
	[tilespmem:$0x12000] =	vst v63  }
0x18d: {  	_ = 	snop  }
0x18e: {  	[tilespmem:s25], [sflag:$0x2] =	stream.indirect.gather [hbm4b:s4+s10], $0x80, s5, s10, $0xb8;
	[tilespmem:$0x12000] =	vst v63  }
0x18f: {  	s6 =	sadd.s32 $0xB0, s3  }
0x190: {  	[tilespmem:s29], [sflag:$0x2] =	stream.indirect.gather [hbm4b:s2+s10], $0x80, s6, s10, $0xb8;
	[tilespmem:$0x12000] =	vst v63  }
0x191: {  	_ = 	snop  }
0x192: {  	[tilespmem:s0], [sflag:$0x2] =	stream.indirect.gather [hbm4b:s4+s10], $0x80, s6, s10, $0xb8;
	[tilespmem:$0x12000] =	vst v63  }
0x193: {  	s5 =	sadd.s32 $0xC0, s3  }
0x194: {  	[tilespmem:s7], [sflag:$0x2] =	stream.indirect.gather [hbm4b:s2+s10], $0x80, s5, s10, $0xb8;
	[tilespmem:$0x12000] =	vst v63  }
0x195: {  	_ = 	snop  }
0x196: {  	[tilespmem:s8], [sflag:$0x2] =	stream.indirect.gather [hbm4b:s4+s10], $0x80, s5, s10, $0xb8;
	[tilespmem:$0x12000] =	vst v63  }
0x197: {  	s6 =	sadd.s32 $0xD0, s3  }
0x198: {  	[tilespmem:s11], [sflag:$0x2] =	stream.indirect.gather [hbm4b:s2+s10], $0x80, s6, s10, $0xb8;
	[tilespmem:$0x12000] =	vst v63  }
0x199: {  	_ = 	snop  }
0x19a: {  	[tilespmem:s12], [sflag:$0x2] =	stream.indirect.gather [hbm4b:s4+s10], $0x80, s6, s10, $0xb8;
	[tilespmem:$0x12000] =	vst v63  }
0x19b: {  	s5 =	sadd.s32 $0xE0, s3  }
0x19c: {  	[tilespmem:s14], [sflag:$0x2] =	stream.indirect.gather [hbm4b:s2+s10], $0x80, s5, s10, $0xb8;
	[tilespmem:$0x12000] =	vst v63  }
0x19d: {  	_ = 	snop  }
0x19e: {  	[tilespmem:s15], [sflag:$0x2] =	stream.indirect.gather [hbm4b:s4+s10], $0x80, s5, s10, $0xb8;
	[tilespmem:$0x12000] =	vst v63  }
0x19f: {  	s3 =	sadd.s32 $0xF0, s3  }
0x1a0: {  	[tilespmem:s17], [sflag:$0x2] =	stream.indirect.gather [hbm4b:s2+s10], $0x80, s3, s10, $0xb8;
	[tilespmem:$0x12000] =	vst v63  }
0x1a1: {  	_ = 	snop  }
0x1a2: {  	[tilespmem:s18], [sflag:$0x2] =	stream.indirect.gather [hbm4b:s4+s10], $0x80, s3, s10, $0xb8;
	[tilespmem:$0x12000] =	vst v63  }
0x1a3: {  	_ =	swait.ge [sflag:s20], $0x600  }
0x1a4: {  	[sflag:s20] =	ssyncset.done $0x0  }
0x1a5: {  	[sflag:s20] =	ssyncadd.s32 $0xFFFFFA00  }
0x1a6: {  	_ =	swait.ge [sflag:s20], $0x600  }
0x1a7: {  	[sflag:s20] =	ssyncset.done $0x0  }
0x1a8: {  	[sflag:s20] =	ssyncadd.s32 $0xFFFFFA00  }
0x1a9: {  	_ =	swait.ge [sflag:s20], $0x600  }
0x1aa: {  	[sflag:s20] =	ssyncset.done $0x0  }
0x1ab: {  	[sflag:s20] =	ssyncadd.s32 $0xFFFFFA00  }
0x1ac: {  	_ =	swait.ge [sflag:s20], $0x600  }
0x1ad: {  	[sflag:s20] =	ssyncset.done $0x0  }
0x1ae: {  	[sflag:s20] =	ssyncadd.s32 $0xFFFFFA00  }
0x1af: {  	_ =	swait.ge [sflag:s20], $0x600  }
0x1b0: {  	[sflag:s20] =	ssyncset.done $0x0  }
0x1b1: {  	[sflag:s20] =	ssyncadd.s32 $0xFFFFFA00  }
0x1b2: {  	_ =	swait.ge [sflag:s20], $0x600  }
0x1b3: {  	[sflag:s20] =	ssyncset.done $0x0  }
0x1b4: {  	[sflag:s20] =	ssyncadd.s32 $0xFFFFFA00  }
0x1b5: {  	_ =	swait.ge [sflag:s20], $0x600  }
0x1b6: {  	[sflag:s20] =	ssyncset.done $0x0  }
0x1b7: {  	[sflag:s20] =	ssyncadd.s32 $0xFFFFFA00  }
0x1b8: {  	_ =	swait.ge [sflag:s20], $0x600  }
0x1b9: {  	[sflag:s20] =	ssyncset.done $0x0  }
0x1ba: {  	[sflag:s20] =	ssyncadd.s32 $0xFFFFFA00  }
0x1bb: {  	_ =	swait.ge [sflag:s20], $0x600  }
0x1bc: {  	[sflag:s20] =	ssyncset.done $0x0  }
0x1bd: {  	[sflag:s20] =	ssyncadd.s32 $0xFFFFFA00  }
0x1be: {  	_ =	swait.ge [sflag:s20], $0x600  }
0x1bf: {  	[sflag:s20] =	ssyncset.done $0x0  }
0x1c0: {  	[sflag:s20] =	ssyncadd.s32 $0xFFFFFA00  }
0x1c1: {  	_ =	swait.ge [sflag:s20], $0x600  }
0x1c2: {  	[sflag:s20] =	ssyncset.done $0x0  }
0x1c3: {  	[sflag:s20] =	ssyncadd.s32 $0xFFFFFA00  }
0x1c4: {  	_ =	swait.ge [sflag:s20], $0x600  }
0x1c5: {  	[sflag:s20] =	ssyncset.done $0x0  }
0x1c6: {  	[sflag:s20] =	ssyncadd.s32 $0xFFFFFA00  }
0x1c7: {  	_ =	swait.ge [sflag:s20], $0x600  }
0x1c8: {  	[sflag:s20] =	ssyncset.done $0x0  }
0x1c9: {  	[sflag:s20] =	ssyncadd.s32 $0xFFFFFA00  }
0x1ca: {  	_ =	swait.ge [sflag:s20], $0x600  }
0x1cb: {  	[sflag:s20] =	ssyncset.done $0x0  }
0x1cc: {  	[sflag:s20] =	ssyncadd.s32 $0xFFFFFA00  }
0x1cd: {  	_ =	swait.ge [sflag:s20], $0x600  }
0x1ce: {  	[sflag:s20] =	ssyncset.done $0x0  }
0x1cf: {  	[sflag:s20] =	ssyncadd.s32 $0xFFFFFA00  }
0x1d0: {  	_ =	swait.ge [sflag:s20], $0x600  }
0x1d1: {  	[sflag:s20] =	ssyncset.done $0x0  }
0x1d2: {  	s31 =	simm.s32 $0x2000;
	s6 =	sadd.s32 $0xFFFFFF80, s24;
	[sflag:s20] =	ssyncadd.s32 $0xFFFFFA00  }
0x1d3: {  	[hbm4b:s6+s1] =	stream.linear.scatter [tilespmem:s31], [sflag:$0x3], $0x400, $0x38;
	[tilespmem:$0x12000] =	vst v63  }
0x1d4: {  	s6 =	sadd.s32 $0x180, s24;
	s31 =	simm.s32 $0x2800  }
0x1d5: {  	[hbm4b:s6+s1] =	stream.linear.scatter [tilespmem:s31], [sflag:$0x3], $0x400, $0x38;
	[tilespmem:$0x12000] =	vst v63  }
0x1d6: {  	s6 =	sadd.s32 $0x380, s24;
	s31 =	simm.s32 $0x3000  }
0x1d7: {  	[hbm4b:s6+s1] =	stream.linear.scatter [tilespmem:s31], [sflag:$0x3], $0x400, $0x38;
	[tilespmem:$0x12000] =	vst v63  }
0x1d8: {  	s6 =	sadd.s32 $0x580, s24;
	s31 =	simm.s32 $0x3800  }
0x1d9: {  	[hbm4b:s6+s1] =	stream.linear.scatter [tilespmem:s31], [sflag:$0x3], $0x400, $0x38;
	[tilespmem:$0x12000] =	vst v63  }
0x1da: {  	s6 =	sadd.s32 $0x780, s24;
	s31 =	simm.s32 $0x4000  }
0x1db: {  	[hbm4b:s6+s1] =	stream.linear.scatter [tilespmem:s31], [sflag:$0x3], $0x400, $0x38;
	[tilespmem:$0x12000] =	vst v63  }
0x1dc: {  	s6 =	sadd.s32 $0x980, s24;
	s31 =	simm.s32 $0x4800  }
0x1dd: {  	[hbm4b:s6+s1] =	stream.linear.scatter [tilespmem:s31], [sflag:$0x3], $0x400, $0x38;
	[tilespmem:$0x12000] =	vst v63  }
0x1de: {  	s6 =	sadd.s32 $0xB80, s24;
	s31 =	simm.s32 $0x5000  }
0x1df: {  	[hbm4b:s6+s1] =	stream.linear.scatter [tilespmem:s31], [sflag:$0x3], $0x400, $0x38;
	[tilespmem:$0x12000] =	vst v63  }
0x1e0: {  	s5 =	sadd.s32 $0xD80, s24;
	s6 =	simm.s32 $0x5800  }
0x1e1: {  	[hbm4b:s5+s1] =	stream.linear.scatter [tilespmem:s6], [sflag:$0x3], $0x400, $0x38;
	[tilespmem:$0x12000] =	vst v63  }
0x1e2: {  	s31 =	rddreg [dreg:$0x3];
	s6 =	sadd.s32 $0x80, s24  }
0x1e3: {  	[hbm4b:s6+s1] =	stream.linear.scatter [tilespmem:s31], [sflag:$0x3], $0x200, $0x38;
	[tilespmem:$0x12000] =	vst v63  }
0x1e4: {  	s5 =	rddreg [dreg:$0x4];
	s6 =	sadd.s32 $0x280, s24  }
0x1e5: {  	[hbm4b:s6+s1] =	stream.linear.scatter [tilespmem:s5], [sflag:$0x3], $0x200, $0x38;
	[tilespmem:$0x12000] =	vst v63  }
0x1e6: {  	s31 =	rddreg [dreg:$0x5];
	s6 =	sadd.s32 $0x480, s24  }
0x1e7: {  	[hbm4b:s6+s1] =	stream.linear.scatter [tilespmem:s31], [sflag:$0x3], $0x200, $0x38;
	[tilespmem:$0x12000] =	vst v63  }
0x1e8: {  	s5 =	rddreg [dreg:$0x6];
	s6 =	sadd.s32 $0x680, s24  }
0x1e9: {  	[hbm4b:s6+s1] =	stream.linear.scatter [tilespmem:s5], [sflag:$0x3], $0x200, $0x38;
	[tilespmem:$0x12000] =	vst v63  }
0x1ea: {  	s31 =	rddreg [dreg:$0x7];
	s6 =	sadd.s32 $0x880, s24  }
0x1eb: {  	[hbm4b:s6+s1] =	stream.linear.scatter [tilespmem:s31], [sflag:$0x3], $0x200, $0x38;
	[tilespmem:$0x12000] =	vst v63  }
0x1ec: {  	s5 =	rddreg [dreg:$0x8];
	s6 =	sadd.s32 $0xA80, s24  }
0x1ed: {  	[hbm4b:s6+s1] =	stream.linear.scatter [tilespmem:s5], [sflag:$0x3], $0x200, $0x38;
	[tilespmem:$0x12000] =	vst v63  }
0x1ee: {  	s31 =	rddreg [dreg:$0x9];
	s5 =	sadd.s32 $0xC80, s24  }
0x1ef: {  	[hbm4b:s5+s1] =	stream.linear.scatter [tilespmem:s31], [sflag:$0x3], $0x200, $0x38;
	[tilespmem:$0x12000] =	vst v63  }
0x1f0: {  	s6 =	rddreg [dreg:$0xa];
	s31 =	sadd.s32 $0xE80, s24  }
0x1f1: {  	[hbm4b:s31+s1] =	stream.linear.scatter [tilespmem:s6], [sflag:$0x3], $0x200, $0x38;
	[tilespmem:$0x12000] =	vst v63  }
0x1f2: {  	_ =	swait.ge [sflag:s9], $0x3000  }
0x1f3: {  	[sflag:s9] =	ssyncset.done $0x0  }
0x1f4: {  	s5 =	simm.s32 $0x6000;
	[sflag:s9] =	ssyncadd.s32 $0xFFFFD000  }
0x1f5: {  	[hbm4b:s24+s1] =	stream.linear.scatter [tilespmem:s5], [sflag:$0x3], $0x400, $0x38;
	[tilespmem:$0x12000] =	vst v63  }
0x1f6: {  	s6 =	sadd.s32 $0x200, s24;
	s31 =	simm.s32 $0x6800  }
0x1f7: {  	[hbm4b:s6+s1] =	stream.linear.scatter [tilespmem:s31], [sflag:$0x3], $0x400, $0x38;
	[tilespmem:$0x12000] =	vst v63  }
0x1f8: {  	s6 =	sadd.s32 $0x400, s24;
	s31 =	simm.s32 $0x7000  }
0x1f9: {  	[hbm4b:s6+s1] =	stream.linear.scatter [tilespmem:s31], [sflag:$0x3], $0x400, $0x38;
	[tilespmem:$0x12000] =	vst v63  }
0x1fa: {  	s6 =	sadd.s32 $0x600, s24;
	s31 =	simm.s32 $0x7800  }
0x1fb: {  	[hbm4b:s6+s1] =	stream.linear.scatter [tilespmem:s31], [sflag:$0x3], $0x400, $0x38;
	[tilespmem:$0x12000] =	vst v63  }
0x1fc: {  	s6 =	sadd.s32 $0x800, s24;
	s31 =	simm.s32 $0x8000  }
0x1fd: {  	[hbm4b:s6+s1] =	stream.linear.scatter [tilespmem:s31], [sflag:$0x3], $0x400, $0x38;
	[tilespmem:$0x12000] =	vst v63  }
0x1fe: {  	s6 =	sadd.s32 $0xA00, s24;
	s31 =	simm.s32 $0x8800  }
0x1ff: {  	[hbm4b:s6+s1] =	stream.linear.scatter [tilespmem:s31], [sflag:$0x3], $0x400, $0x38;
	[tilespmem:$0x12000] =	vst v63  }
0x200: {  	s5 =	sadd.s32 $0xC00, s24;
	s6 =	simm.s32 $0x9000  }
0x201: {  	[hbm4b:s5+s1] =	stream.linear.scatter [tilespmem:s6], [sflag:$0x3], $0x400, $0x38;
	[tilespmem:$0x12000] =	vst v63  }
0x202: {  	s31 =	sadd.s32 $0xE00, s24;
	s6 =	simm.s32 $0x9800  }
0x203: {  	[hbm4b:s31+s1] =	stream.linear.scatter [tilespmem:s6], [sflag:$0x3], $0x400, $0x38;
	[tilespmem:$0x12000] =	vst v63  }
0x204: {  	s5 =	rddreg [dreg:$0xb];
	s6 =	sadd.s32 $0x100, s24  }
0x205: {  	[hbm4b:s6+s1] =	stream.linear.scatter [tilespmem:s5], [sflag:$0x3], $0x200, $0x38;
	[tilespmem:$0x12000] =	vst v63  }
0x206: {  	s31 =	rddreg [dreg:$0xc];
	s6 =	sadd.s32 $0x300, s24  }
0x207: {  	[hbm4b:s6+s1] =	stream.linear.scatter [tilespmem:s31], [sflag:$0x3], $0x200, $0x38;
	[tilespmem:$0x12000] =	vst v63  }
0x208: {  	s5 =	rddreg [dreg:$0xd];
	s6 =	sadd.s32 $0x500, s24  }
0x209: {  	[hbm4b:s6+s1] =	stream.linear.scatter [tilespmem:s5], [sflag:$0x3], $0x200, $0x38;
	[tilespmem:$0x12000] =	vst v63  }
0x20a: {  	s31 =	rddreg [dreg:$0xe];
	s6 =	sadd.s32 $0x700, s24  }
0x20b: {  	[hbm4b:s6+s1] =	stream.linear.scatter [tilespmem:s31], [sflag:$0x3], $0x200, $0x38;
	[tilespmem:$0x12000] =	vst v63  }
0x20c: {  	s5 =	rddreg [dreg:$0xf];
	s6 =	sadd.s32 $0x900, s24  }
0x20d: {  	[hbm4b:s6+s1] =	stream.linear.scatter [tilespmem:s5], [sflag:$0x3], $0x200, $0x38;
	[tilespmem:$0x12000] =	vst v63  }
0x20e: {  	s31 =	rddreg [dreg:$0x10];
	s6 =	sadd.s32 $0xB00, s24  }
0x20f: {  	[hbm4b:s6+s1] =	stream.linear.scatter [tilespmem:s31], [sflag:$0x3], $0x200, $0x38;
	[tilespmem:$0x12000] =	vst v63  }
0x210: {  	s5 =	rddreg [dreg:$0x11];
	s6 =	sadd.s32 $0xD00, s24  }
0x211: {  	[hbm4b:s6+s1] =	stream.linear.scatter [tilespmem:s5], [sflag:$0x3], $0x200, $0x38;
	[tilespmem:$0x12000] =	vst v63  }
0x212: {  	s31 =	rddreg [dreg:$0x12];
	s6 =	sadd.s32 $0xF00, s24  }
0x213: {  	[hbm4b:s6+s1] =	stream.linear.scatter [tilespmem:s31], [sflag:$0x3], $0x200, $0x38;
	[tilespmem:$0x12000] =	vst v63  }
0x214: {  	p1 =	seq.s32 s26, $0x7C00;
	_ =	swait.ge [sflag:s9], $0x3000  }
0x215: {  	s3 =	sshra.s32 @!p1 s26, $0x2;
	s5 =	simm.s32 @!p1 $0x2000;
	[sflag:s9] =	ssyncset.done $0x0  }
0x216: {  	s6 =	sadd.s32 @!p1 $0x100, s3;
	s31 =	simm.s32 @!p1 $0xC;
	[sflag:s9] =	ssyncadd.s32 $0xFFFFD000  }
0x217: {  	[tilespmem:s5], [sflag:$0x1] =	stream.indirect.gather @!p1 [hbm4b:s2+s31], $0x80, s6, s31, $0xb8;
	[tilespmem:$0x12000] =	vst v63  }
0x218: {  	s5 =	simm.s32 @!p1 $0x6000  }
0x219: {  	[tilespmem:s5], [sflag:$0x1] =	stream.indirect.gather @!p1 [hbm4b:s4+s31], $0x80, s6, s31, $0xb8;
	[tilespmem:$0x12000] =	vst v63  }
0x21a: {  	s5 =	sadd.s32 @!p1 $0x110, s3;
	s6 =	simm.s32 @!p1 $0x2800  }
0x21b: {  	[tilespmem:s6], [sflag:$0x1] =	stream.indirect.gather @!p1 [hbm4b:s2+s31], $0x80, s5, s31, $0xb8;
	[tilespmem:$0x12000] =	vst v63  }
0x21c: {  	s6 =	simm.s32 @!p1 $0x6800  }
0x21d: {  	[tilespmem:s6], [sflag:$0x1] =	stream.indirect.gather @!p1 [hbm4b:s4+s31], $0x80, s5, s31, $0xb8;
	[tilespmem:$0x12000] =	vst v63  }
0x21e: {  	s5 =	sadd.s32 @!p1 $0x120, s3;
	s6 =	simm.s32 @!p1 $0x3000  }
0x21f: {  	[tilespmem:s6], [sflag:$0x1] =	stream.indirect.gather @!p1 [hbm4b:s2+s31], $0x80, s5, s31, $0xb8;
	[tilespmem:$0x12000] =	vst v63  }
0x220: {  	s6 =	simm.s32 @!p1 $0x7000  }
0x221: {  	[tilespmem:s6], [sflag:$0x1] =	stream.indirect.gather @!p1 [hbm4b:s4+s31], $0x80, s5, s31, $0xb8;
	[tilespmem:$0x12000] =	vst v63  }
0x222: {  	s5 =	sadd.s32 @!p1 $0x130, s3;
	s6 =	simm.s32 @!p1 $0x3800  }
0x223: {  	[tilespmem:s6], [sflag:$0x1] =	stream.indirect.gather @!p1 [hbm4b:s2+s31], $0x80, s5, s31, $0xb8;
	[tilespmem:$0x12000] =	vst v63  }
0x224: {  	s6 =	simm.s32 @!p1 $0x7800  }
0x225: {  	[tilespmem:s6], [sflag:$0x1] =	stream.indirect.gather @!p1 [hbm4b:s4+s31], $0x80, s5, s31, $0xb8;
	[tilespmem:$0x12000] =	vst v63  }
0x226: {  	s5 =	sadd.s32 @!p1 $0x140, s3;
	s6 =	simm.s32 @!p1 $0x4000  }
0x227: {  	[tilespmem:s6], [sflag:$0x1] =	stream.indirect.gather @!p1 [hbm4b:s2+s31], $0x80, s5, s31, $0xb8;
	[tilespmem:$0x12000] =	vst v63  }
0x228: {  	s6 =	simm.s32 @!p1 $0x8000  }
0x229: {  	[tilespmem:s6], [sflag:$0x1] =	stream.indirect.gather @!p1 [hbm4b:s4+s31], $0x80, s5, s31, $0xb8;
	[tilespmem:$0x12000] =	vst v63  }
0x22a: {  	s5 =	sadd.s32 @!p1 $0x150, s3;
	s6 =	simm.s32 @!p1 $0x4800  }
0x22b: {  	[tilespmem:s6], [sflag:$0x1] =	stream.indirect.gather @!p1 [hbm4b:s2+s31], $0x80, s5, s31, $0xb8;
	[tilespmem:$0x12000] =	vst v63  }
0x22c: {  	s6 =	simm.s32 @!p1 $0x8800  }
0x22d: {  	[tilespmem:s6], [sflag:$0x1] =	stream.indirect.gather @!p1 [hbm4b:s4+s31], $0x80, s5, s31, $0xb8;
	[tilespmem:$0x12000] =	vst v63  }
0x22e: {  	s5 =	sadd.s32 @!p1 $0x160, s3;
	s6 =	simm.s32 @!p1 $0x5000  }
0x22f: {  	[tilespmem:s6], [sflag:$0x1] =	stream.indirect.gather @!p1 [hbm4b:s2+s31], $0x80, s5, s31, $0xb8;
	[tilespmem:$0x12000] =	vst v63  }
0x230: {  	s6 =	simm.s32 @!p1 $0x9000  }
0x231: {  	[tilespmem:s6], [sflag:$0x1] =	stream.indirect.gather @!p1 [hbm4b:s4+s31], $0x80, s5, s31, $0xb8;
	[tilespmem:$0x12000] =	vst v63  }
0x232: {  	s3 =	sadd.s32 @!p1 $0x170, s3;
	s5 =	simm.s32 @!p1 $0x5800  }
0x233: {  	[tilespmem:s5], [sflag:$0x1] =	stream.indirect.gather @!p1 [hbm4b:s2+s31], $0x80, s3, s31, $0xb8;
	[tilespmem:$0x12000] =	vst v63  }
0x234: {  	s5 =	simm.s32 @!p1 $0x9800  }
0x235: {  	[tilespmem:s5], [sflag:$0x1] =	stream.indirect.gather @!p1 [hbm4b:s4+s31], $0x80, s3, s31, $0xb8;
	[tilespmem:$0x12000] =	vst v63  }
0x236: {  	_ =	swait.ge [sflag:s21], $0x600  }
0x237: {  	[sflag:s21] =	ssyncset.done $0x0  }
0x238: {  	[sflag:s21] =	ssyncadd.s32 $0xFFFFFA00  }
0x239: {  	_ =	swait.ge [sflag:s21], $0x600  }
0x23a: {  	[sflag:s21] =	ssyncset.done $0x0  }
0x23b: {  	[sflag:s21] =	ssyncadd.s32 $0xFFFFFA00  }
0x23c: {  	_ =	swait.ge [sflag:s21], $0x600  }
0x23d: {  	[sflag:s21] =	ssyncset.done $0x0  }
0x23e: {  	[sflag:s21] =	ssyncadd.s32 $0xFFFFFA00  }
0x23f: {  	_ =	swait.ge [sflag:s21], $0x600  }
0x240: {  	[sflag:s21] =	ssyncset.done $0x0  }
0x241: {  	[sflag:s21] =	ssyncadd.s32 $0xFFFFFA00  }
0x242: {  	_ =	swait.ge [sflag:s21], $0x600  }
0x243: {  	[sflag:s21] =	ssyncset.done $0x0  }
0x244: {  	[sflag:s21] =	ssyncadd.s32 $0xFFFFFA00  }
0x245: {  	_ =	swait.ge [sflag:s21], $0x600  }
0x246: {  	[sflag:s21] =	ssyncset.done $0x0  }
0x247: {  	[sflag:s21] =	ssyncadd.s32 $0xFFFFFA00  }
0x248: {  	_ =	swait.ge [sflag:s21], $0x600  }
0x249: {  	[sflag:s21] =	ssyncset.done $0x0  }
0x24a: {  	[sflag:s21] =	ssyncadd.s32 $0xFFFFFA00  }
0x24b: {  	_ =	swait.ge [sflag:s21], $0x600  }
0x24c: {  	[sflag:s21] =	ssyncset.done $0x0  }
0x24d: {  	[sflag:s21] =	ssyncadd.s32 $0xFFFFFA00  }
0x24e: {  	_ =	swait.ge [sflag:s21], $0x600  }
0x24f: {  	[sflag:s21] =	ssyncset.done $0x0  }
0x250: {  	[sflag:s21] =	ssyncadd.s32 $0xFFFFFA00  }
0x251: {  	_ =	swait.ge [sflag:s21], $0x600  }
0x252: {  	[sflag:s21] =	ssyncset.done $0x0  }
0x253: {  	[sflag:s21] =	ssyncadd.s32 $0xFFFFFA00  }
0x254: {  	_ =	swait.ge [sflag:s21], $0x600  }
0x255: {  	[sflag:s21] =	ssyncset.done $0x0  }
0x256: {  	[sflag:s21] =	ssyncadd.s32 $0xFFFFFA00  }
0x257: {  	_ =	swait.ge [sflag:s21], $0x600  }
0x258: {  	[sflag:s21] =	ssyncset.done $0x0  }
0x259: {  	[sflag:s21] =	ssyncadd.s32 $0xFFFFFA00  }
0x25a: {  	_ =	swait.ge [sflag:s21], $0x600  }
0x25b: {  	[sflag:s21] =	ssyncset.done $0x0  }
0x25c: {  	[sflag:s21] =	ssyncadd.s32 $0xFFFFFA00  }
0x25d: {  	_ =	swait.ge [sflag:s21], $0x600  }
0x25e: {  	[sflag:s21] =	ssyncset.done $0x0  }
0x25f: {  	[sflag:s21] =	ssyncadd.s32 $0xFFFFFA00  }
0x260: {  	_ =	swait.ge [sflag:s21], $0x600  }
0x261: {  	[sflag:s21] =	ssyncset.done $0x0  }
0x262: {  	[sflag:s21] =	ssyncadd.s32 $0xFFFFFA00  }
0x263: {  	s30 =	smov.u32 s28;
	_ =	swait.ge [sflag:s21], $0x600  }
0x264: {  	s26 =	smov.u32 s30;
	[sflag:s21] =	ssyncset.done $0x0  }
0x265: {  	s30 =	simm.s32 $0xA000;
	s5 =	sadd.s32 $0xFFFFFF80, s23;
	[sflag:s21] =	ssyncadd.s32 $0xFFFFFA00  }
0x266: {  	[hbm4b:s5+s1] =	stream.linear.scatter [tilespmem:s30], [sflag:$0x3], $0x400, $0x38;
	[tilespmem:$0x12000] =	vst v63  }
0x267: {  	s6 =	sadd.s32 $0x180, s23  }
0x268: {  	[hbm4b:s6+s1] =	stream.linear.scatter [tilespmem:s16], [sflag:$0x3], $0x400, $0x38;
	[tilespmem:$0x12000] =	vst v63  }
0x269: {  	s31 =	sadd.s32 $0x380, s23  }
0x26a: {  	[hbm4b:s31+s1] =	stream.linear.scatter [tilespmem:s22], [sflag:$0x3], $0x400, $0x38;
	[tilespmem:$0x12000] =	vst v63  }
0x26b: {  	s5 =	sadd.s32 $0x580, s23  }
0x26c: {  	[hbm4b:s5+s1] =	stream.linear.scatter [tilespmem:s29], [sflag:$0x3], $0x400, $0x38;
	[tilespmem:$0x12000] =	vst v63  }
0x26d: {  	s6 =	sadd.s32 $0x780, s23  }
0x26e: {  	[hbm4b:s6+s1] =	stream.linear.scatter [tilespmem:s7], [sflag:$0x3], $0x400, $0x38;
	[tilespmem:$0x12000] =	vst v63  }
0x26f: {  	s31 =	sadd.s32 $0x980, s23  }
0x270: {  	[hbm4b:s31+s1] =	stream.linear.scatter [tilespmem:s11], [sflag:$0x3], $0x400, $0x38;
	[tilespmem:$0x12000] =	vst v63  }
0x271: {  	s5 =	sadd.s32 $0xB80, s23  }
0x272: {  	[hbm4b:s5+s1] =	stream.linear.scatter [tilespmem:s14], [sflag:$0x3], $0x400, $0x38;
	[tilespmem:$0x12000] =	vst v63  }
0x273: {  	s6 =	sadd.s32 $0xD80, s23  }
0x274: {  	[hbm4b:s6+s1] =	stream.linear.scatter [tilespmem:s17], [sflag:$0x3], $0x400, $0x38;
	[tilespmem:$0x12000] =	vst v63  }
0x275: {  	s31 =	sadd.s32 $0x80, s23;
	s5 =	rddreg [dreg:$0x13]  }
0x276: {  	[hbm4b:s31+s1] =	stream.linear.scatter [tilespmem:s5], [sflag:$0x3], $0x200, $0x38;
	[tilespmem:$0x12000] =	vst v63  }
0x277: {  	s6 =	rddreg [dreg:$0x14];
	s31 =	sadd.s32 $0x280, s23  }
0x278: {  	[hbm4b:s31+s1] =	stream.linear.scatter [tilespmem:s6], [sflag:$0x3], $0x200, $0x38;
	[tilespmem:$0x12000] =	vst v63  }
0x279: {  	s5 =	rddreg [dreg:$0x15];
	s31 =	sadd.s32 $0x480, s23  }
0x27a: {  	[hbm4b:s31+s1] =	stream.linear.scatter [tilespmem:s5], [sflag:$0x3], $0x200, $0x38;
	[tilespmem:$0x12000] =	vst v63  }
0x27b: {  	s6 =	rddreg [dreg:$0x16];
	s31 =	sadd.s32 $0x680, s23  }
0x27c: {  	[hbm4b:s31+s1] =	stream.linear.scatter [tilespmem:s6], [sflag:$0x3], $0x200, $0x38;
	[tilespmem:$0x12000] =	vst v63  }
0x27d: {  	s5 =	rddreg [dreg:$0x17];
	s31 =	sadd.s32 $0x880, s23  }
0x27e: {  	[hbm4b:s31+s1] =	stream.linear.scatter [tilespmem:s5], [sflag:$0x3], $0x200, $0x38;
	[tilespmem:$0x12000] =	vst v63  }
0x27f: {  	s6 =	rddreg [dreg:$0x18];
	s31 =	sadd.s32 $0xA80, s23  }
0x280: {  	[hbm4b:s31+s1] =	stream.linear.scatter [tilespmem:s6], [sflag:$0x3], $0x200, $0x38;
	[tilespmem:$0x12000] =	vst v63  }
0x281: {  	s5 =	rddreg [dreg:$0x19];
	s6 =	sadd.s32 $0xC80, s23  }
0x282: {  	[hbm4b:s6+s1] =	stream.linear.scatter [tilespmem:s5], [sflag:$0x3], $0x200, $0x38;
	[tilespmem:$0x12000] =	vst v63  }
0x283: {  	s31 =	rddreg [dreg:$0x1a];
	s5 =	sadd.s32 $0xE80, s23  }
0x284: {  	[hbm4b:s5+s1] =	stream.linear.scatter [tilespmem:s31], [sflag:$0x3], $0x200, $0x38;
	[tilespmem:$0x12000] =	vst v63  }
0x285: {  	_ =	swait.ge [sflag:s9], $0x3000  }
0x286: {  	[sflag:s9] =	ssyncset.done $0x0  }
0x287: {  	[sflag:s9] =	ssyncadd.s32 $0xFFFFD000  }
0x288: {  	[hbm4b:s23+s1] =	stream.linear.scatter [tilespmem:s13], [sflag:$0x3], $0x400, $0x38;
	[tilespmem:$0x12000] =	vst v63  }
0x289: {  	s6 =	sadd.s32 $0x200, s23  }
0x28a: {  	[hbm4b:s6+s1] =	stream.linear.scatter [tilespmem:s19], [sflag:$0x3], $0x400, $0x38;
	[tilespmem:$0x12000] =	vst v63  }
0x28b: {  	s31 =	sadd.s32 $0x400, s23  }
0x28c: {  	[hbm4b:s31+s1] =	stream.linear.scatter [tilespmem:s25], [sflag:$0x3], $0x400, $0x38;
	[tilespmem:$0x12000] =	vst v63  }
0x28d: {  	s5 =	sadd.s32 $0x600, s23  }
0x28e: {  	[hbm4b:s5+s1] =	stream.linear.scatter [tilespmem:s0], [sflag:$0x3], $0x400, $0x38;
	[tilespmem:$0x12000] =	vst v63  }
0x28f: {  	s6 =	sadd.s32 $0x800, s23  }
0x290: {  	[hbm4b:s6+s1] =	stream.linear.scatter [tilespmem:s8], [sflag:$0x3], $0x400, $0x38;
	[tilespmem:$0x12000] =	vst v63  }
0x291: {  	s31 =	sadd.s32 $0xA00, s23  }
0x292: {  	[hbm4b:s31+s1] =	stream.linear.scatter [tilespmem:s12], [sflag:$0x3], $0x400, $0x38;
	[tilespmem:$0x12000] =	vst v63  }
0x293: {  	s5 =	sadd.s32 $0xC00, s23  }
0x294: {  	[hbm4b:s5+s1] =	stream.linear.scatter [tilespmem:s15], [sflag:$0x3], $0x400, $0x38;
	[tilespmem:$0x12000] =	vst v63  }
0x295: {  	s6 =	sadd.s32 $0xE00, s23;
	s5 =	rddreg [dreg:$0x1b]  }
0x296: {  	[hbm4b:s6+s1] =	stream.linear.scatter [tilespmem:s18], [sflag:$0x3], $0x400, $0x38;
	[tilespmem:$0x12000] =	vst v63  }
0x297: {  	s31 =	sadd.s32 $0x100, s23;
	s6 =	rddreg [dreg:$0x1c]  }
0x298: {  	[hbm4b:s31+s1] =	stream.linear.scatter [tilespmem:s5], [sflag:$0x3], $0x200, $0x38;
	[tilespmem:$0x12000] =	vst v63  }
0x299: {  	s31 =	sadd.s32 $0x300, s23;
	s5 =	rddreg [dreg:$0x1d]  }
0x29a: {  	[hbm4b:s31+s1] =	stream.linear.scatter [tilespmem:s6], [sflag:$0x3], $0x200, $0x38;
	[tilespmem:$0x12000] =	vst v63  }
0x29b: {  	s31 =	sadd.s32 $0x500, s23;
	s6 =	rddreg [dreg:$0x1e]  }
0x29c: {  	[hbm4b:s31+s1] =	stream.linear.scatter [tilespmem:s5], [sflag:$0x3], $0x200, $0x38;
	[tilespmem:$0x12000] =	vst v63  }
0x29d: {  	s31 =	sadd.s32 $0x700, s23;
	s5 =	rddreg [dreg:$0x1f]  }
0x29e: {  	[hbm4b:s31+s1] =	stream.linear.scatter [tilespmem:s6], [sflag:$0x3], $0x200, $0x38;
	[tilespmem:$0x12000] =	vst v63  }
0x29f: {  	s31 =	sadd.s32 $0x900, s23;
	s6 =	sld [smem:$0x7FB]  }
0x2a0: {  	[hbm4b:s31+s1] =	stream.linear.scatter [tilespmem:s5], [sflag:$0x3], $0x200, $0x38;
	[tilespmem:$0x12000] =	vst v63  }
0x2a1: {  	s28 =	sadd.s32 $0x400, s28;
	s31 =	sadd.s32 $0xB00, s23;
	s5 =	sld [smem:$0x7FC]  }
0x2a2: {  	[hbm4b:s31+s1] =	stream.linear.scatter [tilespmem:s6], [sflag:$0x3], $0x200, $0x38;
	[tilespmem:$0x12000] =	vst v63  }
0x2a3: {  	p0 =	sne.s32 s28, $0x8000;
	s31 =	sadd.s32 $0xD00, s23;
	s6 =	sld [smem:$0x7FD]  }
0x2a4: {  	[hbm4b:s31+s1] =	stream.linear.scatter [tilespmem:s5], [sflag:$0x3], $0x200, $0x38;
	[tilespmem:$0x12000] =	vst v63  }
.Ltmp1:
0x2a5: {  	_ = 	snop;
	(pc) =	sbr.rel @p0 .LBB2_4-.Ltmp1, $4  }
0x2a6: {  	s31 =	sadd.s32 $0xF00, s23  }
0x2a7: {  	[hbm4b:s31+s1] =	stream.linear.scatter [tilespmem:s6], [sflag:$0x3], $0x200, $0x38;
	[tilespmem:$0x12000] =	vst v63  }
0x2a8: {  	_ =	swait.ge [sflag:s9], $0x3000  }
0x2a9: {  	s24 =	sadd.s32 $0x2000, s24;
	s23 =	sadd.s32 $0x2000, s23;
	[sflag:s9] =	ssyncset.done $0x0  }
0x2aa: {  	s3 =	sshra.s32 s26, $0x2  }
0x2ab: {  	[sflag:s9] =	ssyncadd.s32 $0xFFFFD000;
	s5 =	sadd.s32 $0x80, s3  }
0x2ac: {  	[tilespmem:s30], [sflag:$0x2] =	stream.indirect.gather [hbm4b:s2+s10], $0x80, s5, s10, $0xb8;
	[tilespmem:$0x12000] =	vst v63  }
0x2ad: {  	_ = 	snop  }
0x2ae: {  	[tilespmem:s13], [sflag:$0x2] =	stream.indirect.gather [hbm4b:s4+s10], $0x80, s5, s10, $0xb8;
	[tilespmem:$0x12000] =	vst v63  }
0x2af: {  	s6 =	sadd.s32 $0x90, s3  }
0x2b0: {  	[tilespmem:s16], [sflag:$0x2] =	stream.indirect.gather [hbm4b:s2+s10], $0x80, s6, s10, $0xb8;
	[tilespmem:$0x12000] =	vst v63  }
0x2b1: {  	_ = 	snop  }
0x2b2: {  	[tilespmem:s19], [sflag:$0x2] =	stream.indirect.gather [hbm4b:s4+s10], $0x80, s6, s10, $0xb8;
	[tilespmem:$0x12000] =	vst v63  }
0x2b3: {  	s6 =	sadd.s32 $0xA0, s3  }
0x2b4: {  	[tilespmem:s22], [sflag:$0x2] =	stream.indirect.gather [hbm4b:s2+s10], $0x80, s6, s10, $0xb8;
	[tilespmem:$0x12000] =	vst v63  }
0x2b5: {  	_ = 	snop  }
0x2b6: {  	[tilespmem:s25], [sflag:$0x2] =	stream.indirect.gather [hbm4b:s4+s10], $0x80, s6, s10, $0xb8;
	[tilespmem:$0x12000] =	vst v63  }
0x2b7: {  	s6 =	sadd.s32 $0xB0, s3  }
0x2b8: {  	[tilespmem:s29], [sflag:$0x2] =	stream.indirect.gather [hbm4b:s2+s10], $0x80, s6, s10, $0xb8;
	[tilespmem:$0x12000] =	vst v63  }
0x2b9: {  	_ = 	snop  }
0x2ba: {  	[tilespmem:s0], [sflag:$0x2] =	stream.indirect.gather [hbm4b:s4+s10], $0x80, s6, s10, $0xb8;
	[tilespmem:$0x12000] =	vst v63  }
0x2bb: {  	s6 =	sadd.s32 $0xC0, s3  }
0x2bc: {  	[tilespmem:s7], [sflag:$0x2] =	stream.indirect.gather [hbm4b:s2+s10], $0x80, s6, s10, $0xb8;
	[tilespmem:$0x12000] =	vst v63  }
0x2bd: {  	_ = 	snop  }
0x2be: {  	[tilespmem:s8], [sflag:$0x2] =	stream.indirect.gather [hbm4b:s4+s10], $0x80, s6, s10, $0xb8;
	[tilespmem:$0x12000] =	vst v63  }
0x2bf: {  	s6 =	sadd.s32 $0xD0, s3  }
0x2c0: {  	[tilespmem:s11], [sflag:$0x2] =	stream.indirect.gather [hbm4b:s2+s10], $0x80, s6, s10, $0xb8;
	[tilespmem:$0x12000] =	vst v63  }
0x2c1: {  	_ = 	snop  }
0x2c2: {  	[tilespmem:s12], [sflag:$0x2] =	stream.indirect.gather [hbm4b:s4+s10], $0x80, s6, s10, $0xb8;
	[tilespmem:$0x12000] =	vst v63  }
0x2c3: {  	s6 =	sadd.s32 $0xE0, s3  }
0x2c4: {  	[tilespmem:s14], [sflag:$0x2] =	stream.indirect.gather [hbm4b:s2+s10], $0x80, s6, s10, $0xb8;
	[tilespmem:$0x12000] =	vst v63  }
0x2c5: {  	_ = 	snop  }
0x2c6: {  	[tilespmem:s15], [sflag:$0x2] =	stream.indirect.gather [hbm4b:s4+s10], $0x80, s6, s10, $0xb8;
	[tilespmem:$0x12000] =	vst v63  }
0x2c7: {  	s3 =	sadd.s32 $0xF0, s3  }
0x2c8: {  	[tilespmem:s17], [sflag:$0x2] =	stream.indirect.gather [hbm4b:s2+s10], $0x80, s3, s10, $0xb8;
	[tilespmem:$0x12000] =	vst v63  }
0x2c9: {  	_ = 	snop  }
0x2ca: {  	[tilespmem:s18], [sflag:$0x2] =	stream.indirect.gather [hbm4b:s4+s10], $0x80, s3, s10, $0xb8;
	[tilespmem:$0x12000] =	vst v63  }
0x2cb: {  	_ =	swait.ge [sflag:s20], $0x600  }
0x2cc: {  	[sflag:s20] =	ssyncset.done $0x0  }
0x2cd: {  	[sflag:s20] =	ssyncadd.s32 $0xFFFFFA00  }
0x2ce: {  	_ =	swait.ge [sflag:s20], $0x600  }
0x2cf: {  	[sflag:s20] =	ssyncset.done $0x0  }
0x2d0: {  	[sflag:s20] =	ssyncadd.s32 $0xFFFFFA00  }
0x2d1: {  	_ =	swait.ge [sflag:s20], $0x600  }
0x2d2: {  	[sflag:s20] =	ssyncset.done $0x0  }
0x2d3: {  	[sflag:s20] =	ssyncadd.s32 $0xFFFFFA00  }
0x2d4: {  	_ =	swait.ge [sflag:s20], $0x600  }
0x2d5: {  	[sflag:s20] =	ssyncset.done $0x0  }
0x2d6: {  	[sflag:s20] =	ssyncadd.s32 $0xFFFFFA00  }
0x2d7: {  	_ =	swait.ge [sflag:s20], $0x600  }
0x2d8: {  	[sflag:s20] =	ssyncset.done $0x0  }
0x2d9: {  	[sflag:s20] =	ssyncadd.s32 $0xFFFFFA00  }
0x2da: {  	_ =	swait.ge [sflag:s20], $0x600  }
0x2db: {  	[sflag:s20] =	ssyncset.done $0x0  }
0x2dc: {  	[sflag:s20] =	ssyncadd.s32 $0xFFFFFA00  }
0x2dd: {  	_ =	swait.ge [sflag:s20], $0x600  }
0x2de: {  	[sflag:s20] =	ssyncset.done $0x0  }
0x2df: {  	[sflag:s20] =	ssyncadd.s32 $0xFFFFFA00  }
0x2e0: {  	_ =	swait.ge [sflag:s20], $0x600  }
0x2e1: {  	[sflag:s20] =	ssyncset.done $0x0  }
0x2e2: {  	[sflag:s20] =	ssyncadd.s32 $0xFFFFFA00  }
0x2e3: {  	_ =	swait.ge [sflag:s20], $0x600  }
0x2e4: {  	[sflag:s20] =	ssyncset.done $0x0  }
0x2e5: {  	[sflag:s20] =	ssyncadd.s32 $0xFFFFFA00  }
0x2e6: {  	_ =	swait.ge [sflag:s20], $0x600  }
0x2e7: {  	[sflag:s20] =	ssyncset.done $0x0  }
0x2e8: {  	[sflag:s20] =	ssyncadd.s32 $0xFFFFFA00  }
0x2e9: {  	_ =	swait.ge [sflag:s20], $0x600  }
0x2ea: {  	[sflag:s20] =	ssyncset.done $0x0  }
0x2eb: {  	[sflag:s20] =	ssyncadd.s32 $0xFFFFFA00  }
0x2ec: {  	_ =	swait.ge [sflag:s20], $0x600  }
0x2ed: {  	[sflag:s20] =	ssyncset.done $0x0  }
0x2ee: {  	[sflag:s20] =	ssyncadd.s32 $0xFFFFFA00  }
0x2ef: {  	_ =	swait.ge [sflag:s20], $0x600  }
0x2f0: {  	[sflag:s20] =	ssyncset.done $0x0  }
0x2f1: {  	[sflag:s20] =	ssyncadd.s32 $0xFFFFFA00  }
0x2f2: {  	_ =	swait.ge [sflag:s20], $0x600  }
0x2f3: {  	[sflag:s20] =	ssyncset.done $0x0  }
0x2f4: {  	[sflag:s20] =	ssyncadd.s32 $0xFFFFFA00  }
0x2f5: {  	_ =	swait.ge [sflag:s20], $0x600  }
0x2f6: {  	[sflag:s20] =	ssyncset.done $0x0  }
0x2f7: {  	[sflag:s20] =	ssyncadd.s32 $0xFFFFFA00  }
0x2f8: {  	_ =	swait.ge [sflag:s20], $0x600  }
0x2f9: {  	[sflag:s20] =	ssyncset.done $0x0  }
0x2fa: {  	s5 =	sadd.s32 $0xFFFFFF80, s24;
	s6 =	simm.s32 $0x2000;
	[sflag:s20] =	ssyncadd.s32 $0xFFFFFA00  }
0x2fb: {  	[hbm4b:s5+s1] =	stream.linear.scatter [tilespmem:s6], [sflag:$0x3], $0x400, $0x38;
	[tilespmem:$0x12000] =	vst v63  }
0x2fc: {  	s5 =	sadd.s32 $0x180, s24;
	s6 =	simm.s32 $0x2800  }
0x2fd: {  	[hbm4b:s5+s1] =	stream.linear.scatter [tilespmem:s6], [sflag:$0x3], $0x400, $0x38;
	[tilespmem:$0x12000] =	vst v63  }
0x2fe: {  	s5 =	sadd.s32 $0x380, s24;
	s6 =	simm.s32 $0x3000  }
0x2ff: {  	[hbm4b:s5+s1] =	stream.linear.scatter [tilespmem:s6], [sflag:$0x3], $0x400, $0x38;
	[tilespmem:$0x12000] =	vst v63  }
0x300: {  	s5 =	sadd.s32 $0x580, s24;
	s6 =	simm.s32 $0x3800  }
0x301: {  	[hbm4b:s5+s1] =	stream.linear.scatter [tilespmem:s6], [sflag:$0x3], $0x400, $0x38;
	[tilespmem:$0x12000] =	vst v63  }
0x302: {  	s5 =	sadd.s32 $0x780, s24;
	s6 =	simm.s32 $0x4000  }
0x303: {  	[hbm4b:s5+s1] =	stream.linear.scatter [tilespmem:s6], [sflag:$0x3], $0x400, $0x38;
	[tilespmem:$0x12000] =	vst v63  }
0x304: {  	s5 =	sadd.s32 $0x980, s24;
	s6 =	simm.s32 $0x4800  }
0x305: {  	[hbm4b:s5+s1] =	stream.linear.scatter [tilespmem:s6], [sflag:$0x3], $0x400, $0x38;
	[tilespmem:$0x12000] =	vst v63  }
0x306: {  	s5 =	sadd.s32 $0xB80, s24;
	s6 =	simm.s32 $0x5000  }
0x307: {  	[hbm4b:s5+s1] =	stream.linear.scatter [tilespmem:s6], [sflag:$0x3], $0x400, $0x38;
	[tilespmem:$0x12000] =	vst v63  }
0x308: {  	s3 =	sadd.s32 $0xD80, s24;
	s6 =	simm.s32 $0x5800  }
0x309: {  	[hbm4b:s3+s1] =	stream.linear.scatter [tilespmem:s6], [sflag:$0x3], $0x400, $0x38;
	[tilespmem:$0x12000] =	vst v63  }
0x30a: {  	s5 =	rddreg [dreg:$0x3];
	s3 =	sadd.s32 $0x80, s24  }
0x30b: {  	[hbm4b:s3+s1] =	stream.linear.scatter [tilespmem:s5], [sflag:$0x3], $0x200, $0x38;
	[tilespmem:$0x12000] =	vst v63  }
0x30c: {  	s6 =	rddreg [dreg:$0x4];
	s3 =	sadd.s32 $0x280, s24  }
0x30d: {  	[hbm4b:s3+s1] =	stream.linear.scatter [tilespmem:s6], [sflag:$0x3], $0x200, $0x38;
	[tilespmem:$0x12000] =	vst v63  }
0x30e: {  	s5 =	rddreg [dreg:$0x5];
	s3 =	sadd.s32 $0x480, s24  }
0x30f: {  	[hbm4b:s3+s1] =	stream.linear.scatter [tilespmem:s5], [sflag:$0x3], $0x200, $0x38;
	[tilespmem:$0x12000] =	vst v63  }
0x310: {  	s6 =	rddreg [dreg:$0x6];
	s3 =	sadd.s32 $0x680, s24  }
0x311: {  	[hbm4b:s3+s1] =	stream.linear.scatter [tilespmem:s6], [sflag:$0x3], $0x200, $0x38;
	[tilespmem:$0x12000] =	vst v63  }
0x312: {  	s5 =	rddreg [dreg:$0x7];
	s3 =	sadd.s32 $0x880, s24  }
0x313: {  	[hbm4b:s3+s1] =	stream.linear.scatter [tilespmem:s5], [sflag:$0x3], $0x200, $0x38;
	[tilespmem:$0x12000] =	vst v63  }
0x314: {  	s6 =	rddreg [dreg:$0x8];
	s3 =	sadd.s32 $0xA80, s24  }
0x315: {  	[hbm4b:s3+s1] =	stream.linear.scatter [tilespmem:s6], [sflag:$0x3], $0x200, $0x38;
	[tilespmem:$0x12000] =	vst v63  }
0x316: {  	s5 =	rddreg [dreg:$0x9];
	s3 =	sadd.s32 $0xC80, s24  }
0x317: {  	[hbm4b:s3+s1] =	stream.linear.scatter [tilespmem:s5], [sflag:$0x3], $0x200, $0x38;
	[tilespmem:$0x12000] =	vst v63  }
0x318: {  	s6 =	rddreg [dreg:$0xa];
	s5 =	sadd.s32 $0xE80, s24  }
0x319: {  	[hbm4b:s5+s1] =	stream.linear.scatter [tilespmem:s6], [sflag:$0x3], $0x200, $0x38;
	[tilespmem:$0x12000] =	vst v63  }
0x31a: {  	_ =	swait.ge [sflag:s9], $0x3000  }
0x31b: {  	[sflag:s9] =	ssyncset.done $0x0  }
0x31c: {  	s6 =	simm.s32 $0x6000;
	[sflag:s9] =	ssyncadd.s32 $0xFFFFD000  }
0x31d: {  	[hbm4b:s24+s1] =	stream.linear.scatter [tilespmem:s6], [sflag:$0x3], $0x400, $0x38;
	[tilespmem:$0x12000] =	vst v63  }
0x31e: {  	s5 =	sadd.s32 $0x200, s24;
	s6 =	simm.s32 $0x6800  }
0x31f: {  	[hbm4b:s5+s1] =	stream.linear.scatter [tilespmem:s6], [sflag:$0x3], $0x400, $0x38;
	[tilespmem:$0x12000] =	vst v63  }
0x320: {  	s5 =	sadd.s32 $0x400, s24;
	s6 =	simm.s32 $0x7000  }
0x321: {  	[hbm4b:s5+s1] =	stream.linear.scatter [tilespmem:s6], [sflag:$0x3], $0x400, $0x38;
	[tilespmem:$0x12000] =	vst v63  }
0x322: {  	s5 =	sadd.s32 $0x600, s24;
	s6 =	simm.s32 $0x7800  }
0x323: {  	[hbm4b:s5+s1] =	stream.linear.scatter [tilespmem:s6], [sflag:$0x3], $0x400, $0x38;
	[tilespmem:$0x12000] =	vst v63  }
0x324: {  	s5 =	sadd.s32 $0x800, s24;
	s6 =	simm.s32 $0x8000  }
0x325: {  	[hbm4b:s5+s1] =	stream.linear.scatter [tilespmem:s6], [sflag:$0x3], $0x400, $0x38;
	[tilespmem:$0x12000] =	vst v63  }
0x326: {  	s5 =	sadd.s32 $0xA00, s24;
	s6 =	simm.s32 $0x8800  }
0x327: {  	[hbm4b:s5+s1] =	stream.linear.scatter [tilespmem:s6], [sflag:$0x3], $0x400, $0x38;
	[tilespmem:$0x12000] =	vst v63  }
0x328: {  	s5 =	sadd.s32 $0xC00, s24;
	s6 =	simm.s32 $0x9000  }
0x329: {  	[hbm4b:s5+s1] =	stream.linear.scatter [tilespmem:s6], [sflag:$0x3], $0x400, $0x38;
	[tilespmem:$0x12000] =	vst v63  }
0x32a: {  	s3 =	sadd.s32 $0xE00, s24;
	s6 =	simm.s32 $0x9800  }
0x32b: {  	[hbm4b:s3+s1] =	stream.linear.scatter [tilespmem:s6], [sflag:$0x3], $0x400, $0x38;
	[tilespmem:$0x12000] =	vst v63  }
0x32c: {  	s5 =	rddreg [dreg:$0xb];
	s3 =	sadd.s32 $0x100, s24  }
0x32d: {  	[hbm4b:s3+s1] =	stream.linear.scatter [tilespmem:s5], [sflag:$0x3], $0x200, $0x38;
	[tilespmem:$0x12000] =	vst v63  }
0x32e: {  	s6 =	rddreg [dreg:$0xc];
	s3 =	sadd.s32 $0x300, s24  }
0x32f: {  	[hbm4b:s3+s1] =	stream.linear.scatter [tilespmem:s6], [sflag:$0x3], $0x200, $0x38;
	[tilespmem:$0x12000] =	vst v63  }
0x330: {  	s5 =	rddreg [dreg:$0xd];
	s3 =	sadd.s32 $0x500, s24  }
0x331: {  	[hbm4b:s3+s1] =	stream.linear.scatter [tilespmem:s5], [sflag:$0x3], $0x200, $0x38;
	[tilespmem:$0x12000] =	vst v63  }
0x332: {  	s6 =	rddreg [dreg:$0xe];
	s3 =	sadd.s32 $0x700, s24  }
0x333: {  	[hbm4b:s3+s1] =	stream.linear.scatter [tilespmem:s6], [sflag:$0x3], $0x200, $0x38;
	[tilespmem:$0x12000] =	vst v63  }
0x334: {  	s5 =	rddreg [dreg:$0xf];
	s3 =	sadd.s32 $0x900, s24  }
0x335: {  	[hbm4b:s3+s1] =	stream.linear.scatter [tilespmem:s5], [sflag:$0x3], $0x200, $0x38;
	[tilespmem:$0x12000] =	vst v63  }
0x336: {  	s6 =	rddreg [dreg:$0x10];
	s3 =	sadd.s32 $0xB00, s24  }
0x337: {  	[hbm4b:s3+s1] =	stream.linear.scatter [tilespmem:s6], [sflag:$0x3], $0x200, $0x38;
	[tilespmem:$0x12000] =	vst v63  }
0x338: {  	s5 =	rddreg [dreg:$0x11];
	s3 =	sadd.s32 $0xD00, s24  }
0x339: {  	[hbm4b:s3+s1] =	stream.linear.scatter [tilespmem:s5], [sflag:$0x3], $0x200, $0x38;
	[tilespmem:$0x12000] =	vst v63  }
0x33a: {  	s6 =	rddreg [dreg:$0x12];
	s5 =	sadd.s32 $0xF00, s24  }
0x33b: {  	[hbm4b:s5+s1] =	stream.linear.scatter [tilespmem:s6], [sflag:$0x3], $0x200, $0x38;
	[tilespmem:$0x12000] =	vst v63  }
0x33c: {  	p0 =	seq.s32 s26, $0x7C00;
	_ =	swait.ge [sflag:s9], $0x3000  }
0x33d: {  	s3 =	sshra.s32 @!p0 s26, $0x2;
	s24 =	simm.s32 @!p0 $0xC;
	[sflag:s9] =	ssyncset.done $0x0  }
0x33e: {  	s5 =	simm.s32 @!p0 $0x2000;
	s6 =	sadd.s32 @!p0 $0x100, s3;
	[sflag:s9] =	ssyncadd.s32 $0xFFFFD000  }
0x33f: {  	[tilespmem:s5], [sflag:$0x1] =	stream.indirect.gather @!p0 [hbm4b:s2+s24], $0x80, s6, s24, $0xb8;
	[tilespmem:$0x12000] =	vst v63  }
0x340: {  	s5 =	simm.s32 @!p0 $0x6000  }
0x341: {  	[tilespmem:s5], [sflag:$0x1] =	stream.indirect.gather @!p0 [hbm4b:s4+s24], $0x80, s6, s24, $0xb8;
	[tilespmem:$0x12000] =	vst v63  }
0x342: {  	s5 =	sadd.s32 @!p0 $0x110, s3;
	s6 =	simm.s32 @!p0 $0x2800  }
0x343: {  	[tilespmem:s6], [sflag:$0x1] =	stream.indirect.gather @!p0 [hbm4b:s2+s24], $0x80, s5, s24, $0xb8;
	[tilespmem:$0x12000] =	vst v63  }
0x344: {  	s6 =	simm.s32 @!p0 $0x6800  }
0x345: {  	[tilespmem:s6], [sflag:$0x1] =	stream.indirect.gather @!p0 [hbm4b:s4+s24], $0x80, s5, s24, $0xb8;
	[tilespmem:$0x12000] =	vst v63  }
0x346: {  	s5 =	sadd.s32 @!p0 $0x120, s3;
	s6 =	simm.s32 @!p0 $0x3000  }
0x347: {  	[tilespmem:s6], [sflag:$0x1] =	stream.indirect.gather @!p0 [hbm4b:s2+s24], $0x80, s5, s24, $0xb8;
	[tilespmem:$0x12000] =	vst v63  }
0x348: {  	s6 =	simm.s32 @!p0 $0x7000  }
0x349: {  	[tilespmem:s6], [sflag:$0x1] =	stream.indirect.gather @!p0 [hbm4b:s4+s24], $0x80, s5, s24, $0xb8;
	[tilespmem:$0x12000] =	vst v63  }
0x34a: {  	s5 =	sadd.s32 @!p0 $0x130, s3;
	s6 =	simm.s32 @!p0 $0x3800  }
0x34b: {  	[tilespmem:s6], [sflag:$0x1] =	stream.indirect.gather @!p0 [hbm4b:s2+s24], $0x80, s5, s24, $0xb8;
	[tilespmem:$0x12000] =	vst v63  }
0x34c: {  	s6 =	simm.s32 @!p0 $0x7800  }
0x34d: {  	[tilespmem:s6], [sflag:$0x1] =	stream.indirect.gather @!p0 [hbm4b:s4+s24], $0x80, s5, s24, $0xb8;
	[tilespmem:$0x12000] =	vst v63  }
0x34e: {  	s5 =	sadd.s32 @!p0 $0x140, s3;
	s6 =	simm.s32 @!p0 $0x4000  }
0x34f: {  	[tilespmem:s6], [sflag:$0x1] =	stream.indirect.gather @!p0 [hbm4b:s2+s24], $0x80, s5, s24, $0xb8;
	[tilespmem:$0x12000] =	vst v63  }
0x350: {  	s6 =	simm.s32 @!p0 $0x8000  }
0x351: {  	[tilespmem:s6], [sflag:$0x1] =	stream.indirect.gather @!p0 [hbm4b:s4+s24], $0x80, s5, s24, $0xb8;
	[tilespmem:$0x12000] =	vst v63  }
0x352: {  	s5 =	sadd.s32 @!p0 $0x150, s3;
	s6 =	simm.s32 @!p0 $0x4800  }
0x353: {  	[tilespmem:s6], [sflag:$0x1] =	stream.indirect.gather @!p0 [hbm4b:s2+s24], $0x80, s5, s24, $0xb8;
	[tilespmem:$0x12000] =	vst v63  }
0x354: {  	s6 =	simm.s32 @!p0 $0x8800  }
0x355: {  	[tilespmem:s6], [sflag:$0x1] =	stream.indirect.gather @!p0 [hbm4b:s4+s24], $0x80, s5, s24, $0xb8;
	[tilespmem:$0x12000] =	vst v63  }
0x356: {  	s5 =	sadd.s32 @!p0 $0x160, s3;
	s6 =	simm.s32 @!p0 $0x5000  }
0x357: {  	[tilespmem:s6], [sflag:$0x1] =	stream.indirect.gather @!p0 [hbm4b:s2+s24], $0x80, s5, s24, $0xb8;
	[tilespmem:$0x12000] =	vst v63  }
0x358: {  	s6 =	simm.s32 @!p0 $0x9000  }
0x359: {  	[tilespmem:s6], [sflag:$0x1] =	stream.indirect.gather @!p0 [hbm4b:s4+s24], $0x80, s5, s24, $0xb8;
	[tilespmem:$0x12000] =	vst v63  }
0x35a: {  	s3 =	sadd.s32 @!p0 $0x170, s3;
	s5 =	simm.s32 @!p0 $0x5800  }
0x35b: {  	[tilespmem:s5], [sflag:$0x1] =	stream.indirect.gather @!p0 [hbm4b:s2+s24], $0x80, s3, s24, $0xb8;
	[tilespmem:$0x12000] =	vst v63  }
0x35c: {  	s5 =	simm.s32 @!p0 $0x9800  }
0x35d: {  	[tilespmem:s5], [sflag:$0x1] =	stream.indirect.gather @!p0 [hbm4b:s4+s24], $0x80, s3, s24, $0xb8;
	[tilespmem:$0x12000] =	vst v63  }
0x35e: {  	_ =	swait.ge [sflag:s21], $0x600  }
0x35f: {  	[sflag:s21] =	ssyncset.done $0x0  }
0x360: {  	[sflag:s21] =	ssyncadd.s32 $0xFFFFFA00  }
0x361: {  	_ =	swait.ge [sflag:s21], $0x600  }
0x362: {  	[sflag:s21] =	ssyncset.done $0x0  }
0x363: {  	[sflag:s21] =	ssyncadd.s32 $0xFFFFFA00  }
0x364: {  	_ =	swait.ge [sflag:s21], $0x600  }
0x365: {  	[sflag:s21] =	ssyncset.done $0x0  }
0x366: {  	[sflag:s21] =	ssyncadd.s32 $0xFFFFFA00  }
0x367: {  	_ =	swait.ge [sflag:s21], $0x600  }
0x368: {  	[sflag:s21] =	ssyncset.done $0x0  }
0x369: {  	[sflag:s21] =	ssyncadd.s32 $0xFFFFFA00  }
0x36a: {  	_ =	swait.ge [sflag:s21], $0x600  }
0x36b: {  	[sflag:s21] =	ssyncset.done $0x0  }
0x36c: {  	[sflag:s21] =	ssyncadd.s32 $0xFFFFFA00  }
0x36d: {  	_ =	swait.ge [sflag:s21], $0x600  }
0x36e: {  	[sflag:s21] =	ssyncset.done $0x0  }
0x36f: {  	[sflag:s21] =	ssyncadd.s32 $0xFFFFFA00  }
0x370: {  	_ =	swait.ge [sflag:s21], $0x600  }
0x371: {  	[sflag:s21] =	ssyncset.done $0x0  }
0x372: {  	[sflag:s21] =	ssyncadd.s32 $0xFFFFFA00  }
0x373: {  	_ =	swait.ge [sflag:s21], $0x600  }
0x374: {  	[sflag:s21] =	ssyncset.done $0x0  }
0x375: {  	[sflag:s21] =	ssyncadd.s32 $0xFFFFFA00  }
0x376: {  	_ =	swait.ge [sflag:s21], $0x600  }
0x377: {  	[sflag:s21] =	ssyncset.done $0x0  }
0x378: {  	[sflag:s21] =	ssyncadd.s32 $0xFFFFFA00  }
0x379: {  	_ =	swait.ge [sflag:s21], $0x600  }
0x37a: {  	[sflag:s21] =	ssyncset.done $0x0  }
0x37b: {  	[sflag:s21] =	ssyncadd.s32 $0xFFFFFA00  }
0x37c: {  	_ =	swait.ge [sflag:s21], $0x600  }
0x37d: {  	[sflag:s21] =	ssyncset.done $0x0  }
0x37e: {  	[sflag:s21] =	ssyncadd.s32 $0xFFFFFA00  }
0x37f: {  	_ =	swait.ge [sflag:s21], $0x600  }
0x380: {  	[sflag:s21] =	ssyncset.done $0x0  }
0x381: {  	[sflag:s21] =	ssyncadd.s32 $0xFFFFFA00  }
0x382: {  	_ =	swait.ge [sflag:s21], $0x600  }
0x383: {  	[sflag:s21] =	ssyncset.done $0x0  }
0x384: {  	[sflag:s21] =	ssyncadd.s32 $0xFFFFFA00  }
0x385: {  	_ =	swait.ge [sflag:s21], $0x600  }
0x386: {  	[sflag:s21] =	ssyncset.done $0x0  }
0x387: {  	[sflag:s21] =	ssyncadd.s32 $0xFFFFFA00  }
0x388: {  	_ =	swait.ge [sflag:s21], $0x600  }
0x389: {  	[sflag:s21] =	ssyncset.done $0x0  }
0x38a: {  	[sflag:s21] =	ssyncadd.s32 $0xFFFFFA00  }
0x38b: {  	_ =	swait.ge [sflag:s21], $0x600  }
0x38c: {  	[sflag:s21] =	ssyncset.done $0x0  }
0x38d: {  	s6 =	sadd.s32 $0xFFFFFF80, s23;
	[sflag:s21] =	ssyncadd.s32 $0xFFFFFA00  }
0x38e: {  	[hbm4b:s6+s1] =	stream.linear.scatter [tilespmem:s30], [sflag:$0x3], $0x400, $0x38;
	[tilespmem:$0x12000] =	vst v63  }
0x38f: {  	s24 =	sadd.s32 $0x180, s23  }
0x390: {  	[hbm4b:s24+s1] =	stream.linear.scatter [tilespmem:s16], [sflag:$0x3], $0x400, $0x38;
	[tilespmem:$0x12000] =	vst v63  }
0x391: {  	s26 =	sadd.s32 $0x380, s23  }
0x392: {  	[hbm4b:s26+s1] =	stream.linear.scatter [tilespmem:s22], [sflag:$0x3], $0x400, $0x38;
	[tilespmem:$0x12000] =	vst v63  }
0x393: {  	s5 =	sadd.s32 $0x580, s23  }
0x394: {  	[hbm4b:s5+s1] =	stream.linear.scatter [tilespmem:s29], [sflag:$0x3], $0x400, $0x38;
	[tilespmem:$0x12000] =	vst v63  }
0x395: {  	s6 =	sadd.s32 $0x780, s23  }
0x396: {  	[hbm4b:s6+s1] =	stream.linear.scatter [tilespmem:s7], [sflag:$0x3], $0x400, $0x38;
	[tilespmem:$0x12000] =	vst v63  }
0x397: {  	s24 =	sadd.s32 $0x980, s23  }
0x398: {  	[hbm4b:s24+s1] =	stream.linear.scatter [tilespmem:s11], [sflag:$0x3], $0x400, $0x38;
	[tilespmem:$0x12000] =	vst v63  }
0x399: {  	s26 =	sadd.s32 $0xB80, s23  }
0x39a: {  	[hbm4b:s26+s1] =	stream.linear.scatter [tilespmem:s14], [sflag:$0x3], $0x400, $0x38;
	[tilespmem:$0x12000] =	vst v63  }
0x39b: {  	s5 =	sadd.s32 $0xD80, s23  }
0x39c: {  	[hbm4b:s5+s1] =	stream.linear.scatter [tilespmem:s17], [sflag:$0x3], $0x400, $0x38;
	[tilespmem:$0x12000] =	vst v63  }
0x39d: {  	s6 =	rddreg [dreg:$0x13];
	s24 =	sadd.s32 $0x80, s23  }
0x39e: {  	[hbm4b:s24+s1] =	stream.linear.scatter [tilespmem:s6], [sflag:$0x3], $0x200, $0x38;
	[tilespmem:$0x12000] =	vst v63  }
0x39f: {  	s26 =	rddreg [dreg:$0x14];
	s5 =	sadd.s32 $0x280, s23  }
0x3a0: {  	[hbm4b:s5+s1] =	stream.linear.scatter [tilespmem:s26], [sflag:$0x3], $0x200, $0x38;
	[tilespmem:$0x12000] =	vst v63  }
0x3a1: {  	s24 =	rddreg [dreg:$0x15];
	s26 =	sadd.s32 $0x480, s23  }
0x3a2: {  	[hbm4b:s26+s1] =	stream.linear.scatter [tilespmem:s24], [sflag:$0x3], $0x200, $0x38;
	[tilespmem:$0x12000] =	vst v63  }
0x3a3: {  	s6 =	rddreg [dreg:$0x16];
	s24 =	sadd.s32 $0x680, s23  }
0x3a4: {  	[hbm4b:s24+s1] =	stream.linear.scatter [tilespmem:s6], [sflag:$0x3], $0x200, $0x38;
	[tilespmem:$0x12000] =	vst v63  }
0x3a5: {  	s26 =	rddreg [dreg:$0x17];
	s6 =	sadd.s32 $0x880, s23  }
0x3a6: {  	[hbm4b:s6+s1] =	stream.linear.scatter [tilespmem:s26], [sflag:$0x3], $0x200, $0x38;
	[tilespmem:$0x12000] =	vst v63  }
0x3a7: {  	s24 =	rddreg [dreg:$0x18];
	s26 =	sadd.s32 $0xA80, s23  }
0x3a8: {  	[hbm4b:s26+s1] =	stream.linear.scatter [tilespmem:s24], [sflag:$0x3], $0x200, $0x38;
	[tilespmem:$0x12000] =	vst v63  }
0x3a9: {  	s5 =	rddreg [dreg:$0x19];
	s24 =	sadd.s32 $0xC80, s23  }
0x3aa: {  	[hbm4b:s24+s1] =	stream.linear.scatter [tilespmem:s5], [sflag:$0x3], $0x200, $0x38;
	[tilespmem:$0x12000] =	vst v63  }
0x3ab: {  	s26 =	rddreg [dreg:$0x1a];
	s5 =	sadd.s32 $0xE80, s23  }
0x3ac: {  	[hbm4b:s5+s1] =	stream.linear.scatter [tilespmem:s26], [sflag:$0x3], $0x200, $0x38;
	[tilespmem:$0x12000] =	vst v63  }
0x3ad: {  	_ =	swait.ge [sflag:s9], $0x3000  }
0x3ae: {  	[sflag:s9] =	ssyncset.done $0x0  }
0x3af: {  	[sflag:s9] =	ssyncadd.s32 $0xFFFFD000  }
0x3b0: {  	[hbm4b:s23+s1] =	stream.linear.scatter [tilespmem:s13], [sflag:$0x3], $0x400, $0x38;
	[tilespmem:$0x12000] =	vst v63  }
0x3b1: {  	s24 =	sadd.s32 $0x200, s23  }
0x3b2: {  	[hbm4b:s24+s1] =	stream.linear.scatter [tilespmem:s19], [sflag:$0x3], $0x400, $0x38;
	[tilespmem:$0x12000] =	vst v63  }
0x3b3: {  	s26 =	sadd.s32 $0x400, s23  }
0x3b4: {  	[hbm4b:s26+s1] =	stream.linear.scatter [tilespmem:s25], [sflag:$0x3], $0x400, $0x38;
	[tilespmem:$0x12000] =	vst v63  }
0x3b5: {  	s5 =	sadd.s32 $0x600, s23  }
0x3b6: {  	[hbm4b:s5+s1] =	stream.linear.scatter [tilespmem:s0], [sflag:$0x3], $0x400, $0x38;
	[tilespmem:$0x12000] =	vst v63  }
0x3b7: {  	s6 =	sadd.s32 $0x800, s23  }
0x3b8: {  	[hbm4b:s6+s1] =	stream.linear.scatter [tilespmem:s8], [sflag:$0x3], $0x400, $0x38;
	[tilespmem:$0x12000] =	vst v63  }
0x3b9: {  	s24 =	sadd.s32 $0xA00, s23  }
0x3ba: {  	[hbm4b:s24+s1] =	stream.linear.scatter [tilespmem:s12], [sflag:$0x3], $0x400, $0x38;
	[tilespmem:$0x12000] =	vst v63  }
0x3bb: {  	s26 =	sadd.s32 $0xC00, s23  }
0x3bc: {  	[hbm4b:s26+s1] =	stream.linear.scatter [tilespmem:s15], [sflag:$0x3], $0x400, $0x38;
	[tilespmem:$0x12000] =	vst v63  }
0x3bd: {  	s5 =	sadd.s32 $0xE00, s23;
	s6 =	rddreg [dreg:$0x1b]  }
0x3be: {  	[hbm4b:s5+s1] =	stream.linear.scatter [tilespmem:s18], [sflag:$0x3], $0x400, $0x38;
	[tilespmem:$0x12000] =	vst v63  }
0x3bf: {  	s24 =	sadd.s32 $0x100, s23;
	s26 =	rddreg [dreg:$0x1c]  }
0x3c0: {  	[hbm4b:s24+s1] =	stream.linear.scatter [tilespmem:s6], [sflag:$0x3], $0x200, $0x38;
	[tilespmem:$0x12000] =	vst v63  }
0x3c1: {  	s5 =	sadd.s32 $0x300, s23;
	s24 =	rddreg [dreg:$0x1d]  }
0x3c2: {  	[hbm4b:s5+s1] =	stream.linear.scatter [tilespmem:s26], [sflag:$0x3], $0x200, $0x38;
	[tilespmem:$0x12000] =	vst v63  }
0x3c3: {  	s6 =	rddreg [dreg:$0x1e];
	s26 =	sadd.s32 $0x500, s23  }
0x3c4: {  	[hbm4b:s26+s1] =	stream.linear.scatter [tilespmem:s24], [sflag:$0x3], $0x200, $0x38;
	[tilespmem:$0x12000] =	vst v63  }
0x3c5: {  	s24 =	sadd.s32 $0x700, s23;
	s26 =	rddreg [dreg:$0x1f]  }
0x3c6: {  	[hbm4b:s24+s1] =	stream.linear.scatter [tilespmem:s6], [sflag:$0x3], $0x200, $0x38;
	[tilespmem:$0x12000] =	vst v63  }
0x3c7: {  	s6 =	sadd.s32 $0x900, s23;
	s24 =	sld [smem:$0x7FB]  }
0x3c8: {  	[hbm4b:s6+s1] =	stream.linear.scatter [tilespmem:s26], [sflag:$0x3], $0x200, $0x38;
	[tilespmem:$0x12000] =	vst v63  }
0x3c9: {  	s5 =	sld [smem:$0x7FC];
	s26 =	sadd.s32 $0xB00, s23  }
0x3ca: {  	[hbm4b:s26+s1] =	stream.linear.scatter [tilespmem:s24], [sflag:$0x3], $0x200, $0x38;
	[tilespmem:$0x12000] =	vst v63  }
0x3cb: {  	s24 =	sadd.s32 $0xD00, s23;
	s26 =	sld [smem:$0x7FD]  }
0x3cc: {  	[hbm4b:s24+s1] =	stream.linear.scatter [tilespmem:s5], [sflag:$0x3], $0x200, $0x38;
	[tilespmem:$0x12000] =	vst v63  }
0x3cd: {  	s23 =	sadd.s32 $0xF00, s23  }
0x3ce: {  	[hbm4b:s23+s1] =	stream.linear.scatter [tilespmem:s26], [sflag:$0x3], $0x200, $0x38;
	[tilespmem:$0x12000] =	vst v63  }
0x3cf: {  	_ =	swait.ge [sflag:s9], $0x3000  }
0x3d0: {  	s24 =	sld [smem:$0x7F6]  }
0x3d1: {  	s26 =	sld [smem:$0x7F8];
	_ =	sdelay $0x1  }
0x3d2: {  	s5 =	sadd.s32 $0x1, s24  }
0x3d3: {  	p0 =	sne.s32 s5, s26  }
.Ltmp2:
0x3d4: {  	_ = 	snop;
	(pc) =	sbr.rel @p0 .LBB2_1-.Ltmp2, $4  }
0x3d5: {  	_ = 	snop  }
0x3d6: {  	s28 =	simm.s32 $0x6800;
	s31 =	simm.s32 $0x7000  }
0x3d7: {  	s30 =	simm.s32 $0x3000;
	s6 =	simm.s32 $0x2000;
	[sflag:s9] =	ssyncset.done $0x0  }
0x3d8: {  	[sflag:s9] =	ssyncadd.s32 $0xFFFFD000;
	s24 =	simm.s32 $0x2800;
	s26 =	simm.s32 $0x6000  }
0x3d9: {  	_ =	sfence.sel $0x180000  }
0x3da: {  	[bflag:$0x0] =	sbarrier.arrive $0xFFFF  }
0x3db: {  	_ =	strace $0x90000047  }
0x3dc: {  	s0 =	stileid.u32;
	[bflag:$0x2] =	sbarrier.arrive $0xFFFF  }
0x3dd: {  	p0 =	sne.s32 s0, $0x0;
	s0 =	rddreg [dreg:$0x2]  }
0x3de: {  	s0 =	sadd.s32 @!p0 $0x100000, s0  }
0x3df: {  	[sflag:s0] =	ssyncadd.tile.s32 @!p0 $0x1;
	_ =	shalt  }
.Lfunc_end2:
_tile_overlayer_lowered:
.L_overlay_start_2:
0x3e0: {  	(tag) =	ssettag $0x2  }
0x3e1: {  	s0 =	rddreg [dreg:$0x0];
	s2 =	stileid.u32  }
0x3e2: {  	s1 =	rddreg [dreg:$0x1];
	p0 =	sne.s32 s2, $0x0  }
0x3e3: {  	s3 =	rddreg [dreg:$0x2];
	[bflag:$0x3] =	sbarrier.arrive $0xFFFF;
	s2 =	simm.s32 @!p0 $0x1C03  }
0x3e4: {  	[timem:s3], [sflag:s2] =	dma.local @!p0 [hbm:s0], s1  }
0x3e5: {  	s0 =	simm.s32 @!p0 $0x3  }
0x3e6: {  	_ =	swait.ge @!p0 [sflag:s0], s1  }
0x3e7: {  	s1 =	ssub.s32 @!p0 $0x0, s1;
	[sflag:s0] =	ssyncset.done @!p0 $0x0  }
0x3e8: {  	[sflag:s0] =	ssyncadd.s32 @!p0 s1  }
0x3e9: {  	[bflag:$0x3] =	sbarrier.arrive $0xFFFF  }
0x3ea: {  	_ =	shalt  }

</sc_bundles>
